<compile_context>
chip_gen: v7x
topology: tpu7x:2x2x1
jax: 0.10.2.dev20260603
libtpu: 0.0.44.dev20260713+nightly
codegen_flags: <defaults>
</compile_context>

<pallas_src>
import jax
import jax.numpy as jnp
from jax import lax
from jax.experimental import pallas as pl
from jax.experimental.pallas import tpu as pltpu
from jax.experimental.pallas import tpu_sc as plsc

N_NODES = 50000
N_EDGES = 800000
PAYLOAD = 32

NUM_SUBCORES = 16
EDGES_PER_TILE = N_EDGES // NUM_SUBCORES
CHUNK = 400
CHUNKS_PER_TILE = EDGES_PER_TILE // CHUNK
GROUPS = CHUNK // 16
SCATTER_ROWS = 100
SCATTERS = CHUNK // SCATTER_ROWS
N_A = 50048
ROWS_PER_TILE = N_A // NUM_SUBCORES
ZCOPIES = ROWS_PER_TILE // CHUNK


def _sums_body(x_ref, o_ref):
    o_ref[...] = jnp.sum(x_ref[...], axis=1, keepdims=True)


def _node_sums(node_feats):
    n = node_feats.shape[0]
    out = pl.pallas_call(
        _sums_body,
        grid=(50,),
        in_specs=[pl.BlockSpec((n // 50, 128), lambda i: (i, 0))],
        out_specs=pl.BlockSpec((n // 50, 1), lambda i: (i, 0)),
        out_shape=jax.ShapeDtypeStruct((n, 1), jnp.float32),
    )(node_feats)
    return out.reshape(n)


def _sc_body(sums_hbm, snd_hbm, rcv_hbm, radial_hbm, a_hbm, comb_hbm,
             buf0, buf1, snd0, snd1, rcv0, rcv1, s0, s1, a_sh,
             lsem0, lsem1, dsem0, dsem1, ssem0, ssem1,
             nsem0, nsem1, rsem0, rsem1, asem0, asem1):
    s = lax.axis_index("s")
    c = lax.axis_index("c")
    zeros16 = jnp.zeros((16,), jnp.float32)
    lanes = lax.iota(jnp.int32, 16)
    e_base = s * EDGES_PER_TILE
    rz = s * ROWS_PER_TILE
    rad_hbm = radial_hbm.at[c]
    ach_hbm = a_hbm.at[c]
    cch_hbm = comb_hbm.at[c]
    bufs, snds, svs = (buf0, buf1), (snd0, snd1), (s0, s1)
    rcvs = (rcv0, rcv1)
    lsems, dsems, ssems = (lsem0, lsem1), (dsem0, dsem1), (ssem0, ssem1)
    nsems, rsems, asems = (nsem0, nsem1), (rsem0, rsem1), (asem0, asem1)

    def zrow(i, carry):
        buf0[i, pl.ds(0, 16)] = zeros16
        buf0[i, pl.ds(16, 16)] = zeros16
        return carry

    lax.fori_loop(0, CHUNK, zrow, 0)
    for i in range(ZCOPIES):
        pltpu.sync_copy(buf0.at[pl.ds(0, CHUNK)],
                        a_sh.at[pl.ds(rz + i * CHUNK, CHUNK)])
    rest = ROWS_PER_TILE - ZCOPIES * CHUNK
    pltpu.sync_copy(buf0.at[pl.ds(0, rest)],
                    a_sh.at[pl.ds(rz + ZCOPIES * CHUNK, rest)])

    plsc.subcore_barrier()

    def issue_loads(k, par):
        e0 = e_base + k * CHUNK
        pltpu.async_copy(rad_hbm.at[pl.ds(e0, CHUNK)], bufs[par],
                         lsems[par])
        pltpu.async_copy(snd_hbm.at[pl.ds(e0, CHUNK)], snds[par], nsems[par])
        pltpu.async_copy(rcv_hbm.at[pl.ds(e0, CHUNK)], rcvs[par], rsems[par])

    def wait_radial(k, par):
        e0 = e_base + k * CHUNK
        pltpu.make_async_copy(rad_hbm.at[pl.ds(e0, CHUNK)], bufs[par],
                              lsems[par]).wait()

    def wait_snd(k, par):
        e0 = e_base + k * CHUNK
        pltpu.make_async_copy(snd_hbm.at[pl.ds(e0, CHUNK)], snds[par],
                              nsems[par]).wait()

    def wait_rcv(k, par):
        e0 = e_base + k * CHUNK
        pltpu.make_async_copy(rcv_hbm.at[pl.ds(e0, CHUNK)], rcvs[par],
                              rsems[par]).wait()

    def issue_sgather(par):
        pltpu.async_copy(sums_hbm.at[snds[par]], svs[par], ssems[par])

    def wait_sgather(par):
        pltpu.make_async_copy(sums_hbm.at[snds[par]], svs[par],
                              ssems[par]).wait()

    def wait_drain(par):
        pltpu.make_async_copy(bufs[par], cch_hbm.at[pl.ds(0, CHUNK)],
                              dsems[par]).wait()

    def wait_scatter(par):
        pltpu.make_async_copy(bufs[par], a_sh.at[rcvs[par]],
                              asems[par]).wait()

    def process(k, par, issue_next, drain_guard):
        other = 1 - par
        if issue_next:
            if drain_guard is None:
                wait_drain(other)
                wait_scatter(other)
            else:
                @pl.when(drain_guard)
                def _():
                    wait_drain(other)
                    wait_scatter(other)
            issue_loads(k + 1, other)
        wait_radial(k, par)
        wait_rcv(k, par)
        wait_sgather(par)
        buf = bufs[par]
        sv = svs[par]

        def grp(g, gc):
            b = g * 16
            s16 = sv[pl.ds(b, 16)]
            rows = lanes + b
            for j in range(PAYLOAD):
                cols = jnp.full((16,), j, jnp.int32)
                v = plsc.load_gather(buf, [rows, cols])
                plsc.store_scatter(buf, [rows, cols], v * s16)
            return gc

        lax.fori_loop(0, GROUPS, grp, 0)
        e0 = e_base + k * CHUNK
        pltpu.async_copy(buf, cch_hbm.at[pl.ds(e0, CHUNK)], dsems[par])
        pltpu.async_copy(buf, a_sh.at[rcvs[par]], asems[par], add=True)
        if issue_next:
            wait_snd(k + 1, other)
            issue_sgather(other)

    issue_loads(0, 0)
    wait_snd(0, 0)
    issue_sgather(0)

    def outer(i, carry):
        k0 = 2 * i
        process(k0, 0, True, i > 0)
        process(k0 + 1, 1, True, None)
        return carry

    lax.fori_loop(0, (CHUNKS_PER_TILE - 1) // 2, outer, 0)
    process(CHUNKS_PER_TILE - 1, 0, False, None)
    wait_drain(0)
    wait_drain(1)
    wait_scatter(0)
    wait_scatter(1)
    plsc.subcore_barrier()
    pltpu.sync_copy(a_sh.at[pl.ds(rz, ROWS_PER_TILE)],
                    ach_hbm.at[pl.ds(rz, ROWS_PER_TILE)])


def _sc_run(sums, sender, rcv, radial):
    run = pl.kernel(
        _sc_body,
        out_type=[
            jax.ShapeDtypeStruct((2, N_A, PAYLOAD), jnp.float32),
            jax.ShapeDtypeStruct((2, N_EDGES, PAYLOAD), jnp.float32),
        ],
        mesh=plsc.VectorSubcoreMesh(core_axis_name="c", subcore_axis_name="s",
                                    num_cores=2),
        scratch_types=[
            pltpu.VMEM((CHUNK, PAYLOAD), jnp.float32),
            pltpu.VMEM((CHUNK, PAYLOAD), jnp.float32),
            pltpu.VMEM((CHUNK,), jnp.int32),
            pltpu.VMEM((CHUNK,), jnp.int32),
            pltpu.VMEM((CHUNK,), jnp.int32),
            pltpu.VMEM((CHUNK,), jnp.int32),
            pltpu.VMEM((CHUNK,), jnp.float32),
            pltpu.VMEM((CHUNK,), jnp.float32),
            pltpu.VMEM_SHARED((N_A, PAYLOAD), jnp.float32),
            pltpu.SemaphoreType.DMA,
            pltpu.SemaphoreType.DMA,
            pltpu.SemaphoreType.DMA,
            pltpu.SemaphoreType.DMA,
            pltpu.SemaphoreType.DMA,
            pltpu.SemaphoreType.DMA,
            pltpu.SemaphoreType.DMA,
            pltpu.SemaphoreType.DMA,
            pltpu.SemaphoreType.DMA,
            pltpu.SemaphoreType.DMA,
            pltpu.SemaphoreType.DMA,
            pltpu.SemaphoreType.DMA,
        ],
        compiler_params=pltpu.CompilerParams(
            needs_layout_passes=False, use_tc_tiling_on_sc=False),
    )
    return run(sums, sender, rcv, radial)


def kernel(edge_index, radial_feature, node_feats):
    e = radial_feature.shape[1]
    k, i, j = radial_feature.shape[2:]
    n = node_feats.shape[0]
    sender = edge_index[0].astype(jnp.int32)
    receiver = edge_index[1].astype(jnp.int32)
    radial = radial_feature.reshape(2, e, k * i * j)
    sums = _node_sums(node_feats)
    a, comb = _sc_run(sums, sender, receiver, radial)
    return (
        a[0, :n].reshape(n, k, i, j),
        a[1, :n].reshape(n, k, i, j),
        comb[0].reshape(e, k, i, j),
        comb[1].reshape(e, k, i, j),
    )

# --- scband reference (transcript-rebuilt; emitter-appended) ---
"""Pipeline reference for scband-atomic-base-block-4544075399635 (READ-ONLY COPY).

The authoritative reference and input builder live on the scoring server;
editing this copy changes nothing except your own understanding.
"""

import jax, jax.numpy as jnp
import numpy as np

N_NODES = 50000
N_EDGES = 800000
K, I, J = 8, 2, 2
D_FEAT = 128


def setup_inputs(seed: int = 0) -> dict:
    key = jax.random.key(seed)
    k1, k2, k3 = jax.random.split(key, 3)
    edge_index = jax.random.randint(k1, (2, N_EDGES), 0, N_NODES)
    radial_feature = jax.random.normal(k2, (2, N_EDGES, K, I, J), dtype=jnp.float32)
    node_feats = jax.random.normal(k3, (N_NODES, D_FEAT), dtype=jnp.float32)
    return {"edge_index": edge_index, "radial_feature": radial_feature, "node_feats": node_feats}


def reference(edge_index, radial_feature, node_feats):
    # Faithful translation of AtomicBaseBlock.forward.
    # torch.einsum('bkij,bl -> bkij', radial, node_feats[sender]) sums over l,
    # i.e. scales each per-edge radial block by sum_l node_feats[sender, l].
    sender = edge_index[0]
    receiver = edge_index[1]
    num_nodes = node_feats.shape[0]
    gathered = jnp.take(node_feats, sender, axis=0)  # [E, D_FEAT]
    s = jnp.sum(gathered, axis=1)  # [E]
    combined_r = jnp.einsum('bkij,b->bkij', radial_feature[0], s)
    combined_i = jnp.einsum('bkij,b->bkij', radial_feature[1], s)
    A_nlm_real = jax.ops.segment_sum(combined_r, receiver, num_segments=num_nodes)
    A_nlm_imag = jax.ops.segment_sum(combined_i, receiver, num_segments=num_nodes)
    # ((node_feats_out), (edge_feats)) flattened as a tuple of arrays
    return (A_nlm_real, A_nlm_imag, combined_r, combined_i)

if __name__ == "__main__":
    import jax
    _d = setup_inputs()
    print(jax.jit(kernel)(*tuple(_d.values())))

</pallas_src>

<mosaic_0001>
#map = affine_map<(d0, d1) -> (0)>
#map1 = affine_map<(d0, d1) -> (0, 0, 0)>
module attributes {stable_mosaic.version = 14 : i64} {
  func.func @_sc_body(%arg0: i32, %arg1: i32, %arg2: memref<50000xf32, #tpu.memory_space<hbm>>, %arg3: memref<800000xi32, #tpu.memory_space<hbm>>, %arg4: memref<800000xi32, #tpu.memory_space<hbm>>, %arg5: memref<2x800000x32xf32, #tpu.memory_space<hbm>>, %arg6: memref<2x50048x32xf32, #tpu.memory_space<hbm>>, %arg7: memref<2x800000x32xf32, #tpu.memory_space<hbm>>, %arg8: memref<400x32xf32, #tpu.memory_space<vmem>>, %arg9: memref<400x32xf32, #tpu.memory_space<vmem>>, %arg10: memref<400xi32, #tpu.memory_space<vmem>>, %arg11: memref<400xi32, #tpu.memory_space<vmem>>, %arg12: memref<400xi32, #tpu.memory_space<vmem>>, %arg13: memref<400xi32, #tpu.memory_space<vmem>>, %arg14: memref<400xf32, #tpu.memory_space<vmem>>, %arg15: memref<400xf32, #tpu.memory_space<vmem>>, %arg16: memref<50048x32xf32, #tpu.memory_space<vmem_shared>>, %arg17: memref<!tpu.dma_semaphore, #tpu.memory_space<semaphore_mem>>, %arg18: memref<!tpu.dma_semaphore, #tpu.memory_space<semaphore_mem>>, %arg19: memref<!tpu.dma_semaphore, #tpu.memory_space<semaphore_mem>>, %arg20: memref<!tpu.dma_semaphore, #tpu.memory_space<semaphore_mem>>, %arg21: memref<!tpu.dma_semaphore, #tpu.memory_space<semaphore_mem>>, %arg22: memref<!tpu.dma_semaphore, #tpu.memory_space<semaphore_mem>>, %arg23: memref<!tpu.dma_semaphore, #tpu.memory_space<semaphore_mem>>, %arg24: memref<!tpu.dma_semaphore, #tpu.memory_space<semaphore_mem>>, %arg25: memref<!tpu.dma_semaphore, #tpu.memory_space<semaphore_mem>>, %arg26: memref<!tpu.dma_semaphore, #tpu.memory_space<semaphore_mem>>, %arg27: memref<!tpu.dma_semaphore, #tpu.memory_space<semaphore_mem>>, %arg28: memref<!tpu.dma_semaphore, #tpu.memory_space<semaphore_mem>>) attributes {dimension_semantics = [#tpu.dimension_semantics<core_parallel>, #tpu.dimension_semantics<subcore_parallel>], iteration_bounds = array<i64: 2, 16>, scalar_prefetch = 0 : i64, scratch_operands = 21 : i64, tpu.core_type = #tpu.core_type<sc_vector_subcore>, window_params = [{transform_indices = #map}, {transform_indices = #map}, {transform_indices = #map}, {transform_indices = #map1}, {transform_indices = #map1}, {transform_indices = #map1}]} {
    %broadcast_in_dim3A = arith.constant 0.000000e+00 : f32
    %broadcast_in_dim3A_0 = vector.broadcast %broadcast_in_dim3A : f32 to vector<16xf32>
    %iota3A = tpu.iota {dimensions = array<i32: 0>} : vector<16xi32>
    %mul3A = arith.constant 50000 : i32
    %mul3A_1 = arith.muli %arg1, %mul3A : i32
    %mul3A_2 = arith.constant 3128 : i32
    %mul3A_3 = arith.muli %arg1, %mul3A_2 : i32
    %scan3A = arith.constant 0 : i32
    %scan3A_4 = arith.constant 0 : i32
    %scan3A_5 = arith.constant 400 : i32
    %scan3A_6 = arith.addi %scan3A_4, %scan3A_5 : i32
    %scan3A_7 = arith.constant 1 : i32
    scf.for %scan3A_130 = %scan3A_4 to %scan3A_6 step %scan3A_7  : i32 {
      %swap3A = arith.index_cast %scan3A_130 : i32 to index
      %swap3A_131 = arith.constant 0 : index
      %swap3A_132 = tpu.vector_load %arg8[%swap3A, %swap3A_131] {strides = array<i32>} : memref<400x32xf32, #tpu.memory_space<vmem>>, vector<16xf32>,
      tpu.vector_store %arg8[%swap3A, %swap3A_131], %broadcast_in_dim3A_0 {strides = array<i32>} : memref<400x32xf32, #tpu.memory_space<vmem>>, vector<16xf32>,
      %swap3A_133 = arith.index_cast %scan3A_130 : i32 to index
      %swap3A_134 = arith.constant 16 : index
      %swap3A_135 = tpu.vector_load %arg8[%swap3A_133, %swap3A_134] {strides = array<i32>} : memref<400x32xf32, #tpu.memory_space<vmem>>, vector<16xf32>,
      tpu.vector_store %arg8[%swap3A_133, %swap3A_134], %broadcast_in_dim3A_0 {strides = array<i32>} : memref<400x32xf32, #tpu.memory_space<vmem>>, vector<16xf32>,
    }
    %scan3A_8 = arith.constant 400 : i32
    %add3A = arith.constant 0 : i32
    %add3A_9 = arith.addi %mul3A_3, %add3A : i32
    "tpu.region"() ({
      %run_scoped3A = tpu.sem_alloc : memref<!tpu.dma_semaphore, #tpu.memory_space<semaphore_mem>>
      %dma_start3A_130 = arith.constant 0 : i32
      %dma_start3A_131 = arith.constant 0 : i32
      %dma_start3A_132 = tpu.memref_slice %arg8[%dma_start3A_130, %dma_start3A_131] : memref<400x32xf32, #tpu.memory_space<vmem>> -> memref<400x32xf32, #tpu.memory_space<vmem>>
      %dma_start3A_133 = arith.constant 0 : i32
      %dma_start3A_134 = tpu.memref_slice %arg16[%add3A_9, %dma_start3A_133] : memref<50048x32xf32, #tpu.memory_space<vmem_shared>> -> memref<400x32xf32, #tpu.memory_space<vmem_shared>>
      %dma_start3A_135 = arith.constant 0 : i32
      %dma_start3A_136 = tpu.memref_slice %arg16[%add3A_9, %dma_start3A_135] : memref<50048x32xf32, #tpu.memory_space<vmem_shared>> -> memref<400x32xf32, #tpu.memory_space<vmem_shared>>
      %dma_start3A_137 = arith.constant 0 : i32
      %dma_start3A_138 = arith.constant 0 : i32
      %dma_start3A_139 = tpu.memref_slice %arg8[%dma_start3A_137, %dma_start3A_138] : memref<400x32xf32, #tpu.memory_space<vmem>> -> memref<400x32xf32, #tpu.memory_space<vmem>>
      tpu.enqueue_dma source(%dma_start3A_139 : memref<400x32xf32, #tpu.memory_space<vmem>>) target(%dma_start3A_136 : memref<400x32xf32, #tpu.memory_space<vmem_shared>>) target_semaphore(%run_scoped3A : memref<!tpu.dma_semaphore, #tpu.memory_space<semaphore_mem>>)
      %dma_wait3A_140 = arith.constant 0 : i32
      %dma_wait3A_141 = arith.constant 0 : i32
      %dma_wait3A_142 = tpu.memref_slice %arg8[%dma_wait3A_140, %dma_wait3A_141] : memref<400x32xf32, #tpu.memory_space<vmem>> -> memref<400x32xf32, #tpu.memory_space<vmem>>
      %dma_wait3A_143 = arith.constant 0 : i32
      %dma_wait3A_144 = tpu.memref_slice %arg16[%add3A_9, %dma_wait3A_143] : memref<50048x32xf32, #tpu.memory_space<vmem_shared>> -> memref<400x32xf32, #tpu.memory_space<vmem_shared>>
      %dma_wait3A_145 = arith.constant 0 : i32
      %dma_wait3A_146 = tpu.memref_slice %arg16[%add3A_9, %dma_wait3A_145] : memref<50048x32xf32, #tpu.memory_space<vmem_shared>> -> memref<400x32xf32, #tpu.memory_space<vmem_shared>>
      %dma_wait3A_147 = arith.constant 0 : i32
      %dma_wait3A_148 = arith.constant 0 : i32
      %dma_wait3A_149 = tpu.memref_slice %arg8[%dma_wait3A_147, %dma_wait3A_148] : memref<400x32xf32, #tpu.memory_space<vmem>> -> memref<400x32xf32, #tpu.memory_space<vmem>>
      tpu.wait_dma2 semaphore(%run_scoped3A : memref<!tpu.dma_semaphore, #tpu.memory_space<semaphore_mem>>) src(%dma_wait3A_149 : memref<400x32xf32, #tpu.memory_space<vmem>>) dst(%dma_wait3A_146 : memref<400x32xf32, #tpu.memory_space<vmem_shared>>)
      tpu.yield
    }) : () -> ()
    %add3A_10 = arith.constant 400 : i32
    %add3A_11 = arith.addi %mul3A_3, %add3A_10 : i32
    "tpu.region"() ({
      %run_scoped3A = tpu.sem_alloc : memref<!tpu.dma_semaphore, #tpu.memory_space<semaphore_mem>>
      %dma_start3A_130 = arith.constant 0 : i32
      %dma_start3A_131 = arith.constant 0 : i32
      %dma_start3A_132 = tpu.memref_slice %arg8[%dma_start3A_130, %dma_start3A_131] : memref<400x32xf32, #tpu.memory_space<vmem>> -> memref<400x32xf32, #tpu.memory_space<vmem>>
      %dma_start3A_133 = arith.constant 0 : i32
      %dma_start3A_134 = tpu.memref_slice %arg16[%add3A_11, %dma_start3A_133] : memref<50048x32xf32, #tpu.memory_space<vmem_shared>> -> memref<400x32xf32, #tpu.memory_space<vmem_shared>>
      %dma_start3A_135 = arith.constant 0 : i32
      %dma_start3A_136 = tpu.memref_slice %arg16[%add3A_11, %dma_start3A_135] : memref<50048x32xf32, #tpu.memory_space<vmem_shared>> -> memref<400x32xf32, #tpu.memory_space<vmem_shared>>
      %dma_start3A_137 = arith.constant 0 : i32
      %dma_start3A_138 = arith.constant 0 : i32
      %dma_start3A_139 = tpu.memref_slice %arg8[%dma_start3A_137, %dma_start3A_138] : memref<400x32xf32, #tpu.memory_space<vmem>> -> memref<400x32xf32, #tpu.memory_space<vmem>>
      tpu.enqueue_dma source(%dma_start3A_139 : memref<400x32xf32, #tpu.memory_space<vmem>>) target(%dma_start3A_136 : memref<400x32xf32, #tpu.memory_space<vmem_shared>>) target_semaphore(%run_scoped3A : memref<!tpu.dma_semaphore, #tpu.memory_space<semaphore_mem>>)
      %dma_wait3A_140 = arith.constant 0 : i32
      %dma_wait3A_141 = arith.constant 0 : i32
      %dma_wait3A_142 = tpu.memref_slice %arg8[%dma_wait3A_140, %dma_wait3A_141] : memref<400x32xf32, #tpu.memory_space<vmem>> -> memref<400x32xf32, #tpu.memory_space<vmem>>
      %dma_wait3A_143 = arith.constant 0 : i32
      %dma_wait3A_144 = tpu.memref_slice %arg16[%add3A_11, %dma_wait3A_143] : memref<50048x32xf32, #tpu.memory_space<vmem_shared>> -> memref<400x32xf32, #tpu.memory_space<vmem_shared>>
      %dma_wait3A_145 = arith.constant 0 : i32
      %dma_wait3A_146 = tpu.memref_slice %arg16[%add3A_11, %dma_wait3A_145] : memref<50048x32xf32, #tpu.memory_space<vmem_shared>> -> memref<400x32xf32, #tpu.memory_space<vmem_shared>>
      %dma_wait3A_147 = arith.constant 0 : i32
      %dma_wait3A_148 = arith.constant 0 : i32
      %dma_wait3A_149 = tpu.memref_slice %arg8[%dma_wait3A_147, %dma_wait3A_148] : memref<400x32xf32, #tpu.memory_space<vmem>> -> memref<400x32xf32, #tpu.memory_space<vmem>>
      tpu.wait_dma2 semaphore(%run_scoped3A : memref<!tpu.dma_semaphore, #tpu.memory_space<semaphore_mem>>) src(%dma_wait3A_149 : memref<400x32xf32, #tpu.memory_space<vmem>>) dst(%dma_wait3A_146 : memref<400x32xf32, #tpu.memory_space<vmem_shared>>)
      tpu.yield
    }) : () -> ()
    %add3A_12 = arith.constant 800 : i32
    %add3A_13 = arith.addi %mul3A_3, %add3A_12 : i32
    "tpu.region"() ({
      %run_scoped3A = tpu.sem_alloc : memref<!tpu.dma_semaphore, #tpu.memory_space<semaphore_mem>>
      %dma_start3A_130 = arith.constant 0 : i32
      %dma_start3A_131 = arith.constant 0 : i32
      %dma_start3A_132 = tpu.memref_slice %arg8[%dma_start3A_130, %dma_start3A_131] : memref<400x32xf32, #tpu.memory_space<vmem>> -> memref<400x32xf32, #tpu.memory_space<vmem>>
      %dma_start3A_133 = arith.constant 0 : i32
      %dma_start3A_134 = tpu.memref_slice %arg16[%add3A_13, %dma_start3A_133] : memref<50048x32xf32, #tpu.memory_space<vmem_shared>> -> memref<400x32xf32, #tpu.memory_space<vmem_shared>>
      %dma_start3A_135 = arith.constant 0 : i32
      %dma_start3A_136 = tpu.memref_slice %arg16[%add3A_13, %dma_start3A_135] : memref<50048x32xf32, #tpu.memory_space<vmem_shared>> -> memref<400x32xf32, #tpu.memory_space<vmem_shared>>
      %dma_start3A_137 = arith.constant 0 : i32
      %dma_start3A_138 = arith.constant 0 : i32
      %dma_start3A_139 = tpu.memref_slice %arg8[%dma_start3A_137, %dma_start3A_138] : memref<400x32xf32, #tpu.memory_space<vmem>> -> memref<400x32xf32, #tpu.memory_space<vmem>>
      tpu.enqueue_dma source(%dma_start3A_139 : memref<400x32xf32, #tpu.memory_space<vmem>>) target(%dma_start3A_136 : memref<400x32xf32, #tpu.memory_space<vmem_shared>>) target_semaphore(%run_scoped3A : memref<!tpu.dma_semaphore, #tpu.memory_space<semaphore_mem>>)
      %dma_wait3A_140 = arith.constant 0 : i32
      %dma_wait3A_141 = arith.constant 0 : i32
      %dma_wait3A_142 = tpu.memref_slice %arg8[%dma_wait3A_140, %dma_wait3A_141] : memref<400x32xf32, #tpu.memory_space<vmem>> -> memref<400x32xf32, #tpu.memory_space<vmem>>
      %dma_wait3A_143 = arith.constant 0 : i32
      %dma_wait3A_144 = tpu.memref_slice %arg16[%add3A_13, %dma_wait3A_143] : memref<50048x32xf32, #tpu.memory_space<vmem_shared>> -> memref<400x32xf32, #tpu.memory_space<vmem_shared>>
      %dma_wait3A_145 = arith.constant 0 : i32
      %dma_wait3A_146 = tpu.memref_slice %arg16[%add3A_13, %dma_wait3A_145] : memref<50048x32xf32, #tpu.memory_space<vmem_shared>> -> memref<400x32xf32, #tpu.memory_space<vmem_shared>>
      %dma_wait3A_147 = arith.constant 0 : i32
      %dma_wait3A_148 = arith.constant 0 : i32
      %dma_wait3A_149 = tpu.memref_slice %arg8[%dma_wait3A_147, %dma_wait3A_148] : memref<400x32xf32, #tpu.memory_space<vmem>> -> memref<400x32xf32, #tpu.memory_space<vmem>>
      tpu.wait_dma2 semaphore(%run_scoped3A : memref<!tpu.dma_semaphore, #tpu.memory_space<semaphore_mem>>) src(%dma_wait3A_149 : memref<400x32xf32, #tpu.memory_space<vmem>>) dst(%dma_wait3A_146 : memref<400x32xf32, #tpu.memory_space<vmem_shared>>)
      tpu.yield
    }) : () -> ()
    %add3A_14 = arith.constant 1200 : i32
    %add3A_15 = arith.addi %mul3A_3, %add3A_14 : i32
    "tpu.region"() ({
      %run_scoped3A = tpu.sem_alloc : memref<!tpu.dma_semaphore, #tpu.memory_space<semaphore_mem>>
      %dma_start3A_130 = arith.constant 0 : i32
      %dma_start3A_131 = arith.constant 0 : i32
      %dma_start3A_132 = tpu.memref_slice %arg8[%dma_start3A_130, %dma_start3A_131] : memref<400x32xf32, #tpu.memory_space<vmem>> -> memref<400x32xf32, #tpu.memory_space<vmem>>
      %dma_start3A_133 = arith.constant 0 : i32
      %dma_start3A_134 = tpu.memref_slice %arg16[%add3A_15, %dma_start3A_133] : memref<50048x32xf32, #tpu.memory_space<vmem_shared>> -> memref<400x32xf32, #tpu.memory_space<vmem_shared>>
      %dma_start3A_135 = arith.constant 0 : i32
      %dma_start3A_136 = tpu.memref_slice %arg16[%add3A_15, %dma_start3A_135] : memref<50048x32xf32, #tpu.memory_space<vmem_shared>> -> memref<400x32xf32, #tpu.memory_space<vmem_shared>>
      %dma_start3A_137 = arith.constant 0 : i32
      %dma_start3A_138 = arith.constant 0 : i32
      %dma_start3A_139 = tpu.memref_slice %arg8[%dma_start3A_137, %dma_start3A_138] : memref<400x32xf32, #tpu.memory_space<vmem>> -> memref<400x32xf32, #tpu.memory_space<vmem>>
      tpu.enqueue_dma source(%dma_start3A_139 : memref<400x32xf32, #tpu.memory_space<vmem>>) target(%dma_start3A_136 : memref<400x32xf32, #tpu.memory_space<vmem_shared>>) target_semaphore(%run_scoped3A : memref<!tpu.dma_semaphore, #tpu.memory_space<semaphore_mem>>)
      %dma_wait3A_140 = arith.constant 0 : i32
      %dma_wait3A_141 = arith.constant 0 : i32
      %dma_wait3A_142 = tpu.memref_slice %arg8[%dma_wait3A_140, %dma_wait3A_141] : memref<400x32xf32, #tpu.memory_space<vmem>> -> memref<400x32xf32, #tpu.memory_space<vmem>>
      %dma_wait3A_143 = arith.constant 0 : i32
      %dma_wait3A_144 = tpu.memref_slice %arg16[%add3A_15, %dma_wait3A_143] : memref<50048x32xf32, #tpu.memory_space<vmem_shared>> -> memref<400x32xf32, #tpu.memory_space<vmem_shared>>
      %dma_wait3A_145 = arith.constant 0 : i32
      %dma_wait3A_146 = tpu.memref_slice %arg16[%add3A_15, %dma_wait3A_145] : memref<50048x32xf32, #tpu.memory_space<vmem_shared>> -> memref<400x32xf32, #tpu.memory_space<vmem_shared>>
      %dma_wait3A_147 = arith.constant 0 : i32
      %dma_wait3A_148 = arith.constant 0 : i32
      %dma_wait3A_149 = tpu.memref_slice %arg8[%dma_wait3A_147, %dma_wait3A_148] : memref<400x32xf32, #tpu.memory_space<vmem>> -> memref<400x32xf32, #tpu.memory_space<vmem>>
      tpu.wait_dma2 semaphore(%run_scoped3A : memref<!tpu.dma_semaphore, #tpu.memory_space<semaphore_mem>>) src(%dma_wait3A_149 : memref<400x32xf32, #tpu.memory_space<vmem>>) dst(%dma_wait3A_146 : memref<400x32xf32, #tpu.memory_space<vmem_shared>>)
      tpu.yield
    }) : () -> ()
    %add3A_16 = arith.constant 1600 : i32
    %add3A_17 = arith.addi %mul3A_3, %add3A_16 : i32
    "tpu.region"() ({
      %run_scoped3A = tpu.sem_alloc : memref<!tpu.dma_semaphore, #tpu.memory_space<semaphore_mem>>
      %dma_start3A_130 = arith.constant 0 : i32
      %dma_start3A_131 = arith.constant 0 : i32
      %dma_start3A_132 = tpu.memref_slice %arg8[%dma_start3A_130, %dma_start3A_131] : memref<400x32xf32, #tpu.memory_space<vmem>> -> memref<400x32xf32, #tpu.memory_space<vmem>>
      %dma_start3A_133 = arith.constant 0 : i32
      %dma_start3A_134 = tpu.memref_slice %arg16[%add3A_17, %dma_start3A_133] : memref<50048x32xf32, #tpu.memory_space<vmem_shared>> -> memref<400x32xf32, #tpu.memory_space<vmem_shared>>
      %dma_start3A_135 = arith.constant 0 : i32
      %dma_start3A_136 = tpu.memref_slice %arg16[%add3A_17, %dma_start3A_135] : memref<50048x32xf32, #tpu.memory_space<vmem_shared>> -> memref<400x32xf32, #tpu.memory_space<vmem_shared>>
      %dma_start3A_137 = arith.constant 0 : i32
      %dma_start3A_138 = arith.constant 0 : i32
      %dma_start3A_139 = tpu.memref_slice %arg8[%dma_start3A_137, %dma_start3A_138] : memref<400x32xf32, #tpu.memory_space<vmem>> -> memref<400x32xf32, #tpu.memory_space<vmem>>
      tpu.enqueue_dma source(%dma_start3A_139 : memref<400x32xf32, #tpu.memory_space<vmem>>) target(%dma_start3A_136 : memref<400x32xf32, #tpu.memory_space<vmem_shared>>) target_semaphore(%run_scoped3A : memref<!tpu.dma_semaphore, #tpu.memory_space<semaphore_mem>>)
      %dma_wait3A_140 = arith.constant 0 : i32
      %dma_wait3A_141 = arith.constant 0 : i32
      %dma_wait3A_142 = tpu.memref_slice %arg8[%dma_wait3A_140, %dma_wait3A_141] : memref<400x32xf32, #tpu.memory_space<vmem>> -> memref<400x32xf32, #tpu.memory_space<vmem>>
      %dma_wait3A_143 = arith.constant 0 : i32
      %dma_wait3A_144 = tpu.memref_slice %arg16[%add3A_17, %dma_wait3A_143] : memref<50048x32xf32, #tpu.memory_space<vmem_shared>> -> memref<400x32xf32, #tpu.memory_space<vmem_shared>>
      %dma_wait3A_145 = arith.constant 0 : i32
      %dma_wait3A_146 = tpu.memref_slice %arg16[%add3A_17, %dma_wait3A_145] : memref<50048x32xf32, #tpu.memory_space<vmem_shared>> -> memref<400x32xf32, #tpu.memory_space<vmem_shared>>
      %dma_wait3A_147 = arith.constant 0 : i32
      %dma_wait3A_148 = arith.constant 0 : i32
      %dma_wait3A_149 = tpu.memref_slice %arg8[%dma_wait3A_147, %dma_wait3A_148] : memref<400x32xf32, #tpu.memory_space<vmem>> -> memref<400x32xf32, #tpu.memory_space<vmem>>
      tpu.wait_dma2 semaphore(%run_scoped3A : memref<!tpu.dma_semaphore, #tpu.memory_space<semaphore_mem>>) src(%dma_wait3A_149 : memref<400x32xf32, #tpu.memory_space<vmem>>) dst(%dma_wait3A_146 : memref<400x32xf32, #tpu.memory_space<vmem_shared>>)
      tpu.yield
    }) : () -> ()
    %add3A_18 = arith.constant 2000 : i32
    %add3A_19 = arith.addi %mul3A_3, %add3A_18 : i32
    "tpu.region"() ({
      %run_scoped3A = tpu.sem_alloc : memref<!tpu.dma_semaphore, #tpu.memory_space<semaphore_mem>>
      %dma_start3A_130 = arith.constant 0 : i32
      %dma_start3A_131 = arith.constant 0 : i32
      %dma_start3A_132 = tpu.memref_slice %arg8[%dma_start3A_130, %dma_start3A_131] : memref<400x32xf32, #tpu.memory_space<vmem>> -> memref<400x32xf32, #tpu.memory_space<vmem>>
      %dma_start3A_133 = arith.constant 0 : i32
      %dma_start3A_134 = tpu.memref_slice %arg16[%add3A_19, %dma_start3A_133] : memref<50048x32xf32, #tpu.memory_space<vmem_shared>> -> memref<400x32xf32, #tpu.memory_space<vmem_shared>>
      %dma_start3A_135 = arith.constant 0 : i32
      %dma_start3A_136 = tpu.memref_slice %arg16[%add3A_19, %dma_start3A_135] : memref<50048x32xf32, #tpu.memory_space<vmem_shared>> -> memref<400x32xf32, #tpu.memory_space<vmem_shared>>
      %dma_start3A_137 = arith.constant 0 : i32
      %dma_start3A_138 = arith.constant 0 : i32
      %dma_start3A_139 = tpu.memref_slice %arg8[%dma_start3A_137, %dma_start3A_138] : memref<400x32xf32, #tpu.memory_space<vmem>> -> memref<400x32xf32, #tpu.memory_space<vmem>>
      tpu.enqueue_dma source(%dma_start3A_139 : memref<400x32xf32, #tpu.memory_space<vmem>>) target(%dma_start3A_136 : memref<400x32xf32, #tpu.memory_space<vmem_shared>>) target_semaphore(%run_scoped3A : memref<!tpu.dma_semaphore, #tpu.memory_space<semaphore_mem>>)
      %dma_wait3A_140 = arith.constant 0 : i32
      %dma_wait3A_141 = arith.constant 0 : i32
      %dma_wait3A_142 = tpu.memref_slice %arg8[%dma_wait3A_140, %dma_wait3A_141] : memref<400x32xf32, #tpu.memory_space<vmem>> -> memref<400x32xf32, #tpu.memory_space<vmem>>
      %dma_wait3A_143 = arith.constant 0 : i32
      %dma_wait3A_144 = tpu.memref_slice %arg16[%add3A_19, %dma_wait3A_143] : memref<50048x32xf32, #tpu.memory_space<vmem_shared>> -> memref<400x32xf32, #tpu.memory_space<vmem_shared>>
      %dma_wait3A_145 = arith.constant 0 : i32
      %dma_wait3A_146 = tpu.memref_slice %arg16[%add3A_19, %dma_wait3A_145] : memref<50048x32xf32, #tpu.memory_space<vmem_shared>> -> memref<400x32xf32, #tpu.memory_space<vmem_shared>>
      %dma_wait3A_147 = arith.constant 0 : i32
      %dma_wait3A_148 = arith.constant 0 : i32
      %dma_wait3A_149 = tpu.memref_slice %arg8[%dma_wait3A_147, %dma_wait3A_148] : memref<400x32xf32, #tpu.memory_space<vmem>> -> memref<400x32xf32, #tpu.memory_space<vmem>>
      tpu.wait_dma2 semaphore(%run_scoped3A : memref<!tpu.dma_semaphore, #tpu.memory_space<semaphore_mem>>) src(%dma_wait3A_149 : memref<400x32xf32, #tpu.memory_space<vmem>>) dst(%dma_wait3A_146 : memref<400x32xf32, #tpu.memory_space<vmem_shared>>)
      tpu.yield
    }) : () -> ()
    %add3A_20 = arith.constant 2400 : i32
    %add3A_21 = arith.addi %mul3A_3, %add3A_20 : i32
    "tpu.region"() ({
      %run_scoped3A = tpu.sem_alloc : memref<!tpu.dma_semaphore, #tpu.memory_space<semaphore_mem>>
      %dma_start3A_130 = arith.constant 0 : i32
      %dma_start3A_131 = arith.constant 0 : i32
      %dma_start3A_132 = tpu.memref_slice %arg8[%dma_start3A_130, %dma_start3A_131] : memref<400x32xf32, #tpu.memory_space<vmem>> -> memref<400x32xf32, #tpu.memory_space<vmem>>
      %dma_start3A_133 = arith.constant 0 : i32
      %dma_start3A_134 = tpu.memref_slice %arg16[%add3A_21, %dma_start3A_133] : memref<50048x32xf32, #tpu.memory_space<vmem_shared>> -> memref<400x32xf32, #tpu.memory_space<vmem_shared>>
      %dma_start3A_135 = arith.constant 0 : i32
      %dma_start3A_136 = tpu.memref_slice %arg16[%add3A_21, %dma_start3A_135] : memref<50048x32xf32, #tpu.memory_space<vmem_shared>> -> memref<400x32xf32, #tpu.memory_space<vmem_shared>>
      %dma_start3A_137 = arith.constant 0 : i32
      %dma_start3A_138 = arith.constant 0 : i32
      %dma_start3A_139 = tpu.memref_slice %arg8[%dma_start3A_137, %dma_start3A_138] : memref<400x32xf32, #tpu.memory_space<vmem>> -> memref<400x32xf32, #tpu.memory_space<vmem>>
      tpu.enqueue_dma source(%dma_start3A_139 : memref<400x32xf32, #tpu.memory_space<vmem>>) target(%dma_start3A_136 : memref<400x32xf32, #tpu.memory_space<vmem_shared>>) target_semaphore(%run_scoped3A : memref<!tpu.dma_semaphore, #tpu.memory_space<semaphore_mem>>)
      %dma_wait3A_140 = arith.constant 0 : i32
      %dma_wait3A_141 = arith.constant 0 : i32
      %dma_wait3A_142 = tpu.memref_slice %arg8[%dma_wait3A_140, %dma_wait3A_141] : memref<400x32xf32, #tpu.memory_space<vmem>> -> memref<400x32xf32, #tpu.memory_space<vmem>>
      %dma_wait3A_143 = arith.constant 0 : i32
      %dma_wait3A_144 = tpu.memref_slice %arg16[%add3A_21, %dma_wait3A_143] : memref<50048x32xf32, #tpu.memory_space<vmem_shared>> -> memref<400x32xf32, #tpu.memory_space<vmem_shared>>
      %dma_wait3A_145 = arith.constant 0 : i32
      %dma_wait3A_146 = tpu.memref_slice %arg16[%add3A_21, %dma_wait3A_145] : memref<50048x32xf32, #tpu.memory_space<vmem_shared>> -> memref<400x32xf32, #tpu.memory_space<vmem_shared>>
      %dma_wait3A_147 = arith.constant 0 : i32
      %dma_wait3A_148 = arith.constant 0 : i32
      %dma_wait3A_149 = tpu.memref_slice %arg8[%dma_wait3A_147, %dma_wait3A_148] : memref<400x32xf32, #tpu.memory_space<vmem>> -> memref<400x32xf32, #tpu.memory_space<vmem>>
      tpu.wait_dma2 semaphore(%run_scoped3A : memref<!tpu.dma_semaphore, #tpu.memory_space<semaphore_mem>>) src(%dma_wait3A_149 : memref<400x32xf32, #tpu.memory_space<vmem>>) dst(%dma_wait3A_146 : memref<400x32xf32, #tpu.memory_space<vmem_shared>>)
      tpu.yield
    }) : () -> ()
    %add3A_22 = arith.constant 2800 : i32
    %add3A_23 = arith.addi %mul3A_3, %add3A_22 : i32
    "tpu.region"() ({
      %run_scoped3A = tpu.sem_alloc : memref<!tpu.dma_semaphore, #tpu.memory_space<semaphore_mem>>
      %dma_start3A_130 = arith.constant 0 : i32
      %dma_start3A_131 = arith.constant 0 : i32
      %dma_start3A_132 = tpu.memref_slice %arg8[%dma_start3A_130, %dma_start3A_131] : memref<400x32xf32, #tpu.memory_space<vmem>> -> memref<328x32xf32, #tpu.memory_space<vmem>>
      %dma_start3A_133 = arith.constant 0 : i32
      %dma_start3A_134 = tpu.memref_slice %arg16[%add3A_23, %dma_start3A_133] : memref<50048x32xf32, #tpu.memory_space<vmem_shared>> -> memref<328x32xf32, #tpu.memory_space<vmem_shared>>
      %dma_start3A_135 = arith.constant 0 : i32
      %dma_start3A_136 = tpu.memref_slice %arg16[%add3A_23, %dma_start3A_135] : memref<50048x32xf32, #tpu.memory_space<vmem_shared>> -> memref<328x32xf32, #tpu.memory_space<vmem_shared>>
      %dma_start3A_137 = arith.constant 0 : i32
      %dma_start3A_138 = arith.constant 0 : i32
      %dma_start3A_139 = tpu.memref_slice %arg8[%dma_start3A_137, %dma_start3A_138] : memref<400x32xf32, #tpu.memory_space<vmem>> -> memref<328x32xf32, #tpu.memory_space<vmem>>
      tpu.enqueue_dma source(%dma_start3A_139 : memref<328x32xf32, #tpu.memory_space<vmem>>) target(%dma_start3A_136 : memref<328x32xf32, #tpu.memory_space<vmem_shared>>) target_semaphore(%run_scoped3A : memref<!tpu.dma_semaphore, #tpu.memory_space<semaphore_mem>>)
      %dma_wait3A_140 = arith.constant 0 : i32
      %dma_wait3A_141 = arith.constant 0 : i32
      %dma_wait3A_142 = tpu.memref_slice %arg8[%dma_wait3A_140, %dma_wait3A_141] : memref<400x32xf32, #tpu.memory_space<vmem>> -> memref<328x32xf32, #tpu.memory_space<vmem>>
      %dma_wait3A_143 = arith.constant 0 : i32
      %dma_wait3A_144 = tpu.memref_slice %arg16[%add3A_23, %dma_wait3A_143] : memref<50048x32xf32, #tpu.memory_space<vmem_shared>> -> memref<328x32xf32, #tpu.memory_space<vmem_shared>>
      %dma_wait3A_145 = arith.constant 0 : i32
      %dma_wait3A_146 = tpu.memref_slice %arg16[%add3A_23, %dma_wait3A_145] : memref<50048x32xf32, #tpu.memory_space<vmem_shared>> -> memref<328x32xf32, #tpu.memory_space<vmem_shared>>
      %dma_wait3A_147 = arith.constant 0 : i32
      %dma_wait3A_148 = arith.constant 0 : i32
      %dma_wait3A_149 = tpu.memref_slice %arg8[%dma_wait3A_147, %dma_wait3A_148] : memref<400x32xf32, #tpu.memory_space<vmem>> -> memref<328x32xf32, #tpu.memory_space<vmem>>
      tpu.wait_dma2 semaphore(%run_scoped3A : memref<!tpu.dma_semaphore, #tpu.memory_space<semaphore_mem>>) src(%dma_wait3A_149 : memref<328x32xf32, #tpu.memory_space<vmem>>) dst(%dma_wait3A_146 : memref<328x32xf32, #tpu.memory_space<vmem_shared>>)
      tpu.yield
    }) : () -> ()
    %barrier3A = arith.constant 0 : index
    tpu.barrier barrier_id(%barrier3A)
    %add3A_24 = arith.constant 0 : i32
    %add3A_25 = arith.addi %mul3A_1, %add3A_24 : i32
    %dma_start3A = arith.constant 0 : i32
    %dma_start3A_26 = arith.constant 0 : i32
    %dma_start3A_27 = tpu.memref_slice %arg5[%arg0, %dma_start3A, %dma_start3A_26] : memref<2x800000x32xf32, #tpu.memory_space<hbm>> -> memref<1x800000x32xf32, #tpu.memory_space<hbm>>
    %dma_start3A_28 = tpu.memref_squeeze %dma_start3A_27 : memref<1x800000x32xf32, #tpu.memory_space<hbm>> -> memref<800000x32xf32, #tpu.memory_space<hbm>>
    %dma_start3A_29 = arith.constant 0 : i32
    %dma_start3A_30 = tpu.memref_slice %dma_start3A_28[%add3A_25, %dma_start3A_29] : memref<800000x32xf32, #tpu.memory_space<hbm>> -> memref<400x32xf32, #tpu.memory_space<hbm>>
    %dma_start3A_31 = arith.constant 0 : i32
    %dma_start3A_32 = arith.constant 0 : i32
    %dma_start3A_33 = tpu.memref_slice %arg5[%arg0, %dma_start3A_31, %dma_start3A_32] : memref<2x800000x32xf32, #tpu.memory_space<hbm>> -> memref<1x800000x32xf32, #tpu.memory_space<hbm>>
    %dma_start3A_34 = tpu.memref_squeeze %dma_start3A_33 : memref<1x800000x32xf32, #tpu.memory_space<hbm>> -> memref<800000x32xf32, #tpu.memory_space<hbm>>
    %dma_start3A_35 = arith.constant 0 : i32
    %dma_start3A_36 = tpu.memref_slice %dma_start3A_34[%add3A_25, %dma_start3A_35] : memref<800000x32xf32, #tpu.memory_space<hbm>> -> memref<400x32xf32, #tpu.memory_space<hbm>>
    tpu.enqueue_dma source(%dma_start3A_36 : memref<400x32xf32, #tpu.memory_space<hbm>>) target(%arg8 : memref<400x32xf32, #tpu.memory_space<vmem>>) target_semaphore(%arg17 : memref<!tpu.dma_semaphore, #tpu.memory_space<semaphore_mem>>)
    %dma_start3A_37 = tpu.memref_slice %arg3[%add3A_25] : memref<800000xi32, #tpu.memory_space<hbm>> -> memref<400xi32, #tpu.memory_space<hbm>>
    %dma_start3A_38 = tpu.memref_slice %arg3[%add3A_25] : memref<800000xi32, #tpu.memory_space<hbm>> -> memref<400xi32, #tpu.memory_space<hbm>>
    tpu.enqueue_dma source(%dma_start3A_38 : memref<400xi32, #tpu.memory_space<hbm>>) target(%arg10 : memref<400xi32, #tpu.memory_space<vmem>>) target_semaphore(%arg23 : memref<!tpu.dma_semaphore, #tpu.memory_space<semaphore_mem>>)
    %dma_start3A_39 = tpu.memref_slice %arg4[%add3A_25] : memref<800000xi32, #tpu.memory_space<hbm>> -> memref<400xi32, #tpu.memory_space<hbm>>
    %dma_start3A_40 = tpu.memref_slice %arg4[%add3A_25] : memref<800000xi32, #tpu.memory_space<hbm>> -> memref<400xi32, #tpu.memory_space<hbm>>
    tpu.enqueue_dma source(%dma_start3A_40 : memref<400xi32, #tpu.memory_space<hbm>>) target(%arg12 : memref<400xi32, #tpu.memory_space<vmem>>) target_semaphore(%arg25 : memref<!tpu.dma_semaphore, #tpu.memory_space<semaphore_mem>>)
    %add3A_41 = arith.constant 0 : i32
    %add3A_42 = arith.addi %mul3A_1, %add3A_41 : i32
    %dma_wait3A = tpu.memref_slice %arg3[%add3A_42] : memref<800000xi32, #tpu.memory_space<hbm>> -> memref<400xi32, #tpu.memory_space<hbm>>
    %dma_wait3A_43 = tpu.memref_slice %arg3[%add3A_42] : memref<800000xi32, #tpu.memory_space<hbm>> -> memref<400xi32, #tpu.memory_space<hbm>>
    tpu.wait_dma2 semaphore(%arg23 : memref<!tpu.dma_semaphore, #tpu.memory_space<semaphore_mem>>) src(%dma_wait3A_43 : memref<400xi32, #tpu.memory_space<hbm>>) dst(%arg10 : memref<400xi32, #tpu.memory_space<vmem>>)
    %dma_start3A_44 = arith.constant 0 : i32
    %dma_start3A_45 = tpu.memref_slice %arg2[%dma_start3A_44] : memref<50000xf32, #tpu.memory_space<hbm>> -> memref<50000xf32, #tpu.memory_space<hbm>>
    tpu.enqueue_indirect_dma source(%dma_start3A_45 : memref<50000xf32, #tpu.memory_space<hbm>>) target(%arg14 : memref<400xf32, #tpu.memory_space<vmem>>) offsets(%arg10 : memref<400xi32, #tpu.memory_space<vmem>>) semaphore(%arg21 : memref<!tpu.dma_semaphore, #tpu.memory_space<semaphore_mem>>)
    %scan3A_46 = arith.constant 0 : i32
    %scan3A_47 = arith.constant 0 : i32
    %scan3A_48 = arith.constant 62 : i32
    %scan3A_49 = arith.addi %scan3A_47, %scan3A_48 : i32
    %scan3A_50 = arith.constant 1 : i32
    scf.for %scan3A_130 = %scan3A_47 to %scan3A_49 step %scan3A_50  : i32 {
      %mul3A_131 = arith.constant 2 : i32
      %mul3A_132 = arith.muli %mul3A_131, %scan3A_130 : i32
      %gt3A = arith.constant 0 : i32
      %gt3A_133 = arith.cmpi sgt, %scan3A_130, %gt3A : i32
      %convert_element_type3A = arith.extui %gt3A_133 : i1 to i32
      %cond3A = arith.constant 0 : i32
      %cond3A_134 = arith.cmpi ne, %convert_element_type3A, %cond3A : i32
      scf.if %cond3A_134 {
        %dma_wait3A_306 = arith.constant 0 : i32
        %dma_wait3A_307 = arith.constant 0 : i32
        %dma_wait3A_308 = tpu.memref_slice %arg7[%arg0, %dma_wait3A_306, %dma_wait3A_307] : memref<2x800000x32xf32, #tpu.memory_space<hbm>> -> memref<1x800000x32xf32, #tpu.memory_space<hbm>>
        %dma_wait3A_309 = tpu.memref_squeeze %dma_wait3A_308 : memref<1x800000x32xf32, #tpu.memory_space<hbm>> -> memref<800000x32xf32, #tpu.memory_space<hbm>>
        %dma_wait3A_310 = arith.constant 0 : i32
        %dma_wait3A_311 = arith.constant 0 : i32
        %dma_wait3A_312 = tpu.memref_slice %dma_wait3A_309[%dma_wait3A_310, %dma_wait3A_311] : memref<800000x32xf32, #tpu.memory_space<hbm>> -> memref<400x32xf32, #tpu.memory_space<hbm>>
        %dma_wait3A_313 = arith.constant 0 : i32
        %dma_wait3A_314 = arith.constant 0 : i32
        %dma_wait3A_315 = tpu.memref_slice %arg7[%arg0, %dma_wait3A_313, %dma_wait3A_314] : memref<2x800000x32xf32, #tpu.memory_space<hbm>> -> memref<1x800000x32xf32, #tpu.memory_space<hbm>>
        %dma_wait3A_316 = tpu.memref_squeeze %dma_wait3A_315 : memref<1x800000x32xf32, #tpu.memory_space<hbm>> -> memref<800000x32xf32, #tpu.memory_space<hbm>>
        %dma_wait3A_317 = arith.constant 0 : i32
        %dma_wait3A_318 = arith.constant 0 : i32
        %dma_wait3A_319 = tpu.memref_slice %dma_wait3A_316[%dma_wait3A_317, %dma_wait3A_318] : memref<800000x32xf32, #tpu.memory_space<hbm>> -> memref<400x32xf32, #tpu.memory_space<hbm>>
        tpu.wait_dma2 semaphore(%arg20 : memref<!tpu.dma_semaphore, #tpu.memory_space<semaphore_mem>>) src(%arg9 : memref<400x32xf32, #tpu.memory_space<vmem>>) dst(%dma_wait3A_319 : memref<400x32xf32, #tpu.memory_space<hbm>>)
        %dma_wait3A_320 = arith.constant 0 : i32
        %dma_wait3A_321 = arith.constant 0 : i32
        %dma_wait3A_322 = tpu.memref_slice %arg16[%dma_wait3A_320, %dma_wait3A_321] : memref<50048x32xf32, #tpu.memory_space<vmem_shared>> -> memref<50048x32xf32, #tpu.memory_space<vmem_shared>>
        tpu.wait_indirect_dma semaphore(%arg28 : memref<!tpu.dma_semaphore, #tpu.memory_space<semaphore_mem>>) src(%arg9 : memref<400x32xf32, #tpu.memory_space<vmem>>) dst(%dma_wait3A_322 : memref<50048x32xf32, #tpu.memory_space<vmem_shared>>)
      } else {
      }
      %add3A_135 = arith.constant 1 : i32
      %add3A_136 = arith.addi %mul3A_132, %add3A_135 : i32
      %mul3A_137 = arith.constant 400 : i32
      %mul3A_138 = arith.muli %add3A_136, %mul3A_137 : i32
      %add3A_139 = arith.addi %mul3A_1, %mul3A_138 : i32
      %dma_start3A_140 = arith.constant 0 : i32
      %dma_start3A_141 = arith.constant 0 : i32
      %dma_start3A_142 = tpu.memref_slice %arg5[%arg0, %dma_start3A_140, %dma_start3A_141] : memref<2x800000x32xf32, #tpu.memory_space<hbm>> -> memref<1x800000x32xf32, #tpu.memory_space<hbm>>
      %dma_start3A_143 = tpu.memref_squeeze %dma_start3A_142 : memref<1x800000x32xf32, #tpu.memory_space<hbm>> -> memref<800000x32xf32, #tpu.memory_space<hbm>>
      %dma_start3A_144 = arith.constant 0 : i32
      %dma_start3A_145 = tpu.memref_slice %dma_start3A_143[%add3A_139, %dma_start3A_144] : memref<800000x32xf32, #tpu.memory_space<hbm>> -> memref<400x32xf32, #tpu.memory_space<hbm>>
      %dma_start3A_146 = arith.constant 0 : i32
      %dma_start3A_147 = arith.constant 0 : i32
      %dma_start3A_148 = tpu.memref_slice %arg5[%arg0, %dma_start3A_146, %dma_start3A_147] : memref<2x800000x32xf32, #tpu.memory_space<hbm>> -> memref<1x800000x32xf32, #tpu.memory_space<hbm>>
      %dma_start3A_149 = tpu.memref_squeeze %dma_start3A_148 : memref<1x800000x32xf32, #tpu.memory_space<hbm>> -> memref<800000x32xf32, #tpu.memory_space<hbm>>
      %dma_start3A_150 = arith.constant 0 : i32
      %dma_start3A_151 = tpu.memref_slice %dma_start3A_149[%add3A_139, %dma_start3A_150] : memref<800000x32xf32, #tpu.memory_space<hbm>> -> memref<400x32xf32, #tpu.memory_space<hbm>>
      tpu.enqueue_dma source(%dma_start3A_151 : memref<400x32xf32, #tpu.memory_space<hbm>>) target(%arg9 : memref<400x32xf32, #tpu.memory_space<vmem>>) target_semaphore(%arg18 : memref<!tpu.dma_semaphore, #tpu.memory_space<semaphore_mem>>)
      %dma_start3A_152 = tpu.memref_slice %arg3[%add3A_139] : memref<800000xi32, #tpu.memory_space<hbm>> -> memref<400xi32, #tpu.memory_space<hbm>>
      %dma_start3A_153 = tpu.memref_slice %arg3[%add3A_139] : memref<800000xi32, #tpu.memory_space<hbm>> -> memref<400xi32, #tpu.memory_space<hbm>>
      tpu.enqueue_dma source(%dma_start3A_153 : memref<400xi32, #tpu.memory_space<hbm>>) target(%arg11 : memref<400xi32, #tpu.memory_space<vmem>>) target_semaphore(%arg24 : memref<!tpu.dma_semaphore, #tpu.memory_space<semaphore_mem>>)
      %dma_start3A_154 = tpu.memref_slice %arg4[%add3A_139] : memref<800000xi32, #tpu.memory_space<hbm>> -> memref<400xi32, #tpu.memory_space<hbm>>
      %dma_start3A_155 = tpu.memref_slice %arg4[%add3A_139] : memref<800000xi32, #tpu.memory_space<hbm>> -> memref<400xi32, #tpu.memory_space<hbm>>
      tpu.enqueue_dma source(%dma_start3A_155 : memref<400xi32, #tpu.memory_space<hbm>>) target(%arg13 : memref<400xi32, #tpu.memory_space<vmem>>) target_semaphore(%arg26 : memref<!tpu.dma_semaphore, #tpu.memory_space<semaphore_mem>>)
      %mul3A_156 = arith.constant 400 : i32
      %mul3A_157 = arith.muli %mul3A_132, %mul3A_156 : i32
      %add3A_158 = arith.addi %mul3A_1, %mul3A_157 : i32
      %dma_wait3A_159 = arith.constant 0 : i32
      %dma_wait3A_160 = arith.constant 0 : i32
      %dma_wait3A_161 = tpu.memref_slice %arg5[%arg0, %dma_wait3A_159, %dma_wait3A_160] : memref<2x800000x32xf32, #tpu.memory_space<hbm>> -> memref<1x800000x32xf32, #tpu.memory_space<hbm>>
      %dma_wait3A_162 = tpu.memref_squeeze %dma_wait3A_161 : memref<1x800000x32xf32, #tpu.memory_space<hbm>> -> memref<800000x32xf32, #tpu.memory_space<hbm>>
      %dma_wait3A_163 = arith.constant 0 : i32
      %dma_wait3A_164 = tpu.memref_slice %dma_wait3A_162[%add3A_158, %dma_wait3A_163] : memref<800000x32xf32, #tpu.memory_space<hbm>> -> memref<400x32xf32, #tpu.memory_space<hbm>>
      %dma_wait3A_165 = arith.constant 0 : i32
      %dma_wait3A_166 = arith.constant 0 : i32
      %dma_wait3A_167 = tpu.memref_slice %arg5[%arg0, %dma_wait3A_165, %dma_wait3A_166] : memref<2x800000x32xf32, #tpu.memory_space<hbm>> -> memref<1x800000x32xf32, #tpu.memory_space<hbm>>
      %dma_wait3A_168 = tpu.memref_squeeze %dma_wait3A_167 : memref<1x800000x32xf32, #tpu.memory_space<hbm>> -> memref<800000x32xf32, #tpu.memory_space<hbm>>
      %dma_wait3A_169 = arith.constant 0 : i32
      %dma_wait3A_170 = tpu.memref_slice %dma_wait3A_168[%add3A_158, %dma_wait3A_169] : memref<800000x32xf32, #tpu.memory_space<hbm>> -> memref<400x32xf32, #tpu.memory_space<hbm>>
      tpu.wait_dma2 semaphore(%arg17 : memref<!tpu.dma_semaphore, #tpu.memory_space<semaphore_mem>>) src(%dma_wait3A_170 : memref<400x32xf32, #tpu.memory_space<hbm>>) dst(%arg8 : memref<400x32xf32, #tpu.memory_space<vmem>>)
      %mul3A_171 = arith.constant 400 : i32
      %mul3A_172 = arith.muli %mul3A_132, %mul3A_171 : i32
      %add3A_173 = arith.addi %mul3A_1, %mul3A_172 : i32
      %dma_wait3A_174 = tpu.memref_slice %arg4[%add3A_173] : memref<800000xi32, #tpu.memory_space<hbm>> -> memref<400xi32, #tpu.memory_space<hbm>>
      %dma_wait3A_175 = tpu.memref_slice %arg4[%add3A_173] : memref<800000xi32, #tpu.memory_space<hbm>> -> memref<400xi32, #tpu.memory_space<hbm>>
      tpu.wait_dma2 semaphore(%arg25 : memref<!tpu.dma_semaphore, #tpu.memory_space<semaphore_mem>>) src(%dma_wait3A_175 : memref<400xi32, #tpu.memory_space<hbm>>) dst(%arg12 : memref<400xi32, #tpu.memory_space<vmem>>)
      %dma_wait3A_176 = arith.constant 0 : i32
      %dma_wait3A_177 = tpu.memref_slice %arg2[%dma_wait3A_176] : memref<50000xf32, #tpu.memory_space<hbm>> -> memref<50000xf32, #tpu.memory_space<hbm>>
      tpu.wait_indirect_dma semaphore(%arg21 : memref<!tpu.dma_semaphore, #tpu.memory_space<semaphore_mem>>) src(%dma_wait3A_177 : memref<50000xf32, #tpu.memory_space<hbm>>) dst(%arg14 : memref<400xf32, #tpu.memory_space<vmem>>)
      %scan3A_178 = arith.constant 0 : i32
      %scan3A_179 = arith.constant 0 : i32
      %scan3A_180 = arith.constant 25 : i32
      %scan3A_181 = arith.addi %scan3A_179, %scan3A_180 : i32
      %scan3A_182 = arith.constant 1 : i32
      scf.for %scan3A_306 = %scan3A_179 to %scan3A_181 step %scan3A_182  : i32 {
        %mul3A_307 = arith.constant 16 : i32
        %mul3A_308 = arith.muli %scan3A_306, %mul3A_307 : i32
        %get3A = arith.index_cast %mul3A_308 : i32 to index
        %get3A_309 = tpu.vector_load %arg14[%get3A] {strides = array<i32>} : memref<400xf32, #tpu.memory_space<vmem>>, vector<16xf32>,
        %add3A_310 = vector.broadcast %mul3A_308 : i32 to vector<16xi32>
        %add3A_311 = arith.addi %iota3A, %add3A_310 : vector<16xi32>
        %broadcast_in_dim3A_312 = arith.constant 0 : i32
        %broadcast_in_dim3A_313 = vector.broadcast %broadcast_in_dim3A_312 : i32 to vector<16xi32>
        %gather3A = tpu.vector_load_idx %arg8[%add3A_311, %broadcast_in_dim3A_313] : memref<400x32xf32, #tpu.memory_space<vmem>>[vector<16xi32>, vector<16xi32>], vector<16xf32>,
        %mul3A_314 = arith.mulf %gather3A, %get3A_309 : vector<16xf32>
        tpu.vector_store_idx %arg8[%add3A_311, %broadcast_in_dim3A_313], %mul3A_314 : memref<400x32xf32, #tpu.memory_space<vmem>>[vector<16xi32>, vector<16xi32>], vector<16xf32>,
        %broadcast_in_dim3A_315 = arith.constant 1 : i32
        %broadcast_in_dim3A_316 = vector.broadcast %broadcast_in_dim3A_315 : i32 to vector<16xi32>
        %gather3A_317 = tpu.vector_load_idx %arg8[%add3A_311, %broadcast_in_dim3A_316] : memref<400x32xf32, #tpu.memory_space<vmem>>[vector<16xi32>, vector<16xi32>], vector<16xf32>,
        %mul3A_318 = arith.mulf %gather3A_317, %get3A_309 : vector<16xf32>
        tpu.vector_store_idx %arg8[%add3A_311, %broadcast_in_dim3A_316], %mul3A_318 : memref<400x32xf32, #tpu.memory_space<vmem>>[vector<16xi32>, vector<16xi32>], vector<16xf32>,
        %broadcast_in_dim3A_319 = arith.constant 2 : i32
        %broadcast_in_dim3A_320 = vector.broadcast %broadcast_in_dim3A_319 : i32 to vector<16xi32>
        %gather3A_321 = tpu.vector_load_idx %arg8[%add3A_311, %broadcast_in_dim3A_320] : memref<400x32xf32, #tpu.memory_space<vmem>>[vector<16xi32>, vector<16xi32>], vector<16xf32>,
        %mul3A_322 = arith.mulf %gather3A_321, %get3A_309 : vector<16xf32>
        tpu.vector_store_idx %arg8[%add3A_311, %broadcast_in_dim3A_320], %mul3A_322 : memref<400x32xf32, #tpu.memory_space<vmem>>[vector<16xi32>, vector<16xi32>], vector<16xf32>,
        %broadcast_in_dim3A_323 = arith.constant 3 : i32
        %broadcast_in_dim3A_324 = vector.broadcast %broadcast_in_dim3A_323 : i32 to vector<16xi32>
        %gather3A_325 = tpu.vector_load_idx %arg8[%add3A_311, %broadcast_in_dim3A_324] : memref<400x32xf32, #tpu.memory_space<vmem>>[vector<16xi32>, vector<16xi32>], vector<16xf32>,
        %mul3A_326 = arith.mulf %gather3A_325, %get3A_309 : vector<16xf32>
        tpu.vector_store_idx %arg8[%add3A_311, %broadcast_in_dim3A_324], %mul3A_326 : memref<400x32xf32, #tpu.memory_space<vmem>>[vector<16xi32>, vector<16xi32>], vector<16xf32>,
        %broadcast_in_dim3A_327 = arith.constant 4 : i32
        %broadcast_in_dim3A_328 = vector.broadcast %broadcast_in_dim3A_327 : i32 to vector<16xi32>
        %gather3A_329 = tpu.vector_load_idx %arg8[%add3A_311, %broadcast_in_dim3A_328] : memref<400x32xf32, #tpu.memory_space<vmem>>[vector<16xi32>, vector<16xi32>], vector<16xf32>,
        %mul3A_330 = arith.mulf %gather3A_329, %get3A_309 : vector<16xf32>
        tpu.vector_store_idx %arg8[%add3A_311, %broadcast_in_dim3A_328], %mul3A_330 : memref<400x32xf32, #tpu.memory_space<vmem>>[vector<16xi32>, vector<16xi32>], vector<16xf32>,
        %broadcast_in_dim3A_331 = arith.constant 5 : i32
        %broadcast_in_dim3A_332 = vector.broadcast %broadcast_in_dim3A_331 : i32 to vector<16xi32>
        %gather3A_333 = tpu.vector_load_idx %arg8[%add3A_311, %broadcast_in_dim3A_332] : memref<400x32xf32, #tpu.memory_space<vmem>>[vector<16xi32>, vector<16xi32>], vector<16xf32>,
        %mul3A_334 = arith.mulf %gather3A_333, %get3A_309 : vector<16xf32>
        tpu.vector_store_idx %arg8[%add3A_311, %broadcast_in_dim3A_332], %mul3A_334 : memref<400x32xf32, #tpu.memory_space<vmem>>[vector<16xi32>, vector<16xi32>], vector<16xf32>,
        %broadcast_in_dim3A_335 = arith.constant 6 : i32
        %broadcast_in_dim3A_336 = vector.broadcast %broadcast_in_dim3A_335 : i32 to vector<16xi32>
        %gather3A_337 = tpu.vector_load_idx %arg8[%add3A_311, %broadcast_in_dim3A_336] : memref<400x32xf32, #tpu.memory_space<vmem>>[vector<16xi32>, vector<16xi32>], vector<16xf32>,
        %mul3A_338 = arith.mulf %gather3A_337, %get3A_309 : vector<16xf32>
        tpu.vector_store_idx %arg8[%add3A_311, %broadcast_in_dim3A_336], %mul3A_338 : memref<400x32xf32, #tpu.memory_space<vmem>>[vector<16xi32>, vector<16xi32>], vector<16xf32>,
        %broadcast_in_dim3A_339 = arith.constant 7 : i32
        %broadcast_in_dim3A_340 = vector.broadcast %broadcast_in_dim3A_339 : i32 to vector<16xi32>
        %gather3A_341 = tpu.vector_load_idx %arg8[%add3A_311, %broadcast_in_dim3A_340] : memref<400x32xf32, #tpu.memory_space<vmem>>[vector<16xi32>, vector<16xi32>], vector<16xf32>,
        %mul3A_342 = arith.mulf %gather3A_341, %get3A_309 : vector<16xf32>
        tpu.vector_store_idx %arg8[%add3A_311, %broadcast_in_dim3A_340], %mul3A_342 : memref<400x32xf32, #tpu.memory_space<vmem>>[vector<16xi32>, vector<16xi32>], vector<16xf32>,
        %broadcast_in_dim3A_343 = arith.constant 8 : i32
        %broadcast_in_dim3A_344 = vector.broadcast %broadcast_in_dim3A_343 : i32 to vector<16xi32>
        %gather3A_345 = tpu.vector_load_idx %arg8[%add3A_311, %broadcast_in_dim3A_344] : memref<400x32xf32, #tpu.memory_space<vmem>>[vector<16xi32>, vector<16xi32>], vector<16xf32>,
        %mul3A_346 = arith.mulf %gather3A_345, %get3A_309 : vector<16xf32>
        tpu.vector_store_idx %arg8[%add3A_311, %broadcast_in_dim3A_344], %mul3A_346 : memref<400x32xf32, #tpu.memory_space<vmem>>[vector<16xi32>, vector<16xi32>], vector<16xf32>,
        %broadcast_in_dim3A_347 = arith.constant 9 : i32
        %broadcast_in_dim3A_348 = vector.broadcast %broadcast_in_dim3A_347 : i32 to vector<16xi32>
        %gather3A_349 = tpu.vector_load_idx %arg8[%add3A_311, %broadcast_in_dim3A_348] : memref<400x32xf32, #tpu.memory_space<vmem>>[vector<16xi32>, vector<16xi32>], vector<16xf32>,
        %mul3A_350 = arith.mulf %gather3A_349, %get3A_309 : vector<16xf32>
        tpu.vector_store_idx %arg8[%add3A_311, %broadcast_in_dim3A_348], %mul3A_350 : memref<400x32xf32, #tpu.memory_space<vmem>>[vector<16xi32>, vector<16xi32>], vector<16xf32>,
        %broadcast_in_dim3A_351 = arith.constant 10 : i32
        %broadcast_in_dim3A_352 = vector.broadcast %broadcast_in_dim3A_351 : i32 to vector<16xi32>
        %gather3A_353 = tpu.vector_load_idx %arg8[%add3A_311, %broadcast_in_dim3A_352] : memref<400x32xf32, #tpu.memory_space<vmem>>[vector<16xi32>, vector<16xi32>], vector<16xf32>,
        %mul3A_354 = arith.mulf %gather3A_353, %get3A_309 : vector<16xf32>
        tpu.vector_store_idx %arg8[%add3A_311, %broadcast_in_dim3A_352], %mul3A_354 : memref<400x32xf32, #tpu.memory_space<vmem>>[vector<16xi32>, vector<16xi32>], vector<16xf32>,
        %broadcast_in_dim3A_355 = arith.constant 11 : i32
        %broadcast_in_dim3A_356 = vector.broadcast %broadcast_in_dim3A_355 : i32 to vector<16xi32>
        %gather3A_357 = tpu.vector_load_idx %arg8[%add3A_311, %broadcast_in_dim3A_356] : memref<400x32xf32, #tpu.memory_space<vmem>>[vector<16xi32>, vector<16xi32>], vector<16xf32>,
        %mul3A_358 = arith.mulf %gather3A_357, %get3A_309 : vector<16xf32>
        tpu.vector_store_idx %arg8[%add3A_311, %broadcast_in_dim3A_356], %mul3A_358 : memref<400x32xf32, #tpu.memory_space<vmem>>[vector<16xi32>, vector<16xi32>], vector<16xf32>,
        %broadcast_in_dim3A_359 = arith.constant 12 : i32
        %broadcast_in_dim3A_360 = vector.broadcast %broadcast_in_dim3A_359 : i32 to vector<16xi32>
        %gather3A_361 = tpu.vector_load_idx %arg8[%add3A_311, %broadcast_in_dim3A_360] : memref<400x32xf32, #tpu.memory_space<vmem>>[vector<16xi32>, vector<16xi32>], vector<16xf32>,
        %mul3A_362 = arith.mulf %gather3A_361, %get3A_309 : vector<16xf32>
        tpu.vector_store_idx %arg8[%add3A_311, %broadcast_in_dim3A_360], %mul3A_362 : memref<400x32xf32, #tpu.memory_space<vmem>>[vector<16xi32>, vector<16xi32>], vector<16xf32>,
        %broadcast_in_dim3A_363 = arith.constant 13 : i32
        %broadcast_in_dim3A_364 = vector.broadcast %broadcast_in_dim3A_363 : i32 to vector<16xi32>
        %gather3A_365 = tpu.vector_load_idx %arg8[%add3A_311, %broadcast_in_dim3A_364] : memref<400x32xf32, #tpu.memory_space<vmem>>[vector<16xi32>, vector<16xi32>], vector<16xf32>,
        %mul3A_366 = arith.mulf %gather3A_365, %get3A_309 : vector<16xf32>
        tpu.vector_store_idx %arg8[%add3A_311, %broadcast_in_dim3A_364], %mul3A_366 : memref<400x32xf32, #tpu.memory_space<vmem>>[vector<16xi32>, vector<16xi32>], vector<16xf32>,
        %broadcast_in_dim3A_367 = arith.constant 14 : i32
        %broadcast_in_dim3A_368 = vector.broadcast %broadcast_in_dim3A_367 : i32 to vector<16xi32>
        %gather3A_369 = tpu.vector_load_idx %arg8[%add3A_311, %broadcast_in_dim3A_368] : memref<400x32xf32, #tpu.memory_space<vmem>>[vector<16xi32>, vector<16xi32>], vector<16xf32>,
        %mul3A_370 = arith.mulf %gather3A_369, %get3A_309 : vector<16xf32>
        tpu.vector_store_idx %arg8[%add3A_311, %broadcast_in_dim3A_368], %mul3A_370 : memref<400x32xf32, #tpu.memory_space<vmem>>[vector<16xi32>, vector<16xi32>], vector<16xf32>,
        %broadcast_in_dim3A_371 = arith.constant 15 : i32
        %broadcast_in_dim3A_372 = vector.broadcast %broadcast_in_dim3A_371 : i32 to vector<16xi32>
        %gather3A_373 = tpu.vector_load_idx %arg8[%add3A_311, %broadcast_in_dim3A_372] : memref<400x32xf32, #tpu.memory_space<vmem>>[vector<16xi32>, vector<16xi32>], vector<16xf32>,
        %mul3A_374 = arith.mulf %gather3A_373, %get3A_309 : vector<16xf32>
        tpu.vector_store_idx %arg8[%add3A_311, %broadcast_in_dim3A_372], %mul3A_374 : memref<400x32xf32, #tpu.memory_space<vmem>>[vector<16xi32>, vector<16xi32>], vector<16xf32>,
        %broadcast_in_dim3A_375 = arith.constant 16 : i32
        %broadcast_in_dim3A_376 = vector.broadcast %broadcast_in_dim3A_375 : i32 to vector<16xi32>
        %gather3A_377 = tpu.vector_load_idx %arg8[%add3A_311, %broadcast_in_dim3A_376] : memref<400x32xf32, #tpu.memory_space<vmem>>[vector<16xi32>, vector<16xi32>], vector<16xf32>,
        %mul3A_378 = arith.mulf %gather3A_377, %get3A_309 : vector<16xf32>
        tpu.vector_store_idx %arg8[%add3A_311, %broadcast_in_dim3A_376], %mul3A_378 : memref<400x32xf32, #tpu.memory_space<vmem>>[vector<16xi32>, vector<16xi32>], vector<16xf32>,
        %broadcast_in_dim3A_379 = arith.constant 17 : i32
        %broadcast_in_dim3A_380 = vector.broadcast %broadcast_in_dim3A_379 : i32 to vector<16xi32>
        %gather3A_381 = tpu.vector_load_idx %arg8[%add3A_311, %broadcast_in_dim3A_380] : memref<400x32xf32, #tpu.memory_space<vmem>>[vector<16xi32>, vector<16xi32>], vector<16xf32>,
        %mul3A_382 = arith.mulf %gather3A_381, %get3A_309 : vector<16xf32>
        tpu.vector_store_idx %arg8[%add3A_311, %broadcast_in_dim3A_380], %mul3A_382 : memref<400x32xf32, #tpu.memory_space<vmem>>[vector<16xi32>, vector<16xi32>], vector<16xf32>,
        %broadcast_in_dim3A_383 = arith.constant 18 : i32
        %broadcast_in_dim3A_384 = vector.broadcast %broadcast_in_dim3A_383 : i32 to vector<16xi32>
        %gather3A_385 = tpu.vector_load_idx %arg8[%add3A_311, %broadcast_in_dim3A_384] : memref<400x32xf32, #tpu.memory_space<vmem>>[vector<16xi32>, vector<16xi32>], vector<16xf32>,
        %mul3A_386 = arith.mulf %gather3A_385, %get3A_309 : vector<16xf32>
        tpu.vector_store_idx %arg8[%add3A_311, %broadcast_in_dim3A_384], %mul3A_386 : memref<400x32xf32, #tpu.memory_space<vmem>>[vector<16xi32>, vector<16xi32>], vector<16xf32>,
        %broadcast_in_dim3A_387 = arith.constant 19 : i32
        %broadcast_in_dim3A_388 = vector.broadcast %broadcast_in_dim3A_387 : i32 to vector<16xi32>
        %gather3A_389 = tpu.vector_load_idx %arg8[%add3A_311, %broadcast_in_dim3A_388] : memref<400x32xf32, #tpu.memory_space<vmem>>[vector<16xi32>, vector<16xi32>], vector<16xf32>,
        %mul3A_390 = arith.mulf %gather3A_389, %get3A_309 : vector<16xf32>
        tpu.vector_store_idx %arg8[%add3A_311, %broadcast_in_dim3A_388], %mul3A_390 : memref<400x32xf32, #tpu.memory_space<vmem>>[vector<16xi32>, vector<16xi32>], vector<16xf32>,
        %broadcast_in_dim3A_391 = arith.constant 20 : i32
        %broadcast_in_dim3A_392 = vector.broadcast %broadcast_in_dim3A_391 : i32 to vector<16xi32>
        %gather3A_393 = tpu.vector_load_idx %arg8[%add3A_311, %broadcast_in_dim3A_392] : memref<400x32xf32, #tpu.memory_space<vmem>>[vector<16xi32>, vector<16xi32>], vector<16xf32>,
        %mul3A_394 = arith.mulf %gather3A_393, %get3A_309 : vector<16xf32>
        tpu.vector_store_idx %arg8[%add3A_311, %broadcast_in_dim3A_392], %mul3A_394 : memref<400x32xf32, #tpu.memory_space<vmem>>[vector<16xi32>, vector<16xi32>], vector<16xf32>,
        %broadcast_in_dim3A_395 = arith.constant 21 : i32
        %broadcast_in_dim3A_396 = vector.broadcast %broadcast_in_dim3A_395 : i32 to vector<16xi32>
        %gather3A_397 = tpu.vector_load_idx %arg8[%add3A_311, %broadcast_in_dim3A_396] : memref<400x32xf32, #tpu.memory_space<vmem>>[vector<16xi32>, vector<16xi32>], vector<16xf32>,
        %mul3A_398 = arith.mulf %gather3A_397, %get3A_309 : vector<16xf32>
        tpu.vector_store_idx %arg8[%add3A_311, %broadcast_in_dim3A_396], %mul3A_398 : memref<400x32xf32, #tpu.memory_space<vmem>>[vector<16xi32>, vector<16xi32>], vector<16xf32>,
        %broadcast_in_dim3A_399 = arith.constant 22 : i32
        %broadcast_in_dim3A_400 = vector.broadcast %broadcast_in_dim3A_399 : i32 to vector<16xi32>
        %gather3A_401 = tpu.vector_load_idx %arg8[%add3A_311, %broadcast_in_dim3A_400] : memref<400x32xf32, #tpu.memory_space<vmem>>[vector<16xi32>, vector<16xi32>], vector<16xf32>,
        %mul3A_402 = arith.mulf %gather3A_401, %get3A_309 : vector<16xf32>
        tpu.vector_store_idx %arg8[%add3A_311, %broadcast_in_dim3A_400], %mul3A_402 : memref<400x32xf32, #tpu.memory_space<vmem>>[vector<16xi32>, vector<16xi32>], vector<16xf32>,
        %broadcast_in_dim3A_403 = arith.constant 23 : i32
        %broadcast_in_dim3A_404 = vector.broadcast %broadcast_in_dim3A_403 : i32 to vector<16xi32>
        %gather3A_405 = tpu.vector_load_idx %arg8[%add3A_311, %broadcast_in_dim3A_404] : memref<400x32xf32, #tpu.memory_space<vmem>>[vector<16xi32>, vector<16xi32>], vector<16xf32>,
        %mul3A_406 = arith.mulf %gather3A_405, %get3A_309 : vector<16xf32>
        tpu.vector_store_idx %arg8[%add3A_311, %broadcast_in_dim3A_404], %mul3A_406 : memref<400x32xf32, #tpu.memory_space<vmem>>[vector<16xi32>, vector<16xi32>], vector<16xf32>,
        %broadcast_in_dim3A_407 = arith.constant 24 : i32
        %broadcast_in_dim3A_408 = vector.broadcast %broadcast_in_dim3A_407 : i32 to vector<16xi32>
        %gather3A_409 = tpu.vector_load_idx %arg8[%add3A_311, %broadcast_in_dim3A_408] : memref<400x32xf32, #tpu.memory_space<vmem>>[vector<16xi32>, vector<16xi32>], vector<16xf32>,
        %mul3A_410 = arith.mulf %gather3A_409, %get3A_309 : vector<16xf32>
        tpu.vector_store_idx %arg8[%add3A_311, %broadcast_in_dim3A_408], %mul3A_410 : memref<400x32xf32, #tpu.memory_space<vmem>>[vector<16xi32>, vector<16xi32>], vector<16xf32>,
        %broadcast_in_dim3A_411 = arith.constant 25 : i32
        %broadcast_in_dim3A_412 = vector.broadcast %broadcast_in_dim3A_411 : i32 to vector<16xi32>
        %gather3A_413 = tpu.vector_load_idx %arg8[%add3A_311, %broadcast_in_dim3A_412] : memref<400x32xf32, #tpu.memory_space<vmem>>[vector<16xi32>, vector<16xi32>], vector<16xf32>,
        %mul3A_414 = arith.mulf %gather3A_413, %get3A_309 : vector<16xf32>
        tpu.vector_store_idx %arg8[%add3A_311, %broadcast_in_dim3A_412], %mul3A_414 : memref<400x32xf32, #tpu.memory_space<vmem>>[vector<16xi32>, vector<16xi32>], vector<16xf32>,
        %broadcast_in_dim3A_415 = arith.constant 26 : i32
        %broadcast_in_dim3A_416 = vector.broadcast %broadcast_in_dim3A_415 : i32 to vector<16xi32>
        %gather3A_417 = tpu.vector_load_idx %arg8[%add3A_311, %broadcast_in_dim3A_416] : memref<400x32xf32, #tpu.memory_space<vmem>>[vector<16xi32>, vector<16xi32>], vector<16xf32>,
        %mul3A_418 = arith.mulf %gather3A_417, %get3A_309 : vector<16xf32>
        tpu.vector_store_idx %arg8[%add3A_311, %broadcast_in_dim3A_416], %mul3A_418 : memref<400x32xf32, #tpu.memory_space<vmem>>[vector<16xi32>, vector<16xi32>], vector<16xf32>,
        %broadcast_in_dim3A_419 = arith.constant 27 : i32
        %broadcast_in_dim3A_420 = vector.broadcast %broadcast_in_dim3A_419 : i32 to vector<16xi32>
        %gather3A_421 = tpu.vector_load_idx %arg8[%add3A_311, %broadcast_in_dim3A_420] : memref<400x32xf32, #tpu.memory_space<vmem>>[vector<16xi32>, vector<16xi32>], vector<16xf32>,
        %mul3A_422 = arith.mulf %gather3A_421, %get3A_309 : vector<16xf32>
        tpu.vector_store_idx %arg8[%add3A_311, %broadcast_in_dim3A_420], %mul3A_422 : memref<400x32xf32, #tpu.memory_space<vmem>>[vector<16xi32>, vector<16xi32>], vector<16xf32>,
        %broadcast_in_dim3A_423 = arith.constant 28 : i32
        %broadcast_in_dim3A_424 = vector.broadcast %broadcast_in_dim3A_423 : i32 to vector<16xi32>
        %gather3A_425 = tpu.vector_load_idx %arg8[%add3A_311, %broadcast_in_dim3A_424] : memref<400x32xf32, #tpu.memory_space<vmem>>[vector<16xi32>, vector<16xi32>], vector<16xf32>,
        %mul3A_426 = arith.mulf %gather3A_425, %get3A_309 : vector<16xf32>
        tpu.vector_store_idx %arg8[%add3A_311, %broadcast_in_dim3A_424], %mul3A_426 : memref<400x32xf32, #tpu.memory_space<vmem>>[vector<16xi32>, vector<16xi32>], vector<16xf32>,
        %broadcast_in_dim3A_427 = arith.constant 29 : i32
        %broadcast_in_dim3A_428 = vector.broadcast %broadcast_in_dim3A_427 : i32 to vector<16xi32>
        %gather3A_429 = tpu.vector_load_idx %arg8[%add3A_311, %broadcast_in_dim3A_428] : memref<400x32xf32, #tpu.memory_space<vmem>>[vector<16xi32>, vector<16xi32>], vector<16xf32>,
        %mul3A_430 = arith.mulf %gather3A_429, %get3A_309 : vector<16xf32>
        tpu.vector_store_idx %arg8[%add3A_311, %broadcast_in_dim3A_428], %mul3A_430 : memref<400x32xf32, #tpu.memory_space<vmem>>[vector<16xi32>, vector<16xi32>], vector<16xf32>,
        %broadcast_in_dim3A_431 = arith.constant 30 : i32
        %broadcast_in_dim3A_432 = vector.broadcast %broadcast_in_dim3A_431 : i32 to vector<16xi32>
        %gather3A_433 = tpu.vector_load_idx %arg8[%add3A_311, %broadcast_in_dim3A_432] : memref<400x32xf32, #tpu.memory_space<vmem>>[vector<16xi32>, vector<16xi32>], vector<16xf32>,
        %mul3A_434 = arith.mulf %gather3A_433, %get3A_309 : vector<16xf32>
        tpu.vector_store_idx %arg8[%add3A_311, %broadcast_in_dim3A_432], %mul3A_434 : memref<400x32xf32, #tpu.memory_space<vmem>>[vector<16xi32>, vector<16xi32>], vector<16xf32>,
        %broadcast_in_dim3A_435 = arith.constant 31 : i32
        %broadcast_in_dim3A_436 = vector.broadcast %broadcast_in_dim3A_435 : i32 to vector<16xi32>
        %gather3A_437 = tpu.vector_load_idx %arg8[%add3A_311, %broadcast_in_dim3A_436] : memref<400x32xf32, #tpu.memory_space<vmem>>[vector<16xi32>, vector<16xi32>], vector<16xf32>,
        %mul3A_438 = arith.mulf %gather3A_437, %get3A_309 : vector<16xf32>
        tpu.vector_store_idx %arg8[%add3A_311, %broadcast_in_dim3A_436], %mul3A_438 : memref<400x32xf32, #tpu.memory_space<vmem>>[vector<16xi32>, vector<16xi32>], vector<16xf32>,
      }
      %scan3A_183 = arith.constant 25 : i32
      %mul3A_184 = arith.constant 400 : i32
      %mul3A_185 = arith.muli %mul3A_132, %mul3A_184 : i32
      %add3A_186 = arith.addi %mul3A_1, %mul3A_185 : i32
      %dma_start3A_187 = arith.constant 0 : i32
      %dma_start3A_188 = arith.constant 0 : i32
      %dma_start3A_189 = tpu.memref_slice %arg7[%arg0, %dma_start3A_187, %dma_start3A_188] : memref<2x800000x32xf32, #tpu.memory_space<hbm>> -> memref<1x800000x32xf32, #tpu.memory_space<hbm>>
      %dma_start3A_190 = tpu.memref_squeeze %dma_start3A_189 : memref<1x800000x32xf32, #tpu.memory_space<hbm>> -> memref<800000x32xf32, #tpu.memory_space<hbm>>
      %dma_start3A_191 = arith.constant 0 : i32
      %dma_start3A_192 = tpu.memref_slice %dma_start3A_190[%add3A_186, %dma_start3A_191] : memref<800000x32xf32, #tpu.memory_space<hbm>> -> memref<400x32xf32, #tpu.memory_space<hbm>>
      %dma_start3A_193 = arith.constant 0 : i32
      %dma_start3A_194 = arith.constant 0 : i32
      %dma_start3A_195 = tpu.memref_slice %arg7[%arg0, %dma_start3A_193, %dma_start3A_194] : memref<2x800000x32xf32, #tpu.memory_space<hbm>> -> memref<1x800000x32xf32, #tpu.memory_space<hbm>>
      %dma_start3A_196 = tpu.memref_squeeze %dma_start3A_195 : memref<1x800000x32xf32, #tpu.memory_space<hbm>> -> memref<800000x32xf32, #tpu.memory_space<hbm>>
      %dma_start3A_197 = arith.constant 0 : i32
      %dma_start3A_198 = tpu.memref_slice %dma_start3A_196[%add3A_186, %dma_start3A_197] : memref<800000x32xf32, #tpu.memory_space<hbm>> -> memref<400x32xf32, #tpu.memory_space<hbm>>
      tpu.enqueue_dma source(%arg8 : memref<400x32xf32, #tpu.memory_space<vmem>>) target(%dma_start3A_198 : memref<400x32xf32, #tpu.memory_space<hbm>>) target_semaphore(%arg19 : memref<!tpu.dma_semaphore, #tpu.memory_space<semaphore_mem>>)
      %dma_start3A_199 = arith.constant 0 : i32
      %dma_start3A_200 = arith.constant 0 : i32
      %dma_start3A_201 = tpu.memref_slice %arg16[%dma_start3A_199, %dma_start3A_200] : memref<50048x32xf32, #tpu.memory_space<vmem_shared>> -> memref<50048x32xf32, #tpu.memory_space<vmem_shared>>
      tpu.enqueue_indirect_dma source(%arg8 : memref<400x32xf32, #tpu.memory_space<vmem>>) target(%dma_start3A_201 : memref<50048x32xf32, #tpu.memory_space<vmem_shared>>) offsets(%arg12 : memref<400xi32, #tpu.memory_space<vmem>>) semaphore(%arg27 : memref<!tpu.dma_semaphore, #tpu.memory_space<semaphore_mem>>) {add = true}
      %add3A_202 = arith.constant 1 : i32
      %add3A_203 = arith.addi %mul3A_132, %add3A_202 : i32
      %mul3A_204 = arith.constant 400 : i32
      %mul3A_205 = arith.muli %add3A_203, %mul3A_204 : i32
      %add3A_206 = arith.addi %mul3A_1, %mul3A_205 : i32
      %dma_wait3A_207 = tpu.memref_slice %arg3[%add3A_206] : memref<800000xi32, #tpu.memory_space<hbm>> -> memref<400xi32, #tpu.memory_space<hbm>>
      %dma_wait3A_208 = tpu.memref_slice %arg3[%add3A_206] : memref<800000xi32, #tpu.memory_space<hbm>> -> memref<400xi32, #tpu.memory_space<hbm>>
      tpu.wait_dma2 semaphore(%arg24 : memref<!tpu.dma_semaphore, #tpu.memory_space<semaphore_mem>>) src(%dma_wait3A_208 : memref<400xi32, #tpu.memory_space<hbm>>) dst(%arg11 : memref<400xi32, #tpu.memory_space<vmem>>)
      %dma_start3A_209 = arith.constant 0 : i32
      %dma_start3A_210 = tpu.memref_slice %arg2[%dma_start3A_209] : memref<50000xf32, #tpu.memory_space<hbm>> -> memref<50000xf32, #tpu.memory_space<hbm>>
      tpu.enqueue_indirect_dma source(%dma_start3A_210 : memref<50000xf32, #tpu.memory_space<hbm>>) target(%arg15 : memref<400xf32, #tpu.memory_space<vmem>>) offsets(%arg11 : memref<400xi32, #tpu.memory_space<vmem>>) semaphore(%arg22 : memref<!tpu.dma_semaphore, #tpu.memory_space<semaphore_mem>>)
      %add3A_211 = arith.constant 1 : i32
      %add3A_212 = arith.addi %mul3A_132, %add3A_211 : i32
      %dma_wait3A_213 = arith.constant 0 : i32
      %dma_wait3A_214 = arith.constant 0 : i32
      %dma_wait3A_215 = tpu.memref_slice %arg7[%arg0, %dma_wait3A_213, %dma_wait3A_214] : memref<2x800000x32xf32, #tpu.memory_space<hbm>> -> memref<1x800000x32xf32, #tpu.memory_space<hbm>>
      %dma_wait3A_216 = tpu.memref_squeeze %dma_wait3A_215 : memref<1x800000x32xf32, #tpu.memory_space<hbm>> -> memref<800000x32xf32, #tpu.memory_space<hbm>>
      %dma_wait3A_217 = arith.constant 0 : i32
      %dma_wait3A_218 = arith.constant 0 : i32
      %dma_wait3A_219 = tpu.memref_slice %dma_wait3A_216[%dma_wait3A_217, %dma_wait3A_218] : memref<800000x32xf32, #tpu.memory_space<hbm>> -> memref<400x32xf32, #tpu.memory_space<hbm>>
      %dma_wait3A_220 = arith.constant 0 : i32
      %dma_wait3A_221 = arith.constant 0 : i32
      %dma_wait3A_222 = tpu.memref_slice %arg7[%arg0, %dma_wait3A_220, %dma_wait3A_221] : memref<2x800000x32xf32, #tpu.memory_space<hbm>> -> memref<1x800000x32xf32, #tpu.memory_space<hbm>>
      %dma_wait3A_223 = tpu.memref_squeeze %dma_wait3A_222 : memref<1x800000x32xf32, #tpu.memory_space<hbm>> -> memref<800000x32xf32, #tpu.memory_space<hbm>>
      %dma_wait3A_224 = arith.constant 0 : i32
      %dma_wait3A_225 = arith.constant 0 : i32
      %dma_wait3A_226 = tpu.memref_slice %dma_wait3A_223[%dma_wait3A_224, %dma_wait3A_225] : memref<800000x32xf32, #tpu.memory_space<hbm>> -> memref<400x32xf32, #tpu.memory_space<hbm>>
      tpu.wait_dma2 semaphore(%arg19 : memref<!tpu.dma_semaphore, #tpu.memory_space<semaphore_mem>>) src(%arg8 : memref<400x32xf32, #tpu.memory_space<vmem>>) dst(%dma_wait3A_226 : memref<400x32xf32, #tpu.memory_space<hbm>>)
      %dma_wait3A_227 = arith.constant 0 : i32
      %dma_wait3A_228 = arith.constant 0 : i32
      %dma_wait3A_229 = tpu.memref_slice %arg16[%dma_wait3A_227, %dma_wait3A_228] : memref<50048x32xf32, #tpu.memory_space<vmem_shared>> -> memref<50048x32xf32, #tpu.memory_space<vmem_shared>>
      tpu.wait_indirect_dma semaphore(%arg27 : memref<!tpu.dma_semaphore, #tpu.memory_space<semaphore_mem>>) src(%arg8 : memref<400x32xf32, #tpu.memory_space<vmem>>) dst(%dma_wait3A_229 : memref<50048x32xf32, #tpu.memory_space<vmem_shared>>)
      %add3A_230 = arith.constant 1 : i32
      %add3A_231 = arith.addi %add3A_212, %add3A_230 : i32
      %mul3A_232 = arith.constant 400 : i32
      %mul3A_233 = arith.muli %add3A_231, %mul3A_232 : i32
      %add3A_234 = arith.addi %mul3A_1, %mul3A_233 : i32
      %dma_start3A_235 = arith.constant 0 : i32
      %dma_start3A_236 = arith.constant 0 : i32
      %dma_start3A_237 = tpu.memref_slice %arg5[%arg0, %dma_start3A_235, %dma_start3A_236] : memref<2x800000x32xf32, #tpu.memory_space<hbm>> -> memref<1x800000x32xf32, #tpu.memory_space<hbm>>
      %dma_start3A_238 = tpu.memref_squeeze %dma_start3A_237 : memref<1x800000x32xf32, #tpu.memory_space<hbm>> -> memref<800000x32xf32, #tpu.memory_space<hbm>>
      %dma_start3A_239 = arith.constant 0 : i32
      %dma_start3A_240 = tpu.memref_slice %dma_start3A_238[%add3A_234, %dma_start3A_239] : memref<800000x32xf32, #tpu.memory_space<hbm>> -> memref<400x32xf32, #tpu.memory_space<hbm>>
      %dma_start3A_241 = arith.constant 0 : i32
      %dma_start3A_242 = arith.constant 0 : i32
      %dma_start3A_243 = tpu.memref_slice %arg5[%arg0, %dma_start3A_241, %dma_start3A_242] : memref<2x800000x32xf32, #tpu.memory_space<hbm>> -> memref<1x800000x32xf32, #tpu.memory_space<hbm>>
      %dma_start3A_244 = tpu.memref_squeeze %dma_start3A_243 : memref<1x800000x32xf32, #tpu.memory_space<hbm>> -> memref<800000x32xf32, #tpu.memory_space<hbm>>
      %dma_start3A_245 = arith.constant 0 : i32
      %dma_start3A_246 = tpu.memref_slice %dma_start3A_244[%add3A_234, %dma_start3A_245] : memref<800000x32xf32, #tpu.memory_space<hbm>> -> memref<400x32xf32, #tpu.memory_space<hbm>>
      tpu.enqueue_dma source(%dma_start3A_246 : memref<400x32xf32, #tpu.memory_space<hbm>>) target(%arg8 : memref<400x32xf32, #tpu.memory_space<vmem>>) target_semaphore(%arg17 : memref<!tpu.dma_semaphore, #tpu.memory_space<semaphore_mem>>)
      %dma_start3A_247 = tpu.memref_slice %arg3[%add3A_234] : memref<800000xi32, #tpu.memory_space<hbm>> -> memref<400xi32, #tpu.memory_space<hbm>>
      %dma_start3A_248 = tpu.memref_slice %arg3[%add3A_234] : memref<800000xi32, #tpu.memory_space<hbm>> -> memref<400xi32, #tpu.memory_space<hbm>>
      tpu.enqueue_dma source(%dma_start3A_248 : memref<400xi32, #tpu.memory_space<hbm>>) target(%arg10 : memref<400xi32, #tpu.memory_space<vmem>>) target_semaphore(%arg23 : memref<!tpu.dma_semaphore, #tpu.memory_space<semaphore_mem>>)
      %dma_start3A_249 = tpu.memref_slice %arg4[%add3A_234] : memref<800000xi32, #tpu.memory_space<hbm>> -> memref<400xi32, #tpu.memory_space<hbm>>
      %dma_start3A_250 = tpu.memref_slice %arg4[%add3A_234] : memref<800000xi32, #tpu.memory_space<hbm>> -> memref<400xi32, #tpu.memory_space<hbm>>
      tpu.enqueue_dma source(%dma_start3A_250 : memref<400xi32, #tpu.memory_space<hbm>>) target(%arg12 : memref<400xi32, #tpu.memory_space<vmem>>) target_semaphore(%arg25 : memref<!tpu.dma_semaphore, #tpu.memory_space<semaphore_mem>>)
      %mul3A_251 = arith.constant 400 : i32
      %mul3A_252 = arith.muli %add3A_212, %mul3A_251 : i32
      %add3A_253 = arith.addi %mul3A_1, %mul3A_252 : i32
      %dma_wait3A_254 = arith.constant 0 : i32
      %dma_wait3A_255 = arith.constant 0 : i32
      %dma_wait3A_256 = tpu.memref_slice %arg5[%arg0, %dma_wait3A_254, %dma_wait3A_255] : memref<2x800000x32xf32, #tpu.memory_space<hbm>> -> memref<1x800000x32xf32, #tpu.memory_space<hbm>>
      %dma_wait3A_257 = tpu.memref_squeeze %dma_wait3A_256 : memref<1x800000x32xf32, #tpu.memory_space<hbm>> -> memref<800000x32xf32, #tpu.memory_space<hbm>>
      %dma_wait3A_258 = arith.constant 0 : i32
      %dma_wait3A_259 = tpu.memref_slice %dma_wait3A_257[%add3A_253, %dma_wait3A_258] : memref<800000x32xf32, #tpu.memory_space<hbm>> -> memref<400x32xf32, #tpu.memory_space<hbm>>
      %dma_wait3A_260 = arith.constant 0 : i32
      %dma_wait3A_261 = arith.constant 0 : i32
      %dma_wait3A_262 = tpu.memref_slice %arg5[%arg0, %dma_wait3A_260, %dma_wait3A_261] : memref<2x800000x32xf32, #tpu.memory_space<hbm>> -> memref<1x800000x32xf32, #tpu.memory_space<hbm>>
      %dma_wait3A_263 = tpu.memref_squeeze %dma_wait3A_262 : memref<1x800000x32xf32, #tpu.memory_space<hbm>> -> memref<800000x32xf32, #tpu.memory_space<hbm>>
      %dma_wait3A_264 = arith.constant 0 : i32
      %dma_wait3A_265 = tpu.memref_slice %dma_wait3A_263[%add3A_253, %dma_wait3A_264] : memref<800000x32xf32, #tpu.memory_space<hbm>> -> memref<400x32xf32, #tpu.memory_space<hbm>>
      tpu.wait_dma2 semaphore(%arg18 : memref<!tpu.dma_semaphore, #tpu.memory_space<semaphore_mem>>) src(%dma_wait3A_265 : memref<400x32xf32, #tpu.memory_space<hbm>>) dst(%arg9 : memref<400x32xf32, #tpu.memory_space<vmem>>)
      %mul3A_266 = arith.constant 400 : i32
      %mul3A_267 = arith.muli %add3A_212, %mul3A_266 : i32
      %add3A_268 = arith.addi %mul3A_1, %mul3A_267 : i32
      %dma_wait3A_269 = tpu.memref_slice %arg4[%add3A_268] : memref<800000xi32, #tpu.memory_space<hbm>> -> memref<400xi32, #tpu.memory_space<hbm>>
      %dma_wait3A_270 = tpu.memref_slice %arg4[%add3A_268] : memref<800000xi32, #tpu.memory_space<hbm>> -> memref<400xi32, #tpu.memory_space<hbm>>
      tpu.wait_dma2 semaphore(%arg26 : memref<!tpu.dma_semaphore, #tpu.memory_space<semaphore_mem>>) src(%dma_wait3A_270 : memref<400xi32, #tpu.memory_space<hbm>>) dst(%arg13 : memref<400xi32, #tpu.memory_space<vmem>>)
      %dma_wait3A_271 = arith.constant 0 : i32
      %dma_wait3A_272 = tpu.memref_slice %arg2[%dma_wait3A_271] : memref<50000xf32, #tpu.memory_space<hbm>> -> memref<50000xf32, #tpu.memory_space<hbm>>
      tpu.wait_indirect_dma semaphore(%arg22 : memref<!tpu.dma_semaphore, #tpu.memory_space<semaphore_mem>>) src(%dma_wait3A_272 : memref<50000xf32, #tpu.memory_space<hbm>>) dst(%arg15 : memref<400xf32, #tpu.memory_space<vmem>>)
      %scan3A_273 = arith.constant 0 : i32
      %scan3A_274 = arith.constant 0 : i32
      %scan3A_275 = arith.constant 25 : i32
      %scan3A_276 = arith.addi %scan3A_274, %scan3A_275 : i32
      %scan3A_277 = arith.constant 1 : i32
      scf.for %scan3A_306 = %scan3A_274 to %scan3A_276 step %scan3A_277  : i32 {
        %mul3A_307 = arith.constant 16 : i32
        %mul3A_308 = arith.muli %scan3A_306, %mul3A_307 : i32
        %get3A = arith.index_cast %mul3A_308 : i32 to index
        %get3A_309 = tpu.vector_load %arg15[%get3A] {strides = array<i32>} : memref<400xf32, #tpu.memory_space<vmem>>, vector<16xf32>,
        %add3A_310 = vector.broadcast %mul3A_308 : i32 to vector<16xi32>
        %add3A_311 = arith.addi %iota3A, %add3A_310 : vector<16xi32>
        %broadcast_in_dim3A_312 = arith.constant 0 : i32
        %broadcast_in_dim3A_313 = vector.broadcast %broadcast_in_dim3A_312 : i32 to vector<16xi32>
        %gather3A = tpu.vector_load_idx %arg9[%add3A_311, %broadcast_in_dim3A_313] : memref<400x32xf32, #tpu.memory_space<vmem>>[vector<16xi32>, vector<16xi32>], vector<16xf32>,
        %mul3A_314 = arith.mulf %gather3A, %get3A_309 : vector<16xf32>
        tpu.vector_store_idx %arg9[%add3A_311, %broadcast_in_dim3A_313], %mul3A_314 : memref<400x32xf32, #tpu.memory_space<vmem>>[vector<16xi32>, vector<16xi32>], vector<16xf32>,
        %broadcast_in_dim3A_315 = arith.constant 1 : i32
        %broadcast_in_dim3A_316 = vector.broadcast %broadcast_in_dim3A_315 : i32 to vector<16xi32>
        %gather3A_317 = tpu.vector_load_idx %arg9[%add3A_311, %broadcast_in_dim3A_316] : memref<400x32xf32, #tpu.memory_space<vmem>>[vector<16xi32>, vector<16xi32>], vector<16xf32>,
        %mul3A_318 = arith.mulf %gather3A_317, %get3A_309 : vector<16xf32>
        tpu.vector_store_idx %arg9[%add3A_311, %broadcast_in_dim3A_316], %mul3A_318 : memref<400x32xf32, #tpu.memory_space<vmem>>[vector<16xi32>, vector<16xi32>], vector<16xf32>,
        %broadcast_in_dim3A_319 = arith.constant 2 : i32
        %broadcast_in_dim3A_320 = vector.broadcast %broadcast_in_dim3A_319 : i32 to vector<16xi32>
        %gather3A_321 = tpu.vector_load_idx %arg9[%add3A_311, %broadcast_in_dim3A_320] : memref<400x32xf32, #tpu.memory_space<vmem>>[vector<16xi32>, vector<16xi32>], vector<16xf32>,
        %mul3A_322 = arith.mulf %gather3A_321, %get3A_309 : vector<16xf32>
        tpu.vector_store_idx %arg9[%add3A_311, %broadcast_in_dim3A_320], %mul3A_322 : memref<400x32xf32, #tpu.memory_space<vmem>>[vector<16xi32>, vector<16xi32>], vector<16xf32>,
        %broadcast_in_dim3A_323 = arith.constant 3 : i32
        %broadcast_in_dim3A_324 = vector.broadcast %broadcast_in_dim3A_323 : i32 to vector<16xi32>
        %gather3A_325 = tpu.vector_load_idx %arg9[%add3A_311, %broadcast_in_dim3A_324] : memref<400x32xf32, #tpu.memory_space<vmem>>[vector<16xi32>, vector<16xi32>], vector<16xf32>,
        %mul3A_326 = arith.mulf %gather3A_325, %get3A_309 : vector<16xf32>
        tpu.vector_store_idx %arg9[%add3A_311, %broadcast_in_dim3A_324], %mul3A_326 : memref<400x32xf32, #tpu.memory_space<vmem>>[vector<16xi32>, vector<16xi32>], vector<16xf32>,
        %broadcast_in_dim3A_327 = arith.constant 4 : i32
        %broadcast_in_dim3A_328 = vector.broadcast %broadcast_in_dim3A_327 : i32 to vector<16xi32>
        %gather3A_329 = tpu.vector_load_idx %arg9[%add3A_311, %broadcast_in_dim3A_328] : memref<400x32xf32, #tpu.memory_space<vmem>>[vector<16xi32>, vector<16xi32>], vector<16xf32>,
        %mul3A_330 = arith.mulf %gather3A_329, %get3A_309 : vector<16xf32>
        tpu.vector_store_idx %arg9[%add3A_311, %broadcast_in_dim3A_328], %mul3A_330 : memref<400x32xf32, #tpu.memory_space<vmem>>[vector<16xi32>, vector<16xi32>], vector<16xf32>,
        %broadcast_in_dim3A_331 = arith.constant 5 : i32
        %broadcast_in_dim3A_332 = vector.broadcast %broadcast_in_dim3A_331 : i32 to vector<16xi32>
        %gather3A_333 = tpu.vector_load_idx %arg9[%add3A_311, %broadcast_in_dim3A_332] : memref<400x32xf32, #tpu.memory_space<vmem>>[vector<16xi32>, vector<16xi32>], vector<16xf32>,
        %mul3A_334 = arith.mulf %gather3A_333, %get3A_309 : vector<16xf32>
        tpu.vector_store_idx %arg9[%add3A_311, %broadcast_in_dim3A_332], %mul3A_334 : memref<400x32xf32, #tpu.memory_space<vmem>>[vector<16xi32>, vector<16xi32>], vector<16xf32>,
        %broadcast_in_dim3A_335 = arith.constant 6 : i32
        %broadcast_in_dim3A_336 = vector.broadcast %broadcast_in_dim3A_335 : i32 to vector<16xi32>
        %gather3A_337 = tpu.vector_load_idx %arg9[%add3A_311, %broadcast_in_dim3A_336] : memref<400x32xf32, #tpu.memory_space<vmem>>[vector<16xi32>, vector<16xi32>], vector<16xf32>,
        %mul3A_338 = arith.mulf %gather3A_337, %get3A_309 : vector<16xf32>
        tpu.vector_store_idx %arg9[%add3A_311, %broadcast_in_dim3A_336], %mul3A_338 : memref<400x32xf32, #tpu.memory_space<vmem>>[vector<16xi32>, vector<16xi32>], vector<16xf32>,
        %broadcast_in_dim3A_339 = arith.constant 7 : i32
        %broadcast_in_dim3A_340 = vector.broadcast %broadcast_in_dim3A_339 : i32 to vector<16xi32>
        %gather3A_341 = tpu.vector_load_idx %arg9[%add3A_311, %broadcast_in_dim3A_340] : memref<400x32xf32, #tpu.memory_space<vmem>>[vector<16xi32>, vector<16xi32>], vector<16xf32>,
        %mul3A_342 = arith.mulf %gather3A_341, %get3A_309 : vector<16xf32>
        tpu.vector_store_idx %arg9[%add3A_311, %broadcast_in_dim3A_340], %mul3A_342 : memref<400x32xf32, #tpu.memory_space<vmem>>[vector<16xi32>, vector<16xi32>], vector<16xf32>,
        %broadcast_in_dim3A_343 = arith.constant 8 : i32
        %broadcast_in_dim3A_344 = vector.broadcast %broadcast_in_dim3A_343 : i32 to vector<16xi32>
        %gather3A_345 = tpu.vector_load_idx %arg9[%add3A_311, %broadcast_in_dim3A_344] : memref<400x32xf32, #tpu.memory_space<vmem>>[vector<16xi32>, vector<16xi32>], vector<16xf32>,
        %mul3A_346 = arith.mulf %gather3A_345, %get3A_309 : vector<16xf32>
        tpu.vector_store_idx %arg9[%add3A_311, %broadcast_in_dim3A_344], %mul3A_346 : memref<400x32xf32, #tpu.memory_space<vmem>>[vector<16xi32>, vector<16xi32>], vector<16xf32>,
        %broadcast_in_dim3A_347 = arith.constant 9 : i32
        %broadcast_in_dim3A_348 = vector.broadcast %broadcast_in_dim3A_347 : i32 to vector<16xi32>
        %gather3A_349 = tpu.vector_load_idx %arg9[%add3A_311, %broadcast_in_dim3A_348] : memref<400x32xf32, #tpu.memory_space<vmem>>[vector<16xi32>, vector<16xi32>], vector<16xf32>,
        %mul3A_350 = arith.mulf %gather3A_349, %get3A_309 : vector<16xf32>
        tpu.vector_store_idx %arg9[%add3A_311, %broadcast_in_dim3A_348], %mul3A_350 : memref<400x32xf32, #tpu.memory_space<vmem>>[vector<16xi32>, vector<16xi32>], vector<16xf32>,
        %broadcast_in_dim3A_351 = arith.constant 10 : i32
        %broadcast_in_dim3A_352 = vector.broadcast %broadcast_in_dim3A_351 : i32 to vector<16xi32>
        %gather3A_353 = tpu.vector_load_idx %arg9[%add3A_311, %broadcast_in_dim3A_352] : memref<400x32xf32, #tpu.memory_space<vmem>>[vector<16xi32>, vector<16xi32>], vector<16xf32>,
        %mul3A_354 = arith.mulf %gather3A_353, %get3A_309 : vector<16xf32>
        tpu.vector_store_idx %arg9[%add3A_311, %broadcast_in_dim3A_352], %mul3A_354 : memref<400x32xf32, #tpu.memory_space<vmem>>[vector<16xi32>, vector<16xi32>], vector<16xf32>,
        %broadcast_in_dim3A_355 = arith.constant 11 : i32
        %broadcast_in_dim3A_356 = vector.broadcast %broadcast_in_dim3A_355 : i32 to vector<16xi32>
        %gather3A_357 = tpu.vector_load_idx %arg9[%add3A_311, %broadcast_in_dim3A_356] : memref<400x32xf32, #tpu.memory_space<vmem>>[vector<16xi32>, vector<16xi32>], vector<16xf32>,
        %mul3A_358 = arith.mulf %gather3A_357, %get3A_309 : vector<16xf32>
        tpu.vector_store_idx %arg9[%add3A_311, %broadcast_in_dim3A_356], %mul3A_358 : memref<400x32xf32, #tpu.memory_space<vmem>>[vector<16xi32>, vector<16xi32>], vector<16xf32>,
        %broadcast_in_dim3A_359 = arith.constant 12 : i32
        %broadcast_in_dim3A_360 = vector.broadcast %broadcast_in_dim3A_359 : i32 to vector<16xi32>
        %gather3A_361 = tpu.vector_load_idx %arg9[%add3A_311, %broadcast_in_dim3A_360] : memref<400x32xf32, #tpu.memory_space<vmem>>[vector<16xi32>, vector<16xi32>], vector<16xf32>,
        %mul3A_362 = arith.mulf %gather3A_361, %get3A_309 : vector<16xf32>
        tpu.vector_store_idx %arg9[%add3A_311, %broadcast_in_dim3A_360], %mul3A_362 : memref<400x32xf32, #tpu.memory_space<vmem>>[vector<16xi32>, vector<16xi32>], vector<16xf32>,
        %broadcast_in_dim3A_363 = arith.constant 13 : i32
        %broadcast_in_dim3A_364 = vector.broadcast %broadcast_in_dim3A_363 : i32 to vector<16xi32>
        %gather3A_365 = tpu.vector_load_idx %arg9[%add3A_311, %broadcast_in_dim3A_364] : memref<400x32xf32, #tpu.memory_space<vmem>>[vector<16xi32>, vector<16xi32>], vector<16xf32>,
        %mul3A_366 = arith.mulf %gather3A_365, %get3A_309 : vector<16xf32>
        tpu.vector_store_idx %arg9[%add3A_311, %broadcast_in_dim3A_364], %mul3A_366 : memref<400x32xf32, #tpu.memory_space<vmem>>[vector<16xi32>, vector<16xi32>], vector<16xf32>,
        %broadcast_in_dim3A_367 = arith.constant 14 : i32
        %broadcast_in_dim3A_368 = vector.broadcast %broadcast_in_dim3A_367 : i32 to vector<16xi32>
        %gather3A_369 = tpu.vector_load_idx %arg9[%add3A_311, %broadcast_in_dim3A_368] : memref<400x32xf32, #tpu.memory_space<vmem>>[vector<16xi32>, vector<16xi32>], vector<16xf32>,
        %mul3A_370 = arith.mulf %gather3A_369, %get3A_309 : vector<16xf32>
        tpu.vector_store_idx %arg9[%add3A_311, %broadcast_in_dim3A_368], %mul3A_370 : memref<400x32xf32, #tpu.memory_space<vmem>>[vector<16xi32>, vector<16xi32>], vector<16xf32>,
        %broadcast_in_dim3A_371 = arith.constant 15 : i32
        %broadcast_in_dim3A_372 = vector.broadcast %broadcast_in_dim3A_371 : i32 to vector<16xi32>
        %gather3A_373 = tpu.vector_load_idx %arg9[%add3A_311, %broadcast_in_dim3A_372] : memref<400x32xf32, #tpu.memory_space<vmem>>[vector<16xi32>, vector<16xi32>], vector<16xf32>,
        %mul3A_374 = arith.mulf %gather3A_373, %get3A_309 : vector<16xf32>
        tpu.vector_store_idx %arg9[%add3A_311, %broadcast_in_dim3A_372], %mul3A_374 : memref<400x32xf32, #tpu.memory_space<vmem>>[vector<16xi32>, vector<16xi32>], vector<16xf32>,
        %broadcast_in_dim3A_375 = arith.constant 16 : i32
        %broadcast_in_dim3A_376 = vector.broadcast %broadcast_in_dim3A_375 : i32 to vector<16xi32>
        %gather3A_377 = tpu.vector_load_idx %arg9[%add3A_311, %broadcast_in_dim3A_376] : memref<400x32xf32, #tpu.memory_space<vmem>>[vector<16xi32>, vector<16xi32>], vector<16xf32>,
        %mul3A_378 = arith.mulf %gather3A_377, %get3A_309 : vector<16xf32>
        tpu.vector_store_idx %arg9[%add3A_311, %broadcast_in_dim3A_376], %mul3A_378 : memref<400x32xf32, #tpu.memory_space<vmem>>[vector<16xi32>, vector<16xi32>], vector<16xf32>,
        %broadcast_in_dim3A_379 = arith.constant 17 : i32
        %broadcast_in_dim3A_380 = vector.broadcast %broadcast_in_dim3A_379 : i32 to vector<16xi32>
        %gather3A_381 = tpu.vector_load_idx %arg9[%add3A_311, %broadcast_in_dim3A_380] : memref<400x32xf32, #tpu.memory_space<vmem>>[vector<16xi32>, vector<16xi32>], vector<16xf32>,
        %mul3A_382 = arith.mulf %gather3A_381, %get3A_309 : vector<16xf32>
        tpu.vector_store_idx %arg9[%add3A_311, %broadcast_in_dim3A_380], %mul3A_382 : memref<400x32xf32, #tpu.memory_space<vmem>>[vector<16xi32>, vector<16xi32>], vector<16xf32>,
        %broadcast_in_dim3A_383 = arith.constant 18 : i32
        %broadcast_in_dim3A_384 = vector.broadcast %broadcast_in_dim3A_383 : i32 to vector<16xi32>
        %gather3A_385 = tpu.vector_load_idx %arg9[%add3A_311, %broadcast_in_dim3A_384] : memref<400x32xf32, #tpu.memory_space<vmem>>[vector<16xi32>, vector<16xi32>], vector<16xf32>,
        %mul3A_386 = arith.mulf %gather3A_385, %get3A_309 : vector<16xf32>
        tpu.vector_store_idx %arg9[%add3A_311, %broadcast_in_dim3A_384], %mul3A_386 : memref<400x32xf32, #tpu.memory_space<vmem>>[vector<16xi32>, vector<16xi32>], vector<16xf32>,
        %broadcast_in_dim3A_387 = arith.constant 19 : i32
        %broadcast_in_dim3A_388 = vector.broadcast %broadcast_in_dim3A_387 : i32 to vector<16xi32>
        %gather3A_389 = tpu.vector_load_idx %arg9[%add3A_311, %broadcast_in_dim3A_388] : memref<400x32xf32, #tpu.memory_space<vmem>>[vector<16xi32>, vector<16xi32>], vector<16xf32>,
        %mul3A_390 = arith.mulf %gather3A_389, %get3A_309 : vector<16xf32>
        tpu.vector_store_idx %arg9[%add3A_311, %broadcast_in_dim3A_388], %mul3A_390 : memref<400x32xf32, #tpu.memory_space<vmem>>[vector<16xi32>, vector<16xi32>], vector<16xf32>,
        %broadcast_in_dim3A_391 = arith.constant 20 : i32
        %broadcast_in_dim3A_392 = vector.broadcast %broadcast_in_dim3A_391 : i32 to vector<16xi32>
        %gather3A_393 = tpu.vector_load_idx %arg9[%add3A_311, %broadcast_in_dim3A_392] : memref<400x32xf32, #tpu.memory_space<vmem>>[vector<16xi32>, vector<16xi32>], vector<16xf32>,
        %mul3A_394 = arith.mulf %gather3A_393, %get3A_309 : vector<16xf32>
        tpu.vector_store_idx %arg9[%add3A_311, %broadcast_in_dim3A_392], %mul3A_394 : memref<400x32xf32, #tpu.memory_space<vmem>>[vector<16xi32>, vector<16xi32>], vector<16xf32>,
        %broadcast_in_dim3A_395 = arith.constant 21 : i32
        %broadcast_in_dim3A_396 = vector.broadcast %broadcast_in_dim3A_395 : i32 to vector<16xi32>
        %gather3A_397 = tpu.vector_load_idx %arg9[%add3A_311, %broadcast_in_dim3A_396] : memref<400x32xf32, #tpu.memory_space<vmem>>[vector<16xi32>, vector<16xi32>], vector<16xf32>,
        %mul3A_398 = arith.mulf %gather3A_397, %get3A_309 : vector<16xf32>
        tpu.vector_store_idx %arg9[%add3A_311, %broadcast_in_dim3A_396], %mul3A_398 : memref<400x32xf32, #tpu.memory_space<vmem>>[vector<16xi32>, vector<16xi32>], vector<16xf32>,
        %broadcast_in_dim3A_399 = arith.constant 22 : i32
        %broadcast_in_dim3A_400 = vector.broadcast %broadcast_in_dim3A_399 : i32 to vector<16xi32>
        %gather3A_401 = tpu.vector_load_idx %arg9[%add3A_311, %broadcast_in_dim3A_400] : memref<400x32xf32, #tpu.memory_space<vmem>>[vector<16xi32>, vector<16xi32>], vector<16xf32>,
        %mul3A_402 = arith.mulf %gather3A_401, %get3A_309 : vector<16xf32>
        tpu.vector_store_idx %arg9[%add3A_311, %broadcast_in_dim3A_400], %mul3A_402 : memref<400x32xf32, #tpu.memory_space<vmem>>[vector<16xi32>, vector<16xi32>], vector<16xf32>,
        %broadcast_in_dim3A_403 = arith.constant 23 : i32
        %broadcast_in_dim3A_404 = vector.broadcast %broadcast_in_dim3A_403 : i32 to vector<16xi32>
        %gather3A_405 = tpu.vector_load_idx %arg9[%add3A_311, %broadcast_in_dim3A_404] : memref<400x32xf32, #tpu.memory_space<vmem>>[vector<16xi32>, vector<16xi32>], vector<16xf32>,
        %mul3A_406 = arith.mulf %gather3A_405, %get3A_309 : vector<16xf32>
        tpu.vector_store_idx %arg9[%add3A_311, %broadcast_in_dim3A_404], %mul3A_406 : memref<400x32xf32, #tpu.memory_space<vmem>>[vector<16xi32>, vector<16xi32>], vector<16xf32>,
        %broadcast_in_dim3A_407 = arith.constant 24 : i32
        %broadcast_in_dim3A_408 = vector.broadcast %broadcast_in_dim3A_407 : i32 to vector<16xi32>
        %gather3A_409 = tpu.vector_load_idx %arg9[%add3A_311, %broadcast_in_dim3A_408] : memref<400x32xf32, #tpu.memory_space<vmem>>[vector<16xi32>, vector<16xi32>], vector<16xf32>,
        %mul3A_410 = arith.mulf %gather3A_409, %get3A_309 : vector<16xf32>
        tpu.vector_store_idx %arg9[%add3A_311, %broadcast_in_dim3A_408], %mul3A_410 : memref<400x32xf32, #tpu.memory_space<vmem>>[vector<16xi32>, vector<16xi32>], vector<16xf32>,
        %broadcast_in_dim3A_411 = arith.constant 25 : i32
        %broadcast_in_dim3A_412 = vector.broadcast %broadcast_in_dim3A_411 : i32 to vector<16xi32>
        %gather3A_413 = tpu.vector_load_idx %arg9[%add3A_311, %broadcast_in_dim3A_412] : memref<400x32xf32, #tpu.memory_space<vmem>>[vector<16xi32>, vector<16xi32>], vector<16xf32>,
        %mul3A_414 = arith.mulf %gather3A_413, %get3A_309 : vector<16xf32>
        tpu.vector_store_idx %arg9[%add3A_311, %broadcast_in_dim3A_412], %mul3A_414 : memref<400x32xf32, #tpu.memory_space<vmem>>[vector<16xi32>, vector<16xi32>], vector<16xf32>,
        %broadcast_in_dim3A_415 = arith.constant 26 : i32
        %broadcast_in_dim3A_416 = vector.broadcast %broadcast_in_dim3A_415 : i32 to vector<16xi32>
        %gather3A_417 = tpu.vector_load_idx %arg9[%add3A_311, %broadcast_in_dim3A_416] : memref<400x32xf32, #tpu.memory_space<vmem>>[vector<16xi32>, vector<16xi32>], vector<16xf32>,
        %mul3A_418 = arith.mulf %gather3A_417, %get3A_309 : vector<16xf32>
        tpu.vector_store_idx %arg9[%add3A_311, %broadcast_in_dim3A_416], %mul3A_418 : memref<400x32xf32, #tpu.memory_space<vmem>>[vector<16xi32>, vector<16xi32>], vector<16xf32>,
        %broadcast_in_dim3A_419 = arith.constant 27 : i32
        %broadcast_in_dim3A_420 = vector.broadcast %broadcast_in_dim3A_419 : i32 to vector<16xi32>
        %gather3A_421 = tpu.vector_load_idx %arg9[%add3A_311, %broadcast_in_dim3A_420] : memref<400x32xf32, #tpu.memory_space<vmem>>[vector<16xi32>, vector<16xi32>], vector<16xf32>,
        %mul3A_422 = arith.mulf %gather3A_421, %get3A_309 : vector<16xf32>
        tpu.vector_store_idx %arg9[%add3A_311, %broadcast_in_dim3A_420], %mul3A_422 : memref<400x32xf32, #tpu.memory_space<vmem>>[vector<16xi32>, vector<16xi32>], vector<16xf32>,
        %broadcast_in_dim3A_423 = arith.constant 28 : i32
        %broadcast_in_dim3A_424 = vector.broadcast %broadcast_in_dim3A_423 : i32 to vector<16xi32>
        %gather3A_425 = tpu.vector_load_idx %arg9[%add3A_311, %broadcast_in_dim3A_424] : memref<400x32xf32, #tpu.memory_space<vmem>>[vector<16xi32>, vector<16xi32>], vector<16xf32>,
        %mul3A_426 = arith.mulf %gather3A_425, %get3A_309 : vector<16xf32>
        tpu.vector_store_idx %arg9[%add3A_311, %broadcast_in_dim3A_424], %mul3A_426 : memref<400x32xf32, #tpu.memory_space<vmem>>[vector<16xi32>, vector<16xi32>], vector<16xf32>,
        %broadcast_in_dim3A_427 = arith.constant 29 : i32
        %broadcast_in_dim3A_428 = vector.broadcast %broadcast_in_dim3A_427 : i32 to vector<16xi32>
        %gather3A_429 = tpu.vector_load_idx %arg9[%add3A_311, %broadcast_in_dim3A_428] : memref<400x32xf32, #tpu.memory_space<vmem>>[vector<16xi32>, vector<16xi32>], vector<16xf32>,
        %mul3A_430 = arith.mulf %gather3A_429, %get3A_309 : vector<16xf32>
        tpu.vector_store_idx %arg9[%add3A_311, %broadcast_in_dim3A_428], %mul3A_430 : memref<400x32xf32, #tpu.memory_space<vmem>>[vector<16xi32>, vector<16xi32>], vector<16xf32>,
        %broadcast_in_dim3A_431 = arith.constant 30 : i32
        %broadcast_in_dim3A_432 = vector.broadcast %broadcast_in_dim3A_431 : i32 to vector<16xi32>
        %gather3A_433 = tpu.vector_load_idx %arg9[%add3A_311, %broadcast_in_dim3A_432] : memref<400x32xf32, #tpu.memory_space<vmem>>[vector<16xi32>, vector<16xi32>], vector<16xf32>,
        %mul3A_434 = arith.mulf %gather3A_433, %get3A_309 : vector<16xf32>
        tpu.vector_store_idx %arg9[%add3A_311, %broadcast_in_dim3A_432], %mul3A_434 : memref<400x32xf32, #tpu.memory_space<vmem>>[vector<16xi32>, vector<16xi32>], vector<16xf32>,
        %broadcast_in_dim3A_435 = arith.constant 31 : i32
        %broadcast_in_dim3A_436 = vector.broadcast %broadcast_in_dim3A_435 : i32 to vector<16xi32>
        %gather3A_437 = tpu.vector_load_idx %arg9[%add3A_311, %broadcast_in_dim3A_436] : memref<400x32xf32, #tpu.memory_space<vmem>>[vector<16xi32>, vector<16xi32>], vector<16xf32>,
        %mul3A_438 = arith.mulf %gather3A_437, %get3A_309 : vector<16xf32>
        tpu.vector_store_idx %arg9[%add3A_311, %broadcast_in_dim3A_436], %mul3A_438 : memref<400x32xf32, #tpu.memory_space<vmem>>[vector<16xi32>, vector<16xi32>], vector<16xf32>,
      }
      %scan3A_278 = arith.constant 25 : i32
      %mul3A_279 = arith.constant 400 : i32
      %mul3A_280 = arith.muli %add3A_212, %mul3A_279 : i32
      %add3A_281 = arith.addi %mul3A_1, %mul3A_280 : i32
      %dma_start3A_282 = arith.constant 0 : i32
      %dma_start3A_283 = arith.constant 0 : i32
      %dma_start3A_284 = tpu.memref_slice %arg7[%arg0, %dma_start3A_282, %dma_start3A_283] : memref<2x800000x32xf32, #tpu.memory_space<hbm>> -> memref<1x800000x32xf32, #tpu.memory_space<hbm>>
      %dma_start3A_285 = tpu.memref_squeeze %dma_start3A_284 : memref<1x800000x32xf32, #tpu.memory_space<hbm>> -> memref<800000x32xf32, #tpu.memory_space<hbm>>
      %dma_start3A_286 = arith.constant 0 : i32
      %dma_start3A_287 = tpu.memref_slice %dma_start3A_285[%add3A_281, %dma_start3A_286] : memref<800000x32xf32, #tpu.memory_space<hbm>> -> memref<400x32xf32, #tpu.memory_space<hbm>>
      %dma_start3A_288 = arith.constant 0 : i32
      %dma_start3A_289 = arith.constant 0 : i32
      %dma_start3A_290 = tpu.memref_slice %arg7[%arg0, %dma_start3A_288, %dma_start3A_289] : memref<2x800000x32xf32, #tpu.memory_space<hbm>> -> memref<1x800000x32xf32, #tpu.memory_space<hbm>>
      %dma_start3A_291 = tpu.memref_squeeze %dma_start3A_290 : memref<1x800000x32xf32, #tpu.memory_space<hbm>> -> memref<800000x32xf32, #tpu.memory_space<hbm>>
      %dma_start3A_292 = arith.constant 0 : i32
      %dma_start3A_293 = tpu.memref_slice %dma_start3A_291[%add3A_281, %dma_start3A_292] : memref<800000x32xf32, #tpu.memory_space<hbm>> -> memref<400x32xf32, #tpu.memory_space<hbm>>
      tpu.enqueue_dma source(%arg9 : memref<400x32xf32, #tpu.memory_space<vmem>>) target(%dma_start3A_293 : memref<400x32xf32, #tpu.memory_space<hbm>>) target_semaphore(%arg20 : memref<!tpu.dma_semaphore, #tpu.memory_space<semaphore_mem>>)
      %dma_start3A_294 = arith.constant 0 : i32
      %dma_start3A_295 = arith.constant 0 : i32
      %dma_start3A_296 = tpu.memref_slice %arg16[%dma_start3A_294, %dma_start3A_295] : memref<50048x32xf32, #tpu.memory_space<vmem_shared>> -> memref<50048x32xf32, #tpu.memory_space<vmem_shared>>
      tpu.enqueue_indirect_dma source(%arg9 : memref<400x32xf32, #tpu.memory_space<vmem>>) target(%dma_start3A_296 : memref<50048x32xf32, #tpu.memory_space<vmem_shared>>) offsets(%arg13 : memref<400xi32, #tpu.memory_space<vmem>>) semaphore(%arg28 : memref<!tpu.dma_semaphore, #tpu.memory_space<semaphore_mem>>) {add = true}
      %add3A_297 = arith.constant 1 : i32
      %add3A_298 = arith.addi %add3A_212, %add3A_297 : i32
      %mul3A_299 = arith.constant 400 : i32
      %mul3A_300 = arith.muli %add3A_298, %mul3A_299 : i32
      %add3A_301 = arith.addi %mul3A_1, %mul3A_300 : i32
      %dma_wait3A_302 = tpu.memref_slice %arg3[%add3A_301] : memref<800000xi32, #tpu.memory_space<hbm>> -> memref<400xi32, #tpu.memory_space<hbm>>
      %dma_wait3A_303 = tpu.memref_slice %arg3[%add3A_301] : memref<800000xi32, #tpu.memory_space<hbm>> -> memref<400xi32, #tpu.memory_space<hbm>>
      tpu.wait_dma2 semaphore(%arg23 : memref<!tpu.dma_semaphore, #tpu.memory_space<semaphore_mem>>) src(%dma_wait3A_303 : memref<400xi32, #tpu.memory_space<hbm>>) dst(%arg10 : memref<400xi32, #tpu.memory_space<vmem>>)
      %dma_start3A_304 = arith.constant 0 : i32
      %dma_start3A_305 = tpu.memref_slice %arg2[%dma_start3A_304] : memref<50000xf32, #tpu.memory_space<hbm>> -> memref<50000xf32, #tpu.memory_space<hbm>>
      tpu.enqueue_indirect_dma source(%dma_start3A_305 : memref<50000xf32, #tpu.memory_space<hbm>>) target(%arg14 : memref<400xf32, #tpu.memory_space<vmem>>) offsets(%arg10 : memref<400xi32, #tpu.memory_space<vmem>>) semaphore(%arg21 : memref<!tpu.dma_semaphore, #tpu.memory_space<semaphore_mem>>)
    }
    %scan3A_51 = arith.constant 62 : i32
    %add3A_52 = arith.constant 49600 : i32
    %add3A_53 = arith.addi %mul3A_1, %add3A_52 : i32
    %dma_wait3A_54 = arith.constant 0 : i32
    %dma_wait3A_55 = arith.constant 0 : i32
    %dma_wait3A_56 = tpu.memref_slice %arg5[%arg0, %dma_wait3A_54, %dma_wait3A_55] : memref<2x800000x32xf32, #tpu.memory_space<hbm>> -> memref<1x800000x32xf32, #tpu.memory_space<hbm>>
    %dma_wait3A_57 = tpu.memref_squeeze %dma_wait3A_56 : memref<1x800000x32xf32, #tpu.memory_space<hbm>> -> memref<800000x32xf32, #tpu.memory_space<hbm>>
    %dma_wait3A_58 = arith.constant 0 : i32
    %dma_wait3A_59 = tpu.memref_slice %dma_wait3A_57[%add3A_53, %dma_wait3A_58] : memref<800000x32xf32, #tpu.memory_space<hbm>> -> memref<400x32xf32, #tpu.memory_space<hbm>>
    %dma_wait3A_60 = arith.constant 0 : i32
    %dma_wait3A_61 = arith.constant 0 : i32
    %dma_wait3A_62 = tpu.memref_slice %arg5[%arg0, %dma_wait3A_60, %dma_wait3A_61] : memref<2x800000x32xf32, #tpu.memory_space<hbm>> -> memref<1x800000x32xf32, #tpu.memory_space<hbm>>
    %dma_wait3A_63 = tpu.memref_squeeze %dma_wait3A_62 : memref<1x800000x32xf32, #tpu.memory_space<hbm>> -> memref<800000x32xf32, #tpu.memory_space<hbm>>
    %dma_wait3A_64 = arith.constant 0 : i32
    %dma_wait3A_65 = tpu.memref_slice %dma_wait3A_63[%add3A_53, %dma_wait3A_64] : memref<800000x32xf32, #tpu.memory_space<hbm>> -> memref<400x32xf32, #tpu.memory_space<hbm>>
    tpu.wait_dma2 semaphore(%arg17 : memref<!tpu.dma_semaphore, #tpu.memory_space<semaphore_mem>>) src(%dma_wait3A_65 : memref<400x32xf32, #tpu.memory_space<hbm>>) dst(%arg8 : memref<400x32xf32, #tpu.memory_space<vmem>>)
    %add3A_66 = arith.constant 49600 : i32
    %add3A_67 = arith.addi %mul3A_1, %add3A_66 : i32
    %dma_wait3A_68 = tpu.memref_slice %arg4[%add3A_67] : memref<800000xi32, #tpu.memory_space<hbm>> -> memref<400xi32, #tpu.memory_space<hbm>>
    %dma_wait3A_69 = tpu.memref_slice %arg4[%add3A_67] : memref<800000xi32, #tpu.memory_space<hbm>> -> memref<400xi32, #tpu.memory_space<hbm>>
    tpu.wait_dma2 semaphore(%arg25 : memref<!tpu.dma_semaphore, #tpu.memory_space<semaphore_mem>>) src(%dma_wait3A_69 : memref<400xi32, #tpu.memory_space<hbm>>) dst(%arg12 : memref<400xi32, #tpu.memory_space<vmem>>)
    %dma_wait3A_70 = arith.constant 0 : i32
    %dma_wait3A_71 = tpu.memref_slice %arg2[%dma_wait3A_70] : memref<50000xf32, #tpu.memory_space<hbm>> -> memref<50000xf32, #tpu.memory_space<hbm>>
    tpu.wait_indirect_dma semaphore(%arg21 : memref<!tpu.dma_semaphore, #tpu.memory_space<semaphore_mem>>) src(%dma_wait3A_71 : memref<50000xf32, #tpu.memory_space<hbm>>) dst(%arg14 : memref<400xf32, #tpu.memory_space<vmem>>)
    %scan3A_72 = arith.constant 0 : i32
    %scan3A_73 = arith.constant 0 : i32
    %scan3A_74 = arith.constant 25 : i32
    %scan3A_75 = arith.addi %scan3A_73, %scan3A_74 : i32
    %scan3A_76 = arith.constant 1 : i32
    scf.for %scan3A_130 = %scan3A_73 to %scan3A_75 step %scan3A_76  : i32 {
      %mul3A_131 = arith.constant 16 : i32
      %mul3A_132 = arith.muli %scan3A_130, %mul3A_131 : i32
      %get3A = arith.index_cast %mul3A_132 : i32 to index
      %get3A_133 = tpu.vector_load %arg14[%get3A] {strides = array<i32>} : memref<400xf32, #tpu.memory_space<vmem>>, vector<16xf32>,
      %add3A_134 = vector.broadcast %mul3A_132 : i32 to vector<16xi32>
      %add3A_135 = arith.addi %iota3A, %add3A_134 : vector<16xi32>
      %broadcast_in_dim3A_136 = arith.constant 0 : i32
      %broadcast_in_dim3A_137 = vector.broadcast %broadcast_in_dim3A_136 : i32 to vector<16xi32>
      %gather3A = tpu.vector_load_idx %arg8[%add3A_135, %broadcast_in_dim3A_137] : memref<400x32xf32, #tpu.memory_space<vmem>>[vector<16xi32>, vector<16xi32>], vector<16xf32>,
      %mul3A_138 = arith.mulf %gather3A, %get3A_133 : vector<16xf32>
      tpu.vector_store_idx %arg8[%add3A_135, %broadcast_in_dim3A_137], %mul3A_138 : memref<400x32xf32, #tpu.memory_space<vmem>>[vector<16xi32>, vector<16xi32>], vector<16xf32>,
      %broadcast_in_dim3A_139 = arith.constant 1 : i32
      %broadcast_in_dim3A_140 = vector.broadcast %broadcast_in_dim3A_139 : i32 to vector<16xi32>
      %gather3A_141 = tpu.vector_load_idx %arg8[%add3A_135, %broadcast_in_dim3A_140] : memref<400x32xf32, #tpu.memory_space<vmem>>[vector<16xi32>, vector<16xi32>], vector<16xf32>,
      %mul3A_142 = arith.mulf %gather3A_141, %get3A_133 : vector<16xf32>
      tpu.vector_store_idx %arg8[%add3A_135, %broadcast_in_dim3A_140], %mul3A_142 : memref<400x32xf32, #tpu.memory_space<vmem>>[vector<16xi32>, vector<16xi32>], vector<16xf32>,
      %broadcast_in_dim3A_143 = arith.constant 2 : i32
      %broadcast_in_dim3A_144 = vector.broadcast %broadcast_in_dim3A_143 : i32 to vector<16xi32>
      %gather3A_145 = tpu.vector_load_idx %arg8[%add3A_135, %broadcast_in_dim3A_144] : memref<400x32xf32, #tpu.memory_space<vmem>>[vector<16xi32>, vector<16xi32>], vector<16xf32>,
      %mul3A_146 = arith.mulf %gather3A_145, %get3A_133 : vector<16xf32>
      tpu.vector_store_idx %arg8[%add3A_135, %broadcast_in_dim3A_144], %mul3A_146 : memref<400x32xf32, #tpu.memory_space<vmem>>[vector<16xi32>, vector<16xi32>], vector<16xf32>,
      %broadcast_in_dim3A_147 = arith.constant 3 : i32
      %broadcast_in_dim3A_148 = vector.broadcast %broadcast_in_dim3A_147 : i32 to vector<16xi32>
      %gather3A_149 = tpu.vector_load_idx %arg8[%add3A_135, %broadcast_in_dim3A_148] : memref<400x32xf32, #tpu.memory_space<vmem>>[vector<16xi32>, vector<16xi32>], vector<16xf32>,
      %mul3A_150 = arith.mulf %gather3A_149, %get3A_133 : vector<16xf32>
      tpu.vector_store_idx %arg8[%add3A_135, %broadcast_in_dim3A_148], %mul3A_150 : memref<400x32xf32, #tpu.memory_space<vmem>>[vector<16xi32>, vector<16xi32>], vector<16xf32>,
      %broadcast_in_dim3A_151 = arith.constant 4 : i32
      %broadcast_in_dim3A_152 = vector.broadcast %broadcast_in_dim3A_151 : i32 to vector<16xi32>
      %gather3A_153 = tpu.vector_load_idx %arg8[%add3A_135, %broadcast_in_dim3A_152] : memref<400x32xf32, #tpu.memory_space<vmem>>[vector<16xi32>, vector<16xi32>], vector<16xf32>,
      %mul3A_154 = arith.mulf %gather3A_153, %get3A_133 : vector<16xf32>
      tpu.vector_store_idx %arg8[%add3A_135, %broadcast_in_dim3A_152], %mul3A_154 : memref<400x32xf32, #tpu.memory_space<vmem>>[vector<16xi32>, vector<16xi32>], vector<16xf32>,
      %broadcast_in_dim3A_155 = arith.constant 5 : i32
      %broadcast_in_dim3A_156 = vector.broadcast %broadcast_in_dim3A_155 : i32 to vector<16xi32>
      %gather3A_157 = tpu.vector_load_idx %arg8[%add3A_135, %broadcast_in_dim3A_156] : memref<400x32xf32, #tpu.memory_space<vmem>>[vector<16xi32>, vector<16xi32>], vector<16xf32>,
      %mul3A_158 = arith.mulf %gather3A_157, %get3A_133 : vector<16xf32>
      tpu.vector_store_idx %arg8[%add3A_135, %broadcast_in_dim3A_156], %mul3A_158 : memref<400x32xf32, #tpu.memory_space<vmem>>[vector<16xi32>, vector<16xi32>], vector<16xf32>,
      %broadcast_in_dim3A_159 = arith.constant 6 : i32
      %broadcast_in_dim3A_160 = vector.broadcast %broadcast_in_dim3A_159 : i32 to vector<16xi32>
      %gather3A_161 = tpu.vector_load_idx %arg8[%add3A_135, %broadcast_in_dim3A_160] : memref<400x32xf32, #tpu.memory_space<vmem>>[vector<16xi32>, vector<16xi32>], vector<16xf32>,
      %mul3A_162 = arith.mulf %gather3A_161, %get3A_133 : vector<16xf32>
      tpu.vector_store_idx %arg8[%add3A_135, %broadcast_in_dim3A_160], %mul3A_162 : memref<400x32xf32, #tpu.memory_space<vmem>>[vector<16xi32>, vector<16xi32>], vector<16xf32>,
      %broadcast_in_dim3A_163 = arith.constant 7 : i32
      %broadcast_in_dim3A_164 = vector.broadcast %broadcast_in_dim3A_163 : i32 to vector<16xi32>
      %gather3A_165 = tpu.vector_load_idx %arg8[%add3A_135, %broadcast_in_dim3A_164] : memref<400x32xf32, #tpu.memory_space<vmem>>[vector<16xi32>, vector<16xi32>], vector<16xf32>,
      %mul3A_166 = arith.mulf %gather3A_165, %get3A_133 : vector<16xf32>
      tpu.vector_store_idx %arg8[%add3A_135, %broadcast_in_dim3A_164], %mul3A_166 : memref<400x32xf32, #tpu.memory_space<vmem>>[vector<16xi32>, vector<16xi32>], vector<16xf32>,
      %broadcast_in_dim3A_167 = arith.constant 8 : i32
      %broadcast_in_dim3A_168 = vector.broadcast %broadcast_in_dim3A_167 : i32 to vector<16xi32>
      %gather3A_169 = tpu.vector_load_idx %arg8[%add3A_135, %broadcast_in_dim3A_168] : memref<400x32xf32, #tpu.memory_space<vmem>>[vector<16xi32>, vector<16xi32>], vector<16xf32>,
      %mul3A_170 = arith.mulf %gather3A_169, %get3A_133 : vector<16xf32>
      tpu.vector_store_idx %arg8[%add3A_135, %broadcast_in_dim3A_168], %mul3A_170 : memref<400x32xf32, #tpu.memory_space<vmem>>[vector<16xi32>, vector<16xi32>], vector<16xf32>,
      %broadcast_in_dim3A_171 = arith.constant 9 : i32
      %broadcast_in_dim3A_172 = vector.broadcast %broadcast_in_dim3A_171 : i32 to vector<16xi32>
      %gather3A_173 = tpu.vector_load_idx %arg8[%add3A_135, %broadcast_in_dim3A_172] : memref<400x32xf32, #tpu.memory_space<vmem>>[vector<16xi32>, vector<16xi32>], vector<16xf32>,
      %mul3A_174 = arith.mulf %gather3A_173, %get3A_133 : vector<16xf32>
      tpu.vector_store_idx %arg8[%add3A_135, %broadcast_in_dim3A_172], %mul3A_174 : memref<400x32xf32, #tpu.memory_space<vmem>>[vector<16xi32>, vector<16xi32>], vector<16xf32>,
      %broadcast_in_dim3A_175 = arith.constant 10 : i32
      %broadcast_in_dim3A_176 = vector.broadcast %broadcast_in_dim3A_175 : i32 to vector<16xi32>
      %gather3A_177 = tpu.vector_load_idx %arg8[%add3A_135, %broadcast_in_dim3A_176] : memref<400x32xf32, #tpu.memory_space<vmem>>[vector<16xi32>, vector<16xi32>], vector<16xf32>,
      %mul3A_178 = arith.mulf %gather3A_177, %get3A_133 : vector<16xf32>
      tpu.vector_store_idx %arg8[%add3A_135, %broadcast_in_dim3A_176], %mul3A_178 : memref<400x32xf32, #tpu.memory_space<vmem>>[vector<16xi32>, vector<16xi32>], vector<16xf32>,
      %broadcast_in_dim3A_179 = arith.constant 11 : i32
      %broadcast_in_dim3A_180 = vector.broadcast %broadcast_in_dim3A_179 : i32 to vector<16xi32>
      %gather3A_181 = tpu.vector_load_idx %arg8[%add3A_135, %broadcast_in_dim3A_180] : memref<400x32xf32, #tpu.memory_space<vmem>>[vector<16xi32>, vector<16xi32>], vector<16xf32>,
      %mul3A_182 = arith.mulf %gather3A_181, %get3A_133 : vector<16xf32>
      tpu.vector_store_idx %arg8[%add3A_135, %broadcast_in_dim3A_180], %mul3A_182 : memref<400x32xf32, #tpu.memory_space<vmem>>[vector<16xi32>, vector<16xi32>], vector<16xf32>,
      %broadcast_in_dim3A_183 = arith.constant 12 : i32
      %broadcast_in_dim3A_184 = vector.broadcast %broadcast_in_dim3A_183 : i32 to vector<16xi32>
      %gather3A_185 = tpu.vector_load_idx %arg8[%add3A_135, %broadcast_in_dim3A_184] : memref<400x32xf32, #tpu.memory_space<vmem>>[vector<16xi32>, vector<16xi32>], vector<16xf32>,
      %mul3A_186 = arith.mulf %gather3A_185, %get3A_133 : vector<16xf32>
      tpu.vector_store_idx %arg8[%add3A_135, %broadcast_in_dim3A_184], %mul3A_186 : memref<400x32xf32, #tpu.memory_space<vmem>>[vector<16xi32>, vector<16xi32>], vector<16xf32>,
      %broadcast_in_dim3A_187 = arith.constant 13 : i32
      %broadcast_in_dim3A_188 = vector.broadcast %broadcast_in_dim3A_187 : i32 to vector<16xi32>
      %gather3A_189 = tpu.vector_load_idx %arg8[%add3A_135, %broadcast_in_dim3A_188] : memref<400x32xf32, #tpu.memory_space<vmem>>[vector<16xi32>, vector<16xi32>], vector<16xf32>,
      %mul3A_190 = arith.mulf %gather3A_189, %get3A_133 : vector<16xf32>
      tpu.vector_store_idx %arg8[%add3A_135, %broadcast_in_dim3A_188], %mul3A_190 : memref<400x32xf32, #tpu.memory_space<vmem>>[vector<16xi32>, vector<16xi32>], vector<16xf32>,
      %broadcast_in_dim3A_191 = arith.constant 14 : i32
      %broadcast_in_dim3A_192 = vector.broadcast %broadcast_in_dim3A_191 : i32 to vector<16xi32>
      %gather3A_193 = tpu.vector_load_idx %arg8[%add3A_135, %broadcast_in_dim3A_192] : memref<400x32xf32, #tpu.memory_space<vmem>>[vector<16xi32>, vector<16xi32>], vector<16xf32>,
      %mul3A_194 = arith.mulf %gather3A_193, %get3A_133 : vector<16xf32>
      tpu.vector_store_idx %arg8[%add3A_135, %broadcast_in_dim3A_192], %mul3A_194 : memref<400x32xf32, #tpu.memory_space<vmem>>[vector<16xi32>, vector<16xi32>], vector<16xf32>,
      %broadcast_in_dim3A_195 = arith.constant 15 : i32
      %broadcast_in_dim3A_196 = vector.broadcast %broadcast_in_dim3A_195 : i32 to vector<16xi32>
      %gather3A_197 = tpu.vector_load_idx %arg8[%add3A_135, %broadcast_in_dim3A_196] : memref<400x32xf32, #tpu.memory_space<vmem>>[vector<16xi32>, vector<16xi32>], vector<16xf32>,
      %mul3A_198 = arith.mulf %gather3A_197, %get3A_133 : vector<16xf32>
      tpu.vector_store_idx %arg8[%add3A_135, %broadcast_in_dim3A_196], %mul3A_198 : memref<400x32xf32, #tpu.memory_space<vmem>>[vector<16xi32>, vector<16xi32>], vector<16xf32>,
      %broadcast_in_dim3A_199 = arith.constant 16 : i32
      %broadcast_in_dim3A_200 = vector.broadcast %broadcast_in_dim3A_199 : i32 to vector<16xi32>
      %gather3A_201 = tpu.vector_load_idx %arg8[%add3A_135, %broadcast_in_dim3A_200] : memref<400x32xf32, #tpu.memory_space<vmem>>[vector<16xi32>, vector<16xi32>], vector<16xf32>,
      %mul3A_202 = arith.mulf %gather3A_201, %get3A_133 : vector<16xf32>
      tpu.vector_store_idx %arg8[%add3A_135, %broadcast_in_dim3A_200], %mul3A_202 : memref<400x32xf32, #tpu.memory_space<vmem>>[vector<16xi32>, vector<16xi32>], vector<16xf32>,
      %broadcast_in_dim3A_203 = arith.constant 17 : i32
      %broadcast_in_dim3A_204 = vector.broadcast %broadcast_in_dim3A_203 : i32 to vector<16xi32>
      %gather3A_205 = tpu.vector_load_idx %arg8[%add3A_135, %broadcast_in_dim3A_204] : memref<400x32xf32, #tpu.memory_space<vmem>>[vector<16xi32>, vector<16xi32>], vector<16xf32>,
      %mul3A_206 = arith.mulf %gather3A_205, %get3A_133 : vector<16xf32>
      tpu.vector_store_idx %arg8[%add3A_135, %broadcast_in_dim3A_204], %mul3A_206 : memref<400x32xf32, #tpu.memory_space<vmem>>[vector<16xi32>, vector<16xi32>], vector<16xf32>,
      %broadcast_in_dim3A_207 = arith.constant 18 : i32
      %broadcast_in_dim3A_208 = vector.broadcast %broadcast_in_dim3A_207 : i32 to vector<16xi32>
      %gather3A_209 = tpu.vector_load_idx %arg8[%add3A_135, %broadcast_in_dim3A_208] : memref<400x32xf32, #tpu.memory_space<vmem>>[vector<16xi32>, vector<16xi32>], vector<16xf32>,
      %mul3A_210 = arith.mulf %gather3A_209, %get3A_133 : vector<16xf32>
      tpu.vector_store_idx %arg8[%add3A_135, %broadcast_in_dim3A_208], %mul3A_210 : memref<400x32xf32, #tpu.memory_space<vmem>>[vector<16xi32>, vector<16xi32>], vector<16xf32>,
      %broadcast_in_dim3A_211 = arith.constant 19 : i32
      %broadcast_in_dim3A_212 = vector.broadcast %broadcast_in_dim3A_211 : i32 to vector<16xi32>
      %gather3A_213 = tpu.vector_load_idx %arg8[%add3A_135, %broadcast_in_dim3A_212] : memref<400x32xf32, #tpu.memory_space<vmem>>[vector<16xi32>, vector<16xi32>], vector<16xf32>,
      %mul3A_214 = arith.mulf %gather3A_213, %get3A_133 : vector<16xf32>
      tpu.vector_store_idx %arg8[%add3A_135, %broadcast_in_dim3A_212], %mul3A_214 : memref<400x32xf32, #tpu.memory_space<vmem>>[vector<16xi32>, vector<16xi32>], vector<16xf32>,
      %broadcast_in_dim3A_215 = arith.constant 20 : i32
      %broadcast_in_dim3A_216 = vector.broadcast %broadcast_in_dim3A_215 : i32 to vector<16xi32>
      %gather3A_217 = tpu.vector_load_idx %arg8[%add3A_135, %broadcast_in_dim3A_216] : memref<400x32xf32, #tpu.memory_space<vmem>>[vector<16xi32>, vector<16xi32>], vector<16xf32>,
      %mul3A_218 = arith.mulf %gather3A_217, %get3A_133 : vector<16xf32>
      tpu.vector_store_idx %arg8[%add3A_135, %broadcast_in_dim3A_216], %mul3A_218 : memref<400x32xf32, #tpu.memory_space<vmem>>[vector<16xi32>, vector<16xi32>], vector<16xf32>,
      %broadcast_in_dim3A_219 = arith.constant 21 : i32
      %broadcast_in_dim3A_220 = vector.broadcast %broadcast_in_dim3A_219 : i32 to vector<16xi32>
      %gather3A_221 = tpu.vector_load_idx %arg8[%add3A_135, %broadcast_in_dim3A_220] : memref<400x32xf32, #tpu.memory_space<vmem>>[vector<16xi32>, vector<16xi32>], vector<16xf32>,
      %mul3A_222 = arith.mulf %gather3A_221, %get3A_133 : vector<16xf32>
      tpu.vector_store_idx %arg8[%add3A_135, %broadcast_in_dim3A_220], %mul3A_222 : memref<400x32xf32, #tpu.memory_space<vmem>>[vector<16xi32>, vector<16xi32>], vector<16xf32>,
      %broadcast_in_dim3A_223 = arith.constant 22 : i32
      %broadcast_in_dim3A_224 = vector.broadcast %broadcast_in_dim3A_223 : i32 to vector<16xi32>
      %gather3A_225 = tpu.vector_load_idx %arg8[%add3A_135, %broadcast_in_dim3A_224] : memref<400x32xf32, #tpu.memory_space<vmem>>[vector<16xi32>, vector<16xi32>], vector<16xf32>,
      %mul3A_226 = arith.mulf %gather3A_225, %get3A_133 : vector<16xf32>
      tpu.vector_store_idx %arg8[%add3A_135, %broadcast_in_dim3A_224], %mul3A_226 : memref<400x32xf32, #tpu.memory_space<vmem>>[vector<16xi32>, vector<16xi32>], vector<16xf32>,
      %broadcast_in_dim3A_227 = arith.constant 23 : i32
      %broadcast_in_dim3A_228 = vector.broadcast %broadcast_in_dim3A_227 : i32 to vector<16xi32>
      %gather3A_229 = tpu.vector_load_idx %arg8[%add3A_135, %broadcast_in_dim3A_228] : memref<400x32xf32, #tpu.memory_space<vmem>>[vector<16xi32>, vector<16xi32>], vector<16xf32>,
      %mul3A_230 = arith.mulf %gather3A_229, %get3A_133 : vector<16xf32>
      tpu.vector_store_idx %arg8[%add3A_135, %broadcast_in_dim3A_228], %mul3A_230 : memref<400x32xf32, #tpu.memory_space<vmem>>[vector<16xi32>, vector<16xi32>], vector<16xf32>,
      %broadcast_in_dim3A_231 = arith.constant 24 : i32
      %broadcast_in_dim3A_232 = vector.broadcast %broadcast_in_dim3A_231 : i32 to vector<16xi32>
      %gather3A_233 = tpu.vector_load_idx %arg8[%add3A_135, %broadcast_in_dim3A_232] : memref<400x32xf32, #tpu.memory_space<vmem>>[vector<16xi32>, vector<16xi32>], vector<16xf32>,
      %mul3A_234 = arith.mulf %gather3A_233, %get3A_133 : vector<16xf32>
      tpu.vector_store_idx %arg8[%add3A_135, %broadcast_in_dim3A_232], %mul3A_234 : memref<400x32xf32, #tpu.memory_space<vmem>>[vector<16xi32>, vector<16xi32>], vector<16xf32>,
      %broadcast_in_dim3A_235 = arith.constant 25 : i32
      %broadcast_in_dim3A_236 = vector.broadcast %broadcast_in_dim3A_235 : i32 to vector<16xi32>
      %gather3A_237 = tpu.vector_load_idx %arg8[%add3A_135, %broadcast_in_dim3A_236] : memref<400x32xf32, #tpu.memory_space<vmem>>[vector<16xi32>, vector<16xi32>], vector<16xf32>,
      %mul3A_238 = arith.mulf %gather3A_237, %get3A_133 : vector<16xf32>
      tpu.vector_store_idx %arg8[%add3A_135, %broadcast_in_dim3A_236], %mul3A_238 : memref<400x32xf32, #tpu.memory_space<vmem>>[vector<16xi32>, vector<16xi32>], vector<16xf32>,
      %broadcast_in_dim3A_239 = arith.constant 26 : i32
      %broadcast_in_dim3A_240 = vector.broadcast %broadcast_in_dim3A_239 : i32 to vector<16xi32>
      %gather3A_241 = tpu.vector_load_idx %arg8[%add3A_135, %broadcast_in_dim3A_240] : memref<400x32xf32, #tpu.memory_space<vmem>>[vector<16xi32>, vector<16xi32>], vector<16xf32>,
      %mul3A_242 = arith.mulf %gather3A_241, %get3A_133 : vector<16xf32>
      tpu.vector_store_idx %arg8[%add3A_135, %broadcast_in_dim3A_240], %mul3A_242 : memref<400x32xf32, #tpu.memory_space<vmem>>[vector<16xi32>, vector<16xi32>], vector<16xf32>,
      %broadcast_in_dim3A_243 = arith.constant 27 : i32
      %broadcast_in_dim3A_244 = vector.broadcast %broadcast_in_dim3A_243 : i32 to vector<16xi32>
      %gather3A_245 = tpu.vector_load_idx %arg8[%add3A_135, %broadcast_in_dim3A_244] : memref<400x32xf32, #tpu.memory_space<vmem>>[vector<16xi32>, vector<16xi32>], vector<16xf32>,
      %mul3A_246 = arith.mulf %gather3A_245, %get3A_133 : vector<16xf32>
      tpu.vector_store_idx %arg8[%add3A_135, %broadcast_in_dim3A_244], %mul3A_246 : memref<400x32xf32, #tpu.memory_space<vmem>>[vector<16xi32>, vector<16xi32>], vector<16xf32>,
      %broadcast_in_dim3A_247 = arith.constant 28 : i32
      %broadcast_in_dim3A_248 = vector.broadcast %broadcast_in_dim3A_247 : i32 to vector<16xi32>
      %gather3A_249 = tpu.vector_load_idx %arg8[%add3A_135, %broadcast_in_dim3A_248] : memref<400x32xf32, #tpu.memory_space<vmem>>[vector<16xi32>, vector<16xi32>], vector<16xf32>,
      %mul3A_250 = arith.mulf %gather3A_249, %get3A_133 : vector<16xf32>
      tpu.vector_store_idx %arg8[%add3A_135, %broadcast_in_dim3A_248], %mul3A_250 : memref<400x32xf32, #tpu.memory_space<vmem>>[vector<16xi32>, vector<16xi32>], vector<16xf32>,
      %broadcast_in_dim3A_251 = arith.constant 29 : i32
      %broadcast_in_dim3A_252 = vector.broadcast %broadcast_in_dim3A_251 : i32 to vector<16xi32>
      %gather3A_253 = tpu.vector_load_idx %arg8[%add3A_135, %broadcast_in_dim3A_252] : memref<400x32xf32, #tpu.memory_space<vmem>>[vector<16xi32>, vector<16xi32>], vector<16xf32>,
      %mul3A_254 = arith.mulf %gather3A_253, %get3A_133 : vector<16xf32>
      tpu.vector_store_idx %arg8[%add3A_135, %broadcast_in_dim3A_252], %mul3A_254 : memref<400x32xf32, #tpu.memory_space<vmem>>[vector<16xi32>, vector<16xi32>], vector<16xf32>,
      %broadcast_in_dim3A_255 = arith.constant 30 : i32
      %broadcast_in_dim3A_256 = vector.broadcast %broadcast_in_dim3A_255 : i32 to vector<16xi32>
      %gather3A_257 = tpu.vector_load_idx %arg8[%add3A_135, %broadcast_in_dim3A_256] : memref<400x32xf32, #tpu.memory_space<vmem>>[vector<16xi32>, vector<16xi32>], vector<16xf32>,
      %mul3A_258 = arith.mulf %gather3A_257, %get3A_133 : vector<16xf32>
      tpu.vector_store_idx %arg8[%add3A_135, %broadcast_in_dim3A_256], %mul3A_258 : memref<400x32xf32, #tpu.memory_space<vmem>>[vector<16xi32>, vector<16xi32>], vector<16xf32>,
      %broadcast_in_dim3A_259 = arith.constant 31 : i32
      %broadcast_in_dim3A_260 = vector.broadcast %broadcast_in_dim3A_259 : i32 to vector<16xi32>
      %gather3A_261 = tpu.vector_load_idx %arg8[%add3A_135, %broadcast_in_dim3A_260] : memref<400x32xf32, #tpu.memory_space<vmem>>[vector<16xi32>, vector<16xi32>], vector<16xf32>,
      %mul3A_262 = arith.mulf %gather3A_261, %get3A_133 : vector<16xf32>
      tpu.vector_store_idx %arg8[%add3A_135, %broadcast_in_dim3A_260], %mul3A_262 : memref<400x32xf32, #tpu.memory_space<vmem>>[vector<16xi32>, vector<16xi32>], vector<16xf32>,
    }
    %scan3A_77 = arith.constant 25 : i32
    %add3A_78 = arith.constant 49600 : i32
    %add3A_79 = arith.addi %mul3A_1, %add3A_78 : i32
    %dma_start3A_80 = arith.constant 0 : i32
    %dma_start3A_81 = arith.constant 0 : i32
    %dma_start3A_82 = tpu.memref_slice %arg7[%arg0, %dma_start3A_80, %dma_start3A_81] : memref<2x800000x32xf32, #tpu.memory_space<hbm>> -> memref<1x800000x32xf32, #tpu.memory_space<hbm>>
    %dma_start3A_83 = tpu.memref_squeeze %dma_start3A_82 : memref<1x800000x32xf32, #tpu.memory_space<hbm>> -> memref<800000x32xf32, #tpu.memory_space<hbm>>
    %dma_start3A_84 = arith.constant 0 : i32
    %dma_start3A_85 = tpu.memref_slice %dma_start3A_83[%add3A_79, %dma_start3A_84] : memref<800000x32xf32, #tpu.memory_space<hbm>> -> memref<400x32xf32, #tpu.memory_space<hbm>>
    %dma_start3A_86 = arith.constant 0 : i32
    %dma_start3A_87 = arith.constant 0 : i32
    %dma_start3A_88 = tpu.memref_slice %arg7[%arg0, %dma_start3A_86, %dma_start3A_87] : memref<2x800000x32xf32, #tpu.memory_space<hbm>> -> memref<1x800000x32xf32, #tpu.memory_space<hbm>>
    %dma_start3A_89 = tpu.memref_squeeze %dma_start3A_88 : memref<1x800000x32xf32, #tpu.memory_space<hbm>> -> memref<800000x32xf32, #tpu.memory_space<hbm>>
    %dma_start3A_90 = arith.constant 0 : i32
    %dma_start3A_91 = tpu.memref_slice %dma_start3A_89[%add3A_79, %dma_start3A_90] : memref<800000x32xf32, #tpu.memory_space<hbm>> -> memref<400x32xf32, #tpu.memory_space<hbm>>
    tpu.enqueue_dma source(%arg8 : memref<400x32xf32, #tpu.memory_space<vmem>>) target(%dma_start3A_91 : memref<400x32xf32, #tpu.memory_space<hbm>>) target_semaphore(%arg19 : memref<!tpu.dma_semaphore, #tpu.memory_space<semaphore_mem>>)
    %dma_start3A_92 = arith.constant 0 : i32
    %dma_start3A_93 = arith.constant 0 : i32
    %dma_start3A_94 = tpu.memref_slice %arg16[%dma_start3A_92, %dma_start3A_93] : memref<50048x32xf32, #tpu.memory_space<vmem_shared>> -> memref<50048x32xf32, #tpu.memory_space<vmem_shared>>
    tpu.enqueue_indirect_dma source(%arg8 : memref<400x32xf32, #tpu.memory_space<vmem>>) target(%dma_start3A_94 : memref<50048x32xf32, #tpu.memory_space<vmem_shared>>) offsets(%arg12 : memref<400xi32, #tpu.memory_space<vmem>>) semaphore(%arg27 : memref<!tpu.dma_semaphore, #tpu.memory_space<semaphore_mem>>) {add = true}
    %dma_wait3A_95 = arith.constant 0 : i32
    %dma_wait3A_96 = arith.constant 0 : i32
    %dma_wait3A_97 = tpu.memref_slice %arg7[%arg0, %dma_wait3A_95, %dma_wait3A_96] : memref<2x800000x32xf32, #tpu.memory_space<hbm>> -> memref<1x800000x32xf32, #tpu.memory_space<hbm>>
    %dma_wait3A_98 = tpu.memref_squeeze %dma_wait3A_97 : memref<1x800000x32xf32, #tpu.memory_space<hbm>> -> memref<800000x32xf32, #tpu.memory_space<hbm>>
    %dma_wait3A_99 = arith.constant 0 : i32
    %dma_wait3A_100 = arith.constant 0 : i32
    %dma_wait3A_101 = tpu.memref_slice %dma_wait3A_98[%dma_wait3A_99, %dma_wait3A_100] : memref<800000x32xf32, #tpu.memory_space<hbm>> -> memref<400x32xf32, #tpu.memory_space<hbm>>
    %dma_wait3A_102 = arith.constant 0 : i32
    %dma_wait3A_103 = arith.constant 0 : i32
    %dma_wait3A_104 = tpu.memref_slice %arg7[%arg0, %dma_wait3A_102, %dma_wait3A_103] : memref<2x800000x32xf32, #tpu.memory_space<hbm>> -> memref<1x800000x32xf32, #tpu.memory_space<hbm>>
    %dma_wait3A_105 = tpu.memref_squeeze %dma_wait3A_104 : memref<1x800000x32xf32, #tpu.memory_space<hbm>> -> memref<800000x32xf32, #tpu.memory_space<hbm>>
    %dma_wait3A_106 = arith.constant 0 : i32
    %dma_wait3A_107 = arith.constant 0 : i32
    %dma_wait3A_108 = tpu.memref_slice %dma_wait3A_105[%dma_wait3A_106, %dma_wait3A_107] : memref<800000x32xf32, #tpu.memory_space<hbm>> -> memref<400x32xf32, #tpu.memory_space<hbm>>
    tpu.wait_dma2 semaphore(%arg19 : memref<!tpu.dma_semaphore, #tpu.memory_space<semaphore_mem>>) src(%arg8 : memref<400x32xf32, #tpu.memory_space<vmem>>) dst(%dma_wait3A_108 : memref<400x32xf32, #tpu.memory_space<hbm>>)
    %dma_wait3A_109 = arith.constant 0 : i32
    %dma_wait3A_110 = arith.constant 0 : i32
    %dma_wait3A_111 = tpu.memref_slice %arg7[%arg0, %dma_wait3A_109, %dma_wait3A_110] : memref<2x800000x32xf32, #tpu.memory_space<hbm>> -> memref<1x800000x32xf32, #tpu.memory_space<hbm>>
    %dma_wait3A_112 = tpu.memref_squeeze %dma_wait3A_111 : memref<1x800000x32xf32, #tpu.memory_space<hbm>> -> memref<800000x32xf32, #tpu.memory_space<hbm>>
    %dma_wait3A_113 = arith.constant 0 : i32
    %dma_wait3A_114 = arith.constant 0 : i32
    %dma_wait3A_115 = tpu.memref_slice %dma_wait3A_112[%dma_wait3A_113, %dma_wait3A_114] : memref<800000x32xf32, #tpu.memory_space<hbm>> -> memref<400x32xf32, #tpu.memory_space<hbm>>
    %dma_wait3A_116 = arith.constant 0 : i32
    %dma_wait3A_117 = arith.constant 0 : i32
    %dma_wait3A_118 = tpu.memref_slice %arg7[%arg0, %dma_wait3A_116, %dma_wait3A_117] : memref<2x800000x32xf32, #tpu.memory_space<hbm>> -> memref<1x800000x32xf32, #tpu.memory_space<hbm>>
    %dma_wait3A_119 = tpu.memref_squeeze %dma_wait3A_118 : memref<1x800000x32xf32, #tpu.memory_space<hbm>> -> memref<800000x32xf32, #tpu.memory_space<hbm>>
    %dma_wait3A_120 = arith.constant 0 : i32
    %dma_wait3A_121 = arith.constant 0 : i32
    %dma_wait3A_122 = tpu.memref_slice %dma_wait3A_119[%dma_wait3A_120, %dma_wait3A_121] : memref<800000x32xf32, #tpu.memory_space<hbm>> -> memref<400x32xf32, #tpu.memory_space<hbm>>
    tpu.wait_dma2 semaphore(%arg20 : memref<!tpu.dma_semaphore, #tpu.memory_space<semaphore_mem>>) src(%arg9 : memref<400x32xf32, #tpu.memory_space<vmem>>) dst(%dma_wait3A_122 : memref<400x32xf32, #tpu.memory_space<hbm>>)
    %dma_wait3A_123 = arith.constant 0 : i32
    %dma_wait3A_124 = arith.constant 0 : i32
    %dma_wait3A_125 = tpu.memref_slice %arg16[%dma_wait3A_123, %dma_wait3A_124] : memref<50048x32xf32, #tpu.memory_space<vmem_shared>> -> memref<50048x32xf32, #tpu.memory_space<vmem_shared>>
    tpu.wait_indirect_dma semaphore(%arg27 : memref<!tpu.dma_semaphore, #tpu.memory_space<semaphore_mem>>) src(%arg8 : memref<400x32xf32, #tpu.memory_space<vmem>>) dst(%dma_wait3A_125 : memref<50048x32xf32, #tpu.memory_space<vmem_shared>>)
    %dma_wait3A_126 = arith.constant 0 : i32
    %dma_wait3A_127 = arith.constant 0 : i32
    %dma_wait3A_128 = tpu.memref_slice %arg16[%dma_wait3A_126, %dma_wait3A_127] : memref<50048x32xf32, #tpu.memory_space<vmem_shared>> -> memref<50048x32xf32, #tpu.memory_space<vmem_shared>>
    tpu.wait_indirect_dma semaphore(%arg28 : memref<!tpu.dma_semaphore, #tpu.memory_space<semaphore_mem>>) src(%arg9 : memref<400x32xf32, #tpu.memory_space<vmem>>) dst(%dma_wait3A_128 : memref<50048x32xf32, #tpu.memory_space<vmem_shared>>)
    %barrier3A_129 = arith.constant 0 : index
    tpu.barrier barrier_id(%barrier3A_129)
    "tpu.region"() ({
      %run_scoped3A = tpu.sem_alloc : memref<!tpu.dma_semaphore, #tpu.memory_space<semaphore_mem>>
      %dma_start3A_130 = arith.constant 0 : i32
      %dma_start3A_131 = arith.constant 0 : i32
      %dma_start3A_132 = tpu.memref_slice %arg6[%arg0, %dma_start3A_130, %dma_start3A_131] : memref<2x50048x32xf32, #tpu.memory_space<hbm>> -> memref<1x50048x32xf32, #tpu.memory_space<hbm>>
      %dma_start3A_133 = tpu.memref_squeeze %dma_start3A_132 : memref<1x50048x32xf32, #tpu.memory_space<hbm>> -> memref<50048x32xf32, #tpu.memory_space<hbm>>
      %dma_start3A_134 = arith.constant 0 : i32
      %dma_start3A_135 = tpu.memref_slice %dma_start3A_133[%mul3A_3, %dma_start3A_134] : memref<50048x32xf32, #tpu.memory_space<hbm>> -> memref<3128x32xf32, #tpu.memory_space<hbm>>
      %dma_start3A_136 = arith.constant 0 : i32
      %dma_start3A_137 = tpu.memref_slice %arg16[%mul3A_3, %dma_start3A_136] : memref<50048x32xf32, #tpu.memory_space<vmem_shared>> -> memref<3128x32xf32, #tpu.memory_space<vmem_shared>>
      tpu.enqueue_dma source(%dma_start3A_137 : memref<3128x32xf32, #tpu.memory_space<vmem_shared>>) target(%dma_start3A_135 : memref<3128x32xf32, #tpu.memory_space<hbm>>) target_semaphore(%run_scoped3A : memref<!tpu.dma_semaphore, #tpu.memory_space<semaphore_mem>>)
      %dma_wait3A_138 = arith.constant 0 : i32
      %dma_wait3A_139 = arith.constant 0 : i32
      %dma_wait3A_140 = tpu.memref_slice %arg6[%arg0, %dma_wait3A_138, %dma_wait3A_139] : memref<2x50048x32xf32, #tpu.memory_space<hbm>> -> memref<1x50048x32xf32, #tpu.memory_space<hbm>>
      %dma_wait3A_141 = tpu.memref_squeeze %dma_wait3A_140 : memref<1x50048x32xf32, #tpu.memory_space<hbm>> -> memref<50048x32xf32, #tpu.memory_space<hbm>>
      %dma_wait3A_142 = arith.constant 0 : i32
      %dma_wait3A_143 = tpu.memref_slice %dma_wait3A_141[%mul3A_3, %dma_wait3A_142] : memref<50048x32xf32, #tpu.memory_space<hbm>> -> memref<3128x32xf32, #tpu.memory_space<hbm>>
      %dma_wait3A_144 = arith.constant 0 : i32
      %dma_wait3A_145 = tpu.memref_slice %arg16[%mul3A_3, %dma_wait3A_144] : memref<50048x32xf32, #tpu.memory_space<vmem_shared>> -> memref<3128x32xf32, #tpu.memory_space<vmem_shared>>
      tpu.wait_dma2 semaphore(%run_scoped3A : memref<!tpu.dma_semaphore, #tpu.memory_space<semaphore_mem>>) src(%dma_wait3A_145 : memref<3128x32xf32, #tpu.memory_space<vmem_shared>>) dst(%dma_wait3A_143 : memref<3128x32xf32, #tpu.memory_space<hbm>>)
      tpu.yield
    }) : () -> ()
    return
  }
}

module attributes {stable_mosaic.version = 14 : i64} {
  func.func @_sums_body(%arg0: i32, %arg1: memref<1000x128xf32, #tpu.memory_space<vmem>>, %arg2: memref<1000x1xf32, #tpu.memory_space<vmem>>) attributes {dimension_semantics = [#tpu.dimension_semantics<arbitrary>], iteration_bounds = array<i64: 50>, scalar_prefetch = 0 : i64, scratch_operands = 0 : i64, tpu.core_type = #tpu.core_type<tc>, window_params = [{transform_indices = @transform_0, window_bounds = array<i64: 1000, 128>}, {transform_indices = @transform_1, window_bounds = array<i64: 1000, 1>}]} {
    %get3A = arith.constant 0 : index
    %get3A_0 = arith.constant 0 : index
    %get3A_1 = vector.load %arg1[%get3A, %get3A_0] : memref<1000x128xf32, #tpu.memory_space<vmem>>, vector<1000x128xf32>
    %reduce_sum3A = arith.constant dense<0.000000e+00> : vector<1000xf32>
    %reduce_sum3A_2 = vector.multi_reduction <add>, %get3A_1, %reduce_sum3A [1] : vector<1000x128xf32> to vector<1000xf32>
    %broadcast_in_dim3A = vector.shape_cast %reduce_sum3A_2 : vector<1000xf32> to vector<1000x1xf32>
    %swap3A = arith.constant 0 : index
    %swap3A_3 = arith.constant 0 : index
    %swap3A_4 = vector.load %arg2[%swap3A, %swap3A_3] : memref<1000x1xf32, #tpu.memory_space<vmem>>, vector<1000x1xf32>
    tpu.vector_store %arg2[%swap3A, %swap3A_3], %broadcast_in_dim3A {strides = array<i32>} : memref<1000x1xf32, #tpu.memory_space<vmem>>, vector<1000x1xf32>,
    return
  }
  func.func @transform_0(%arg0: i32) -> (i32, i32) {
    %c0_i32 = arith.constant 0 : i32
    %c0_i32_0 = arith.constant 0 : i32
    return %arg0, %c0_i32 : i32, i32
  }
  func.func @transform_1(%arg0: i32) -> (i32, i32) {
    %c0_i32 = arith.constant 0 : i32
    %c0_i32_0 = arith.constant 0 : i32
    return %arg0, %c0_i32 : i32, i32
  }
}

</mosaic_0001>

<sc_bundles>
// kernel: kernel.4.cloned.1.call-start
scs
__scs_entry_jumppad:
0x0: {  	(pc) =	sbr.rel $0x88, $3  }
0x1: {  	(tag) =	ssettag $0x0;
	lr =	simm.s32 $0x1  }
0x2: {  	[smem:$0x3F9E] =	sst lr;
	_ =	strace $0xD0000000  }
0x3: {  	_ = 	snop  }
0x4: {  	_ = 	snop  }
0x5: {  	_ = 	snop  }
0x6: {  	_ = 	snop  }
0x7: {  	_ = 	snop  }
__scs_overlays_trampoline_lowered:
0x8: {  	[smem:$0x3FAD] =	sst s0  }
0x9: {  	[smem:$0x3FAE] =	sst s1  }
0xa: {  	[smem:$0x3FAF] =	sst s2  }
0xb: {  	[smem:$0x3FB0] =	sst s3  }
0xc: {  	[smem:$0x3FB1] =	sst s4  }
0xd: {  	[smem:$0x3FB2] =	sst s5  }
0xe: {  	[smem:$0x3FB3] =	sst s6  }
0xf: {  	[smem:$0x3FB4] =	sst s7  }
0x10: {  	[smem:$0x3FB5] =	sst s8  }
0x11: {  	[smem:$0x3FB6] =	sst s9;
	s0 =	simm.s32 @!p0 $0x0  }
0x12: {  	s1 =	sld [smem:$0x3F9C];
	s0 =	simm.s32 @p0 $0x1  }
0x13: {  	[smem:$0x3FB7] =	sst s0;
	s0 =	simm.s32 @!p1 $0x0  }
0x14: {  	s2 =	sld [smem:$0x3F9B];
	s0 =	simm.s32 @p1 $0x1  }
0x15: {  	[smem:$0x3FB8] =	sst s0;
	s0 =	simm.s32 @!p2 $0x0  }
0x16: {  	s3 =	sld [smem:$0x3FDB];
	s0 =	simm.s32 @p2 $0x1  }
0x17: {  	s4 =	simm.s32 $0x1BF5;
	[smem:$0x3FBA] =	sst s0  }
0x18: {  	s0 =	sld [smem:$0x3F9D];
	_ =	swait.ge [sflag:s4], $0x0  }
0x19: {  	s7 =	sld [smem:$0x3F9E]  }
0x1a: {  	s8 =	sadd.s32 $0xFFFFE003, lr  }
0x1b: {  	s9 =	sadd.s32 $0xFFFFFEF7, lr;
	s5 =	simm.s32 $0xFFFFFFFF;
	p2 =	slt.u32 s8, $0xFFFFF086  }
0x1c: {  	p1 =	slt.u32 s9, $0xF7A;
	s5 =	simm.s32 @!p2 $0x0  }
0x1d: {  	s5 =	simm.s32 @p1 $0x1;
	p0 =	seq.s32 s7, s2  }
0x1e: {  	s7 =	smul.u32 @!p0 $0xF7A, s2;
	p2 =	seq.s32 @!p0 s5, $0x0  }
0x1f: {  	s9 =	smul.u32 $0xF7A, s1;
	s8 =	simm.s32 @!p0 $0x1BF5;
	p2 =	por !p2, p0  }
0x20: {  	[sflag:s8] =	ssyncset.s32 @!p0 $0xFFFFF086;
	s6 =	sadd.s32 @!p0 s3, s7;
	s7 =	simm.s32 @!p0 $0x108  }
0x21: {  	s3 =	sadd.s32 s3, s9;
	s6 =	sadd.s32 @!p0 $0x88, s6;
	s7 =	simm.s32 @p2 $0x1082  }
0x22: {  	[simem:s7], [sflag:s8] =	dma.local @!p0 [hbm:s6], $0xF7A  }
0x23: {  	s9 =	sor.u32 $0xD0000000, s2;
	s6 =	simm.s32 $0x108;
	_ =	swait.ge @!p0 [sflag:s8], $0x0  }
0x24: {  	s3 =	sadd.s32 $0x88, s3;
	s6 =	simm.s32 @!p1 $0x1082;
	[sflag:s4] =	ssyncset.s32 $0xFFFFF086  }
0x25: {  	[simem:s6], [sflag:s4] =	dma.local [hbm:s3], $0xF7A  }
0x26: {  	[smem:$0x3F9E] =	sst s1;
	(tag) =	ssettag s2;
	_ =	strace s9  }
0x27: {  	s1 =	sld [smem:$0x3FAE]  }
0x28: {  	s2 =	sld [smem:$0x3FAF]  }
0x29: {  	s4 =	sld [smem:$0x3FB1]  }
0x2a: {  	p0 =	seq.s32 s5, $0x0;
	s5 =	sld [smem:$0x3FB2]  }
0x2b: {  	s6 =	sld [smem:$0x3FB3]  }
0x2c: {  	s7 =	sld [smem:$0x3FB4]  }
0x2d: {  	s3 =	simm.s32 $0x108;
	s8 =	sld [smem:$0x3FB5]  }
0x2e: {  	s3 =	simm.s32 @!p0 $0x1082;
	s9 =	sld [smem:$0x3FB6]  }
0x2f: {  	lr =	sadd.s32 s0, s3;
	s0 =	sld [smem:$0x3FAD]  }
0x30: {  	s3 =	sld [smem:$0x3FB0]  }
0x31: {  	[smem:$0x3FB9] =	sst s10  }
0x32: {  	s10 =	sld [smem:$0x3FB7];
	_ =	sdelay $0x3  }
0x33: {  	p0 =	seq.s32 s10, $0x1;
	s10 =	sld [smem:$0x3FB9];
	_ =	sdelay $0x3  }
0x34: {  	[smem:$0x3FB9] =	sst s10  }
0x35: {  	s10 =	sld [smem:$0x3FB8];
	_ =	sdelay $0x3  }
0x36: {  	p1 =	seq.s32 s10, $0x1;
	s10 =	sld [smem:$0x3FB9];
	_ =	sdelay $0x3  }
0x37: {  	[smem:$0x3FB9] =	sst s10  }
0x38: {  	s10 =	sld [smem:$0x3FBA]  }
0x39: {  	_ = 	snop;
	(pc) =	sbr.ind lr, $3  }
0x3a: {  	_ = 	snop  }
0x3b: {  	_ = 	snop  }
0x3c: {  	p2 =	seq.s32 s10, $0x1;
	s10 =	sld [smem:$0x3FB9]  }
0x3d: {  	_ =	shalt  }
0x3e: {  	_ =	shalt  }
0x3f: {  	_ =	shalt  }
0x40: {  	_ =	shalt  }
0x41: {  	_ =	shalt  }
0x42: {  	_ =	shalt  }
0x43: {  	_ =	shalt  }
0x44: {  	_ =	shalt  }
0x45: {  	_ =	shalt  }
0x46: {  	_ =	shalt  }
0x47: {  	_ =	shalt  }
0x48: {  	_ =	shalt  }
0x49: {  	_ =	shalt  }
0x4a: {  	_ =	shalt  }
0x4b: {  	_ =	shalt  }
0x4c: {  	_ =	shalt  }
0x4d: {  	_ =	shalt  }
0x4e: {  	_ =	shalt  }
0x4f: {  	_ =	shalt  }
0x50: {  	_ =	shalt  }
0x51: {  	_ =	shalt  }
0x52: {  	_ =	shalt  }
0x53: {  	_ =	shalt  }
0x54: {  	_ =	shalt  }
0x55: {  	_ =	shalt  }
0x56: {  	_ =	shalt  }
0x57: {  	_ =	shalt  }
0x58: {  	_ =	shalt  }
0x59: {  	_ =	shalt  }
0x5a: {  	_ =	shalt  }
0x5b: {  	_ =	shalt  }
0x5c: {  	_ =	shalt  }
0x5d: {  	_ =	shalt  }
0x5e: {  	_ =	shalt  }
0x5f: {  	_ =	shalt  }
0x60: {  	_ =	shalt  }
0x61: {  	_ =	shalt  }
0x62: {  	_ =	shalt  }
0x63: {  	_ =	shalt  }
0x64: {  	_ =	shalt  }
0x65: {  	_ =	shalt  }
0x66: {  	_ =	shalt  }
0x67: {  	_ =	shalt  }
0x68: {  	_ =	shalt  }
0x69: {  	_ =	shalt  }
0x6a: {  	_ =	shalt  }
0x6b: {  	_ =	shalt  }
0x6c: {  	_ =	shalt  }
0x6d: {  	_ =	shalt  }
0x6e: {  	_ =	shalt  }
0x6f: {  	_ =	shalt  }
0x70: {  	_ =	shalt  }
0x71: {  	_ =	shalt  }
0x72: {  	_ =	shalt  }
0x73: {  	_ =	shalt  }
0x74: {  	_ =	shalt  }
0x75: {  	_ =	shalt  }
0x76: {  	_ =	shalt  }
0x77: {  	_ =	shalt  }
0x78: {  	_ =	shalt  }
0x79: {  	_ =	shalt  }
0x7a: {  	_ =	shalt  }
0x7b: {  	_ =	shalt  }
0x7c: {  	_ =	shalt  }
0x7d: {  	_ =	shalt  }
0x7e: {  	_ =	shalt  }
0x7f: {  	_ =	shalt  }
0x80: {  	_ =	shalt  }
0x81: {  	_ =	shalt  }
0x82: {  	_ =	shalt  }
0x83: {  	_ =	shalt  }
0x84: {  	_ =	shalt  }
0x85: {  	_ =	shalt  }
0x86: {  	_ =	shalt  }
0x87: {  	_ =	shalt  }
.Lfunc_end0:
.L_simem_size_0:
called_computation.1_lowered:
.L_overlay_start_0:
0x88: {  	s2 =	sld [smem:$0x3FD9]  }
0x89: {  	s3 =	sld [smem:$0x3FFE];
	_ =	sdelay $0x1  }
0x8a: {  	s1 =	srdreg.scid  }
0x8b: {  	s0 =	sand.u32 $0x1, s1  }
0x8c: {  	s14 =	sshll.u32 s0, $0xA;
	s2 =	sadd.s32 s3, s2  }
0x8d: {  	s2 =	sadd.s32 s2, s14  }
0x8e: {  	[smem:$0x3FC5] =	sst s2  }
0x8f: {  	_ = 	snop  }
0x90: {  	s2 =	sld [smem:$0x3FD0];
	_ =	sdelay $0x2  }
0x91: {  	s15 =	simm.s32 $0xA;
	s4 =	simm.s32 $0x10  }
0x92: {  	[smem:s4], [sflag:s15] =	dma.local [hbm:s2], $0x1  }
0x93: {  	_ =	swait.eq [sflag:s15], $0x1  }
0x94: {  	s16 =	sld [smem:$0x10];
	[sflag:s15] =	ssyncset.done $0x0  }
0x95: {  	s17 =	sld [smem:$0x11];
	[sflag:s15] =	ssyncadd.s32 $0xFFFFFFFF  }
0x96: {  	s18 =	sld [smem:$0x12];
	(tm) =	ssettm $0x1  }
0x97: {  	s5 =	sld [smem:$0x3FFB];
	_ =	sdelay $0x3  }
0x98: {  	_ =	strace s5  }
0x99: {  	s5 =	sld [smem:$0x3FFC];
	_ =	sdelay $0x3  }
0x9a: {  	_ =	strace s5  }
0x9b: {  	s5 =	sld [smem:$0x3FFD];
	_ =	sdelay $0x3  }
0x9c: {  	_ =	strace s5  }
0x9d: {  	_ =	strace $0x8FFFFFFF  }
0x9e: {  	s19 =	sld [smem:$0x3FDB];
	_ =	sdelay $0x1  }
0x9f: {  	s6 =	simm.s32 $_scs_section_size  }
0xa0: {  	s7 =	simm.s32 $_size__tile_overlayer_lowered;
	s8 =	simm.s32 $_tile_overlayer_lowered  }
0xa1: {  	s22 =	simm.s32 $0x1BFF;
	s21 =	sshll.u32 s8, $0x1;
	s5 =	sadd.s32 s6, s19  }
0xa2: {  	s9 =	simm.s32 $0x0;
	s20 =	sshll.u32 s7, $0x1;
	s7 =	sadd.s32 s21, s5  }
0xa3: {  	[timem:s9], [sflag:s22] =	dma.local [hbm:s7], s20  }
0xa4: {  	_ =	swait.ge [sflag:s22], s20  }
0xa5: {  	s6 =	ssub.s32 $0x0, s20;
	[sflag:s22] =	ssyncset.done $0x0  }
0xa6: {  	[sflag:s22] =	ssyncadd.s32 s6;
	_ =	sdelay $0x1  }
0xa7: {  	s23 =	simm.s32 $0x1B8B  }
0xa8: {  	_ =	swait.ge [sflag:s23], $0x1  }
0xa9: {  	[sflag:s23] =	ssyncset.done $0x0  }
0xaa: {  	s25 =	simm.s32 $0x1B8E;
	s24 =	sld [smem:$0x3FFE];
	[sflag:s23] =	ssyncadd.s32 $0xFFFFFFFF  }
0xab: {  	s26 =	simm.s32 $execute0_lowered;
	[smem:$0x3FD2] =	sst s25  }
0xac: {  	s7 =	sshll.u32 s26, $0x1;
	_ =	strace $0x80000049;
	[dreg:$0x1] =	wrdreg $0xFFFFFFFF  }
0xad: {  	s28 =	simm.s32 $_size_execute0_lowered;
	s5 =	sadd.s32 s5, s7;
	[dreg:$0x0] =	wrdreg $0x0  }
0xae: {  	s7 =	sshll.u32 s28, $0x1;
	[dreg:$0x2] =	wrdreg s5  }
0xaf: {  	[dreg:$0x3] =	wrdreg s7  }
0xb0: {  	[dreg:$0x4] =	wrdreg $0xC0  }
0xb1: {  	_ =	task [dreg:s9], $0x5FFFF  }
0xb2: {  	[dreg:$0x1] =	wrdreg $0xFFFFFFFF  }
0xb3: {  	[dreg:$0x0] =	wrdreg $0x60  }
0xb4: {  	[dreg:$0x2] =	wrdreg s24  }
0xb5: {  	[dreg:$0x3] =	wrdreg s16  }
0xb6: {  	[dreg:$0x4] =	wrdreg s17  }
0xb7: {  	[dreg:$0x5] =	wrdreg s18  }
0xb8: {  	[dreg:$0x6] =	wrdreg $0x6D600  }
0xb9: {  	[dreg:$0x7] =	wrdreg $0x9  }
0xba: {  	_ =	task.clear_ibuf [dreg:s9], $0x8FFFF;
	_ =	strace $0x90000049  }
0xbb: {  	s29 =	simm.s32 $0x9;
	_ =	strace $0x8000004B  }
0xbc: {  	_ =	swait.ge [sflag:s29], $0x1  }
0xbd: {  	[sflag:s29] =	ssyncadd.s32 $0xFFFFFFFF  }
0xbe: {  	_ =	strace $0x9000004B  }
0xbf: {  	_ =	sfence  }
0xc0: {  	s30 =	sld [smem:$0x0];
	_ =	sdelay $0x2  }
0xc1: {  	s31 =	sshll.u32 s1, $0xD;
	s1 =	sshrl.u32 s1, $0x2  }
0xc2: {  	s3 =	sand.u32 $0x4000, s31;
	s1 =	sadd.s32 s1, s30  }
0xc3: {  	s0 =	sor.u32 s3, s0;
	s1 =	sshll.u32 s1, $0x11  }
0xc4: {  	s0 =	sor.u32 s1, s0  }
0xc5: {  	s0 =	sadd.s32 $0x8F2B, s0  }
0xc6: {  	[sflag:s0] =	ssyncadd.remote.s32 $0x1  }
0xc7: {  	_ =	sfence.sel $0xFFFF  }
0xc8: {  	[dreg:$0x0] =	wrdreg $0xFFFFFFFF;
	(pc) =	sbr.abs _section_cstart, $3  }
0xc9: {  	[dreg:$0x1] =	wrdreg $0xFFFFFFFF  }
0xca: {  	_ =	task.clear_ibuf [dreg:s9], $0x2FFFF;
	_ =	strace $0x9FFFFFFF  }
0xcb: {  	(tm) =	ssettm $0x7FFFFFFF  }
tec
execute0_lowered:
.L_overlay_start_1:
0x0: {  	(tag) =	ssettag $0x1  }
0x1: {  	s0 =	rddreg [dreg:$0x0]  }
0x2: {  	s11 =	rddreg [dreg:$0x1]  }
0x3: {  	s12 =	rddreg [dreg:$0x2]  }
0x4: {  	s1 =	rddreg [dreg:$0x3]  }
0x5: {  	s3 =	rddreg [dreg:$0x4];
	s5 =	simm.s32 $0x0  }
0x6: {  	s2 =	srdreg.scid;
	s13 =	stileid.u32;
	s28 =	simm.s32 $0x6400  }
0x7: {  	s29 =	simm.s32 $0x6720;
	s30 =	simm.s32 $0x7;
	s4 =	smul.u32 $0x61C00, s13  }
0x8: {  	s31 =	simm.s32 $0x190;
	[smem:$0x7FF] =	sst s5;
	s10 =	smul.u32 $0x18700, s13  }
0x9: {  	s2 =	sand.u32 $0x1, s2;
	s6 =	sadd.s32 $0x1E84C00, s0;
	s14 =	smul.u32 $0xC350, s13  }
0xa: {  	s22 =	smov.u32 s3;
	s7 =	smul.u32 $0x30D400, s2;
	s8 =	ssub.s32 $0x2, s2  }
0xb: {  	_ =	strace $0x8000004A;
	s2 =	smul.u32 $0x30E00, s2;
	s9 =	sshrl.u32 s8, $0x1  }
0xc: {  	s4 =	sshrl.u32 s4, $0x2;
	s24 =	sadd.s32 s10, s3;
	s26 =	sshrl.u32 s14, $0x3  }
0xd: {  	s0 =	sadd.s32 s7, s0;
	s8 =	ssub.s32 s8, s9;
	s4 =	sadd.s32 s4, s3  }
0xe: {  	s7 =	smov.u32 s11;
	s11 =	sadd.s32 s11, s26;
	[dreg:$0x6] =	wrdreg s24  }
0xf: {  	s9 =	smul.u32 $0x30D40, s13;
	s15 =	sadd.s32 s12, s26;
	[dreg:$0xe] =	wrdreg s11  }
0x10: {  	s13 =	smul.u32 $0x186A00, s13;
	s17 =	sadd.s32 $0x3200, s4;
	[dreg:$0xf] =	wrdreg s15  }
0x11: {  	s1 =	sadd.s32 s1, s2;
	s18 =	sadd.s32 $0x6400, s4;
	[dreg:$0x7] =	wrdreg s17  }
0x12: {  	s3 =	smov.u32 s14;
	s19 =	sadd.s32 $0x9600, s4;
	[dreg:$0x8] =	wrdreg s18  }
0x13: {  	s20 =	sadd.s32 $0xC800, s4;
	s21 =	sadd.s32 $0xFA00, s4;
	[dreg:$0x9] =	wrdreg s19  }
0x14: {  	s23 =	sadd.s32 $0x12C00, s4;
	s25 =	sadd.s32 $0x15E00, s4;
	[dreg:$0xa] =	wrdreg s20  }
0x15: {  	s16 =	sadd.s32 $0x400, s0;
	s4 =	simm.s32 $0x3200;
	[dreg:$0xb] =	wrdreg s21  }
0x16: {  	s11 =	simm.s32 $0x1;
	s15 =	simm.s32 $0x3;
	[dreg:$0xc] =	wrdreg s23  }
0x17: {  	[dreg:$0xd] =	wrdreg s25;
	s19 =	smov.u32 s12;
	s17 =	sadd.s32 $0x190, s14  }
0x18: {  	s20 =	sadd.s32 $0x61AC00, s0;
	s18 =	sshrl.u32 s13, $0x3;
	s21 =	sshrl.u32 s10, $0x3  }
0x19: {  	s23 =	sadd.s32 $0x320, s14;
	s25 =	smax.u32 s8, $0x1;
	s26 =	sadd.s32 s9, s16  }
0x1a: {  	s8 =	simm.s32 $0xD;
	s9 =	simm.s32 $0x6590;
	[dreg:$0x10] =	wrdreg s17  }
0x1b: {  	s10 =	simm.s32 $0x68B0;
	s12 =	simm.s32 $0x9;
	[dreg:$0x12] =	wrdreg s23  }
0x1c: {  	s13 =	simm.s32 $0x5;
	s14 =	simm.s32 $0x8;
	[dreg:$0x13] =	wrdreg s25  }
0x1d: {  	s1 =	sadd.s32 s21, s1;
	s0 =	sadd.s32 $0x30700, s18;
	[dreg:$0x14] =	wrdreg s26  }
0x1e: {  	s17 =	simm.s32 $0xB;
	s18 =	simm.s32 $0x2;
	s21 =	simm.s32 $0xA  }
0x1f: {  	v1 =	vlaneseq.u32;
	s23 =	simm.s32 $0x6;
	[dreg:$0x11] =	wrdreg s1;
	s0 =	sadd.s32 s0, s20  }
0x20: {  	v0 =	vimm.f32 $0.0e+00;
	v1 =	vmul.u32 $0x20, v1;
	s25 =	simm.s32 $0x0;
	s1 =	simm.s32 $0x0;
	[dreg:$0x15] =	wrdreg s0  }
.LBB2_1:
0x21: {  	[dreg:$0x16] =	wrdreg s1;
	s0 =	simm.s32 $0x80;
	s1 =	simm.s32 $0x0  }
.LBB2_2:
0x22: {  	p0 =	sne.s32 s0, $0xC780;
	[tilespmem:s1+$0x0] =	vst v0;
	s2 =	smov.u32 s0;
	s0 =	sadd.s32 $0x80, s0  }
.Ltmp0:
0x23: {  	[tilespmem:s1+$0x10] =	vst v0;
	(pc) =	sbr.rel @p0 .LBB2_2-.Ltmp0, $2  }
0x24: {  	_ =	sdelay $0x2  }
0x25: {  	s1 =	sshra.s32 s2, $0x2  }
0x26: {  	[tilespmem:s1+$0x0] =	vst v0  }
0x27: {  	[tilespmem:s1+$0x10] =	vst v0  }
0x28: {  	[spmem:s24] =	stream.linear.scatter [tilespmem:s25], [sflag:$0xD], $0x3200, $0x38;
	[tilespmem:$0x1F460] =	vst v63  }
0x29: {  	_ =	swait.ge [sflag:s8], $0x3200  }
0x2a: {  	[sflag:s8] =	ssyncset.done $0x0  }
0x2b: {  	s0 =	rddreg [dreg:$0x7];
	[sflag:s8] =	ssyncadd.s32 $0xFFFFCE00  }
0x2c: {  	[spmem:s0] =	stream.linear.scatter [tilespmem:s25], [sflag:$0xD], $0x3200, $0x38;
	[tilespmem:$0x1F460] =	vst v63  }
0x2d: {  	_ =	swait.ge [sflag:s8], $0x3200  }
0x2e: {  	[sflag:s8] =	ssyncset.done $0x0  }
0x2f: {  	s26 =	rddreg [dreg:$0x8];
	[sflag:s8] =	ssyncadd.s32 $0xFFFFCE00  }
0x30: {  	[spmem:s26] =	stream.linear.scatter [tilespmem:s25], [sflag:$0xD], $0x3200, $0x38;
	[tilespmem:$0x1F460] =	vst v63  }
0x31: {  	_ =	swait.ge [sflag:s8], $0x3200  }
0x32: {  	[sflag:s8] =	ssyncset.done $0x0  }
0x33: {  	s1 =	rddreg [dreg:$0x9];
	[sflag:s8] =	ssyncadd.s32 $0xFFFFCE00  }
0x34: {  	[spmem:s1] =	stream.linear.scatter [tilespmem:s25], [sflag:$0xD], $0x3200, $0x38;
	[tilespmem:$0x1F460] =	vst v63  }
0x35: {  	_ =	swait.ge [sflag:s8], $0x3200  }
0x36: {  	[sflag:s8] =	ssyncset.done $0x0  }
0x37: {  	s2 =	rddreg [dreg:$0xa];
	[sflag:s8] =	ssyncadd.s32 $0xFFFFCE00  }
0x38: {  	[spmem:s2] =	stream.linear.scatter [tilespmem:s25], [sflag:$0xD], $0x3200, $0x38;
	[tilespmem:$0x1F460] =	vst v63  }
0x39: {  	_ =	swait.ge [sflag:s8], $0x3200  }
0x3a: {  	[sflag:s8] =	ssyncset.done $0x0  }
0x3b: {  	s24 =	rddreg [dreg:$0xb];
	[sflag:s8] =	ssyncadd.s32 $0xFFFFCE00  }
0x3c: {  	[spmem:s24] =	stream.linear.scatter [tilespmem:s25], [sflag:$0xD], $0x3200, $0x38;
	[tilespmem:$0x1F460] =	vst v63  }
0x3d: {  	_ =	swait.ge [sflag:s8], $0x3200  }
0x3e: {  	[sflag:s8] =	ssyncset.done $0x0  }
0x3f: {  	s26 =	rddreg [dreg:$0xc];
	[sflag:s8] =	ssyncadd.s32 $0xFFFFCE00  }
0x40: {  	[spmem:s26] =	stream.linear.scatter [tilespmem:s25], [sflag:$0xD], $0x3200, $0x38;
	[tilespmem:$0x1F460] =	vst v63  }
0x41: {  	_ =	swait.ge [sflag:s8], $0x3200  }
0x42: {  	[sflag:s8] =	ssyncset.done $0x0  }
0x43: {  	s1 =	rddreg [dreg:$0xd];
	[sflag:s8] =	ssyncadd.s32 $0xFFFFCE00  }
0x44: {  	[spmem:s1] =	stream.linear.scatter [tilespmem:s25], [sflag:$0xD], $0x2900, $0x38;
	[tilespmem:$0x1F460] =	vst v63  }
0x45: {  	_ =	swait.ge [sflag:s8], $0x2900  }
0x46: {  	[sflag:s8] =	ssyncset.done $0x0  }
0x47: {  	[sflag:s8] =	ssyncadd.s32 $0xFFFFD700  }
0x48: {  	[bflag:$0x0] =	sbarrier.arrive $0xFFFF  }
0x49: {  	s2 =	rddreg [dreg:$0x14]  }
0x4a: {  	[tilespmem:s25], [sflag:$0x1] =	stream.linear.gather [hbm4b:s2+s25], $0x3200, $0x38;
	[tilespmem:$0x1F460] =	vst v63  }
0x4b: {  	s8 =	rddreg [dreg:$0xe]  }
0x4c: {  	[tilespmem:s28], [sflag:$0x7] =	stream.linear.gather [hbm4b:s8+s25], $0x190, $0x38;
	[tilespmem:$0x1F460] =	vst v63  }
0x4d: {  	s24 =	rddreg [dreg:$0xf]  }
0x4e: {  	[tilespmem:s29], [sflag:$0x9] =	stream.linear.gather [hbm4b:s24+s25], $0x190, $0x38;
	[tilespmem:$0x1F460] =	vst v63  }
0x4f: {  	_ =	swait.ge [sflag:s30], $0x190  }
0x50: {  	[sflag:s30] =	ssyncset.done $0x0  }
0x51: {  	s26 =	simm.s32 $0x6A40;
	s8 =	simm.s32 $0x0;
	[sflag:s30] =	ssyncadd.s32 $0xFFFFFE70  }
0x52: {  	[tilespmem:s26], [sflag:$0x5] =	stream.indirect.gather [hbm4b:s6+s31], $0x1, s28, s31, $0xb8;
	[tilespmem:$0x1F460] =	vst v63  }
.LBB2_4:
0x53: {  	p0 =	seq.s32 s8, $0x0  }
0x54: {  	s0 =	simm.s32 @!p0 $0x4  }
0x55: {  	_ =	swait.ge @!p0 [sflag:s0], $0x3200  }
0x56: {  	[sflag:s0] =	ssyncset.done @!p0 $0x0  }
0x57: {  	[sflag:s0] =	ssyncadd.s32 @!p0 $0xFFFFCE00;
	s0 =	simm.s32 @!p0 $0xC  }
0x58: {  	s26 =	smul.u32 $0x320, s8;
	_ =	swait.ge @!p0 [sflag:s0], $0x3200  }
0x59: {  	s1 =	rddreg [dreg:$0x10]  }
0x5a: {  	s1 =	sadd.s32 s26, s1  }
0x5b: {  	[sflag:s0] =	ssyncset.done @!p0 $0x0;
	s24 =	sshll.u32 s1, $0x2  }
0x5c: {  	[sflag:s0] =	ssyncadd.s32 @!p0 $0xFFFFCE00;
	s2 =	sadd.s32 s16, s24  }
0x5d: {  	[tilespmem:s4], [sflag:$0x2] =	stream.linear.gather [hbm4b:s2+s25], $0x3200, $0x38;
	[tilespmem:$0x1F460] =	vst v63  }
0x5e: {  	s2 =	sshrl.u32 s1, $0x3  }
0x5f: {  	s1 =	sadd.s32 s7, s2  }
0x60: {  	[tilespmem:s9], [sflag:$0x8] =	stream.linear.gather [hbm4b:s1+s25], $0x190, $0x38;
	[tilespmem:$0x1F460] =	vst v63  }
0x61: {  	s0 =	sadd.s32 s19, s2  }
0x62: {  	[tilespmem:s10], [sflag:$0xA] =	stream.linear.gather [hbm4b:s0+s25], $0x190, $0x38;
	[tilespmem:$0x1F460] =	vst v63  }
0x63: {  	_ =	swait.ge [sflag:s11], $0x3200  }
0x64: {  	[sflag:s11] =	ssyncset.done $0x0  }
0x65: {  	v2 =	vmov s25;
	[sflag:s11] =	ssyncadd.s32 $0xFFFFCE00  }
0x66: {  	v2 =	vshll.u32 v2, $0x5;
	_ =	swait.ge [sflag:s12], $0x190  }
0x67: {  	v2 =	vor.u32 v1, v2;
	[sflag:s12] =	ssyncset.done $0x0  }
0x68: {  	[sflag:s12] =	ssyncadd.s32 $0xFFFFFE70  }
0x69: {  	_ =	swait.ge [sflag:s13], $0x190  }
0x6a: {  	[sflag:s13] =	ssyncset.done $0x0  }
0x6b: {  	[sflag:s13] =	ssyncadd.s32 $0xFFFFFE70  }
0x6c: {  	s0 =	simm.s32 $0x6A40;
	v4 =	vld.idx.msk [tilespmem:v2+s5+$0x0], $0xffff  }
0x6d: {  	v3 =	vld [tilespmem:s0+$0x0];
	_ =	sdelay $0x2  }
0x6e: {  	v5 =	vor.u32 $0x1, v2;
	_ =	sdelay $0x1  }
0x6f: {  	v4 =	vmul.f32 v4, v3;
	_ =	sdelay $0x1  }
0x70: {  	[tilespmem:v2+s5+$0x0] =	vst.idx.msk $0xffff, v4  }
0x71: {  	v4 =	vld.idx.msk [tilespmem:v5+s5+$0x0], $0xffff;
	_ =	sdelay $0x2  }
0x72: {  	v6 =	vor.u32 $0x2, v2;
	_ =	sdelay $0x1  }
0x73: {  	v4 =	vmul.f32 v4, v3;
	_ =	sdelay $0x1  }
0x74: {  	[tilespmem:v5+s5+$0x0] =	vst.idx.msk $0xffff, v4  }
0x75: {  	v4 =	vld.idx.msk [tilespmem:v6+s5+$0x0], $0xffff;
	_ =	sdelay $0x2  }
0x76: {  	v5 =	vor.u32 $0x3, v2;
	_ =	sdelay $0x1  }
0x77: {  	v4 =	vmul.f32 v4, v3;
	_ =	sdelay $0x1  }
0x78: {  	[tilespmem:v6+s5+$0x0] =	vst.idx.msk $0xffff, v4  }
0x79: {  	v4 =	vld.idx.msk [tilespmem:v5+s5+$0x0], $0xffff;
	_ =	sdelay $0x2  }
0x7a: {  	v6 =	vor.u32 $0x4, v2;
	_ =	sdelay $0x1  }
0x7b: {  	v4 =	vmul.f32 v4, v3;
	_ =	sdelay $0x1  }
0x7c: {  	[tilespmem:v5+s5+$0x0] =	vst.idx.msk $0xffff, v4  }
0x7d: {  	v4 =	vld.idx.msk [tilespmem:v6+s5+$0x0], $0xffff;
	_ =	sdelay $0x2  }
0x7e: {  	v5 =	vor.u32 $0x5, v2;
	_ =	sdelay $0x1  }
0x7f: {  	v4 =	vmul.f32 v4, v3;
	_ =	sdelay $0x1  }
0x80: {  	[tilespmem:v6+s5+$0x0] =	vst.idx.msk $0xffff, v4  }
0x81: {  	v4 =	vld.idx.msk [tilespmem:v5+s5+$0x0], $0xffff;
	_ =	sdelay $0x2  }
0x82: {  	v6 =	vor.u32 $0x6, v2;
	_ =	sdelay $0x1  }
0x83: {  	v4 =	vmul.f32 v4, v3;
	_ =	sdelay $0x1  }
0x84: {  	[tilespmem:v5+s5+$0x0] =	vst.idx.msk $0xffff, v4  }
0x85: {  	v4 =	vld.idx.msk [tilespmem:v6+s5+$0x0], $0xffff;
	_ =	sdelay $0x2  }
0x86: {  	v5 =	vor.u32 $0x7, v2;
	_ =	sdelay $0x1  }
0x87: {  	v4 =	vmul.f32 v4, v3;
	_ =	sdelay $0x1  }
0x88: {  	[tilespmem:v6+s5+$0x0] =	vst.idx.msk $0xffff, v4  }
0x89: {  	v4 =	vld.idx.msk [tilespmem:v5+s5+$0x0], $0xffff;
	_ =	sdelay $0x2  }
0x8a: {  	v6 =	vor.u32 $0x8, v2;
	_ =	sdelay $0x1  }
0x8b: {  	v4 =	vmul.f32 v4, v3;
	_ =	sdelay $0x1  }
0x8c: {  	[tilespmem:v5+s5+$0x0] =	vst.idx.msk $0xffff, v4  }
0x8d: {  	v4 =	vld.idx.msk [tilespmem:v6+s5+$0x0], $0xffff;
	_ =	sdelay $0x2  }
0x8e: {  	v5 =	vor.u32 $0x9, v2;
	_ =	sdelay $0x1  }
0x8f: {  	v4 =	vmul.f32 v4, v3;
	_ =	sdelay $0x1  }
0x90: {  	[tilespmem:v6+s5+$0x0] =	vst.idx.msk $0xffff, v4  }
0x91: {  	v4 =	vld.idx.msk [tilespmem:v5+s5+$0x0], $0xffff;
	_ =	sdelay $0x2  }
0x92: {  	v6 =	vor.u32 $0xA, v2;
	_ =	sdelay $0x1  }
0x93: {  	v4 =	vmul.f32 v4, v3;
	_ =	sdelay $0x1  }
0x94: {  	[tilespmem:v5+s5+$0x0] =	vst.idx.msk $0xffff, v4  }
0x95: {  	v4 =	vld.idx.msk [tilespmem:v6+s5+$0x0], $0xffff;
	_ =	sdelay $0x2  }
0x96: {  	v5 =	vor.u32 $0xB, v2;
	_ =	sdelay $0x1  }
0x97: {  	v4 =	vmul.f32 v4, v3;
	_ =	sdelay $0x1  }
0x98: {  	[tilespmem:v6+s5+$0x0] =	vst.idx.msk $0xffff, v4  }
0x99: {  	v4 =	vld.idx.msk [tilespmem:v5+s5+$0x0], $0xffff;
	_ =	sdelay $0x2  }
0x9a: {  	v6 =	vor.u32 $0xC, v2;
	_ =	sdelay $0x1  }
0x9b: {  	v4 =	vmul.f32 v4, v3;
	_ =	sdelay $0x1  }
0x9c: {  	[tilespmem:v5+s5+$0x0] =	vst.idx.msk $0xffff, v4  }
0x9d: {  	v4 =	vld.idx.msk [tilespmem:v6+s5+$0x0], $0xffff;
	_ =	sdelay $0x2  }
0x9e: {  	v5 =	vor.u32 $0xD, v2;
	_ =	sdelay $0x1  }
0x9f: {  	v4 =	vmul.f32 v4, v3;
	_ =	sdelay $0x1  }
0xa0: {  	[tilespmem:v6+s5+$0x0] =	vst.idx.msk $0xffff, v4  }
0xa1: {  	v4 =	vld.idx.msk [tilespmem:v5+s5+$0x0], $0xffff;
	_ =	sdelay $0x2  }
0xa2: {  	v6 =	vor.u32 $0xE, v2;
	_ =	sdelay $0x1  }
0xa3: {  	v4 =	vmul.f32 v4, v3;
	_ =	sdelay $0x1  }
0xa4: {  	[tilespmem:v5+s5+$0x0] =	vst.idx.msk $0xffff, v4  }
0xa5: {  	v4 =	vld.idx.msk [tilespmem:v6+s5+$0x0], $0xffff;
	_ =	sdelay $0x2  }
0xa6: {  	v5 =	vor.u32 $0xF, v2;
	_ =	sdelay $0x1  }
0xa7: {  	v4 =	vmul.f32 v4, v3;
	_ =	sdelay $0x1  }
0xa8: {  	[tilespmem:v6+s5+$0x0] =	vst.idx.msk $0xffff, v4  }
0xa9: {  	v4 =	vld.idx.msk [tilespmem:v5+s5+$0x0], $0xffff;
	_ =	sdelay $0x2  }
0xaa: {  	v6 =	vor.u32 $0x10, v2;
	_ =	sdelay $0x1  }
0xab: {  	v4 =	vmul.f32 v4, v3;
	_ =	sdelay $0x1  }
0xac: {  	[tilespmem:v5+s5+$0x0] =	vst.idx.msk $0xffff, v4  }
0xad: {  	v4 =	vld.idx.msk [tilespmem:v6+s5+$0x0], $0xffff;
	_ =	sdelay $0x2  }
0xae: {  	v5 =	vor.u32 $0x11, v2;
	_ =	sdelay $0x1  }
0xaf: {  	v4 =	vmul.f32 v4, v3;
	_ =	sdelay $0x1  }
0xb0: {  	[tilespmem:v6+s5+$0x0] =	vst.idx.msk $0xffff, v4  }
0xb1: {  	v4 =	vld.idx.msk [tilespmem:v5+s5+$0x0], $0xffff;
	_ =	sdelay $0x2  }
0xb2: {  	v6 =	vor.u32 $0x12, v2;
	_ =	sdelay $0x1  }
0xb3: {  	v4 =	vmul.f32 v4, v3;
	_ =	sdelay $0x1  }
0xb4: {  	[tilespmem:v5+s5+$0x0] =	vst.idx.msk $0xffff, v4  }
0xb5: {  	v4 =	vld.idx.msk [tilespmem:v6+s5+$0x0], $0xffff;
	_ =	sdelay $0x2  }
0xb6: {  	v5 =	vor.u32 $0x13, v2;
	_ =	sdelay $0x1  }
0xb7: {  	v4 =	vmul.f32 v4, v3;
	_ =	sdelay $0x1  }
0xb8: {  	[tilespmem:v6+s5+$0x0] =	vst.idx.msk $0xffff, v4  }
0xb9: {  	v4 =	vld.idx.msk [tilespmem:v5+s5+$0x0], $0xffff;
	_ =	sdelay $0x2  }
0xba: {  	v6 =	vor.u32 $0x14, v2;
	_ =	sdelay $0x1  }
0xbb: {  	v4 =	vmul.f32 v4, v3;
	_ =	sdelay $0x1  }
0xbc: {  	[tilespmem:v5+s5+$0x0] =	vst.idx.msk $0xffff, v4  }
0xbd: {  	v4 =	vld.idx.msk [tilespmem:v6+s5+$0x0], $0xffff;
	_ =	sdelay $0x2  }
0xbe: {  	v5 =	vor.u32 $0x15, v2;
	_ =	sdelay $0x1  }
0xbf: {  	v4 =	vmul.f32 v4, v3;
	_ =	sdelay $0x1  }
0xc0: {  	[tilespmem:v6+s5+$0x0] =	vst.idx.msk $0xffff, v4  }
0xc1: {  	v4 =	vld.idx.msk [tilespmem:v5+s5+$0x0], $0xffff;
	_ =	sdelay $0x2  }
0xc2: {  	v6 =	vor.u32 $0x16, v2;
	_ =	sdelay $0x1  }
0xc3: {  	v4 =	vmul.f32 v4, v3;
	_ =	sdelay $0x1  }
0xc4: {  	[tilespmem:v5+s5+$0x0] =	vst.idx.msk $0xffff, v4  }
0xc5: {  	v4 =	vld.idx.msk [tilespmem:v6+s5+$0x0], $0xffff;
	_ =	sdelay $0x2  }
0xc6: {  	v5 =	vor.u32 $0x17, v2;
	_ =	sdelay $0x1  }
0xc7: {  	v4 =	vmul.f32 v4, v3;
	_ =	sdelay $0x1  }
0xc8: {  	[tilespmem:v6+s5+$0x0] =	vst.idx.msk $0xffff, v4  }
0xc9: {  	v4 =	vld.idx.msk [tilespmem:v5+s5+$0x0], $0xffff;
	_ =	sdelay $0x2  }
0xca: {  	v6 =	vor.u32 $0x18, v2;
	_ =	sdelay $0x1  }
0xcb: {  	v4 =	vmul.f32 v4, v3;
	_ =	sdelay $0x1  }
0xcc: {  	[tilespmem:v5+s5+$0x0] =	vst.idx.msk $0xffff, v4  }
0xcd: {  	v4 =	vld.idx.msk [tilespmem:v6+s5+$0x0], $0xffff;
	_ =	sdelay $0x2  }
0xce: {  	v5 =	vor.u32 $0x19, v2;
	_ =	sdelay $0x1  }
0xcf: {  	v4 =	vmul.f32 v4, v3;
	_ =	sdelay $0x1  }
0xd0: {  	[tilespmem:v6+s5+$0x0] =	vst.idx.msk $0xffff, v4  }
0xd1: {  	v4 =	vld.idx.msk [tilespmem:v5+s5+$0x0], $0xffff;
	_ =	sdelay $0x2  }
0xd2: {  	v6 =	vor.u32 $0x1A, v2;
	_ =	sdelay $0x1  }
0xd3: {  	v4 =	vmul.f32 v4, v3;
	_ =	sdelay $0x1  }
0xd4: {  	[tilespmem:v5+s5+$0x0] =	vst.idx.msk $0xffff, v4  }
0xd5: {  	v4 =	vld.idx.msk [tilespmem:v6+s5+$0x0], $0xffff;
	_ =	sdelay $0x2  }
0xd6: {  	v5 =	vor.u32 $0x1B, v2;
	_ =	sdelay $0x1  }
0xd7: {  	v4 =	vmul.f32 v4, v3;
	_ =	sdelay $0x1  }
0xd8: {  	[tilespmem:v6+s5+$0x0] =	vst.idx.msk $0xffff, v4  }
0xd9: {  	v4 =	vld.idx.msk [tilespmem:v5+s5+$0x0], $0xffff;
	_ =	sdelay $0x2  }
0xda: {  	v6 =	vor.u32 $0x1C, v2;
	_ =	sdelay $0x1  }
0xdb: {  	v4 =	vmul.f32 v4, v3;
	_ =	sdelay $0x1  }
0xdc: {  	[tilespmem:v5+s5+$0x0] =	vst.idx.msk $0xffff, v4  }
0xdd: {  	v4 =	vld.idx.msk [tilespmem:v6+s5+$0x0], $0xffff;
	_ =	sdelay $0x2  }
0xde: {  	v5 =	vor.u32 $0x1D, v2;
	_ =	sdelay $0x1  }
0xdf: {  	v4 =	vmul.f32 v4, v3;
	_ =	sdelay $0x1  }
0xe0: {  	[tilespmem:v6+s5+$0x0] =	vst.idx.msk $0xffff, v4  }
0xe1: {  	v4 =	vld.idx.msk [tilespmem:v5+s5+$0x0], $0xffff;
	_ =	sdelay $0x2  }
0xe2: {  	v6 =	vor.u32 $0x1E, v2;
	_ =	sdelay $0x1  }
0xe3: {  	v4 =	vmul.f32 v4, v3;
	_ =	sdelay $0x1  }
0xe4: {  	[tilespmem:v5+s5+$0x0] =	vst.idx.msk $0xffff, v4  }
0xe5: {  	v5 =	vld.idx.msk [tilespmem:v6+s5+$0x0], $0xffff;
	_ =	sdelay $0x2  }
0xe6: {  	v4 =	vor.u32 $0x1F, v2;
	_ =	sdelay $0x1  }
0xe7: {  	v2 =	vmul.f32 v5, v3;
	_ =	sdelay $0x1  }
0xe8: {  	[tilespmem:v6+s5+$0x0] =	vst.idx.msk $0xffff, v2  }
0xe9: {  	s2 =	simm.s32 $0x10;
	v5 =	vld.idx.msk [tilespmem:v4+s5+$0x0], $0xffff  }
0xea: {  	v2 =	vmov s2  }
0xeb: {  	v2 =	vshll.u32 v2, $0x5  }
0xec: {  	v2 =	vor.u32 v1, v2;
	_ =	sdelay $0x1  }
0xed: {  	s1 =	simm.s32 $0x20;
	v3 =	vmul.f32 v5, v3  }
.LBB2_5:
0xee: {  	p0 =	sne.s32 s1, $0x180  }
0xef: {  	s0 =	sadd.s32 $0x10, s0;
	s2 =	smov.u32 s1;
	s1 =	sadd.s32 $0x10, s1;
	[tilespmem:v4+s5+$0x0] =	vst.idx.msk $0xffff, v3  }
0xf0: {  	v4 =	vld.idx.msk [tilespmem:v2+s5+$0x0], $0xffff  }
0xf1: {  	v3 =	vld [tilespmem:s0+$0x0];
	_ =	sdelay $0x2  }
0xf2: {  	v5 =	vor.u32 $0x1, v2;
	_ =	sdelay $0x1  }
0xf3: {  	v4 =	vmul.f32 v4, v3;
	_ =	sdelay $0x1  }
0xf4: {  	[tilespmem:v2+s5+$0x0] =	vst.idx.msk $0xffff, v4  }
0xf5: {  	v4 =	vld.idx.msk [tilespmem:v5+s5+$0x0], $0xffff;
	_ =	sdelay $0x3  }
0xf6: {  	v6 =	vor.u32 $0x2, v2;
	_ =	sdelay $0x1  }
0xf7: {  	v4 =	vmul.f32 v4, v3;
	_ =	sdelay $0x1  }
0xf8: {  	[tilespmem:v5+s5+$0x0] =	vst.idx.msk $0xffff, v4  }
0xf9: {  	v4 =	vld.idx.msk [tilespmem:v6+s5+$0x0], $0xffff;
	_ =	sdelay $0x3  }
0xfa: {  	v5 =	vor.u32 $0x3, v2;
	_ =	sdelay $0x1  }
0xfb: {  	v4 =	vmul.f32 v4, v3;
	_ =	sdelay $0x1  }
0xfc: {  	[tilespmem:v6+s5+$0x0] =	vst.idx.msk $0xffff, v4  }
0xfd: {  	v4 =	vld.idx.msk [tilespmem:v5+s5+$0x0], $0xffff;
	_ =	sdelay $0x3  }
0xfe: {  	v6 =	vor.u32 $0x4, v2;
	_ =	sdelay $0x1  }
0xff: {  	v4 =	vmul.f32 v4, v3;
	_ =	sdelay $0x1  }
0x100: {  	[tilespmem:v5+s5+$0x0] =	vst.idx.msk $0xffff, v4  }
0x101: {  	v4 =	vld.idx.msk [tilespmem:v6+s5+$0x0], $0xffff;
	_ =	sdelay $0x3  }
0x102: {  	v5 =	vor.u32 $0x5, v2;
	_ =	sdelay $0x1  }
0x103: {  	v4 =	vmul.f32 v4, v3;
	_ =	sdelay $0x1  }
0x104: {  	[tilespmem:v6+s5+$0x0] =	vst.idx.msk $0xffff, v4  }
0x105: {  	v4 =	vld.idx.msk [tilespmem:v5+s5+$0x0], $0xffff;
	_ =	sdelay $0x3  }
0x106: {  	v6 =	vor.u32 $0x6, v2;
	_ =	sdelay $0x1  }
0x107: {  	v4 =	vmul.f32 v4, v3;
	_ =	sdelay $0x1  }
0x108: {  	[tilespmem:v5+s5+$0x0] =	vst.idx.msk $0xffff, v4  }
0x109: {  	v4 =	vld.idx.msk [tilespmem:v6+s5+$0x0], $0xffff;
	_ =	sdelay $0x3  }
0x10a: {  	v5 =	vor.u32 $0x7, v2;
	_ =	sdelay $0x1  }
0x10b: {  	v4 =	vmul.f32 v4, v3;
	_ =	sdelay $0x1  }
0x10c: {  	[tilespmem:v6+s5+$0x0] =	vst.idx.msk $0xffff, v4  }
0x10d: {  	v4 =	vld.idx.msk [tilespmem:v5+s5+$0x0], $0xffff;
	_ =	sdelay $0x3  }
0x10e: {  	v6 =	vor.u32 $0x8, v2;
	_ =	sdelay $0x1  }
0x10f: {  	v4 =	vmul.f32 v4, v3;
	_ =	sdelay $0x1  }
0x110: {  	[tilespmem:v5+s5+$0x0] =	vst.idx.msk $0xffff, v4  }
0x111: {  	v4 =	vld.idx.msk [tilespmem:v6+s5+$0x0], $0xffff;
	_ =	sdelay $0x3  }
0x112: {  	v5 =	vor.u32 $0x9, v2;
	_ =	sdelay $0x1  }
0x113: {  	v4 =	vmul.f32 v4, v3;
	_ =	sdelay $0x1  }
0x114: {  	[tilespmem:v6+s5+$0x0] =	vst.idx.msk $0xffff, v4  }
0x115: {  	v4 =	vld.idx.msk [tilespmem:v5+s5+$0x0], $0xffff;
	_ =	sdelay $0x3  }
0x116: {  	v6 =	vor.u32 $0xA, v2;
	_ =	sdelay $0x1  }
0x117: {  	v4 =	vmul.f32 v4, v3;
	_ =	sdelay $0x1  }
0x118: {  	[tilespmem:v5+s5+$0x0] =	vst.idx.msk $0xffff, v4  }
0x119: {  	v4 =	vld.idx.msk [tilespmem:v6+s5+$0x0], $0xffff;
	_ =	sdelay $0x3  }
0x11a: {  	v5 =	vor.u32 $0xB, v2;
	_ =	sdelay $0x1  }
0x11b: {  	v4 =	vmul.f32 v4, v3;
	_ =	sdelay $0x1  }
0x11c: {  	[tilespmem:v6+s5+$0x0] =	vst.idx.msk $0xffff, v4  }
0x11d: {  	v4 =	vld.idx.msk [tilespmem:v5+s5+$0x0], $0xffff;
	_ =	sdelay $0x3  }
0x11e: {  	v6 =	vor.u32 $0xC, v2;
	_ =	sdelay $0x1  }
0x11f: {  	v4 =	vmul.f32 v4, v3;
	_ =	sdelay $0x1  }
0x120: {  	[tilespmem:v5+s5+$0x0] =	vst.idx.msk $0xffff, v4  }
0x121: {  	v4 =	vld.idx.msk [tilespmem:v6+s5+$0x0], $0xffff;
	_ =	sdelay $0x3  }
0x122: {  	v5 =	vor.u32 $0xD, v2;
	_ =	sdelay $0x1  }
0x123: {  	v4 =	vmul.f32 v4, v3;
	_ =	sdelay $0x1  }
0x124: {  	[tilespmem:v6+s5+$0x0] =	vst.idx.msk $0xffff, v4  }
0x125: {  	v4 =	vld.idx.msk [tilespmem:v5+s5+$0x0], $0xffff;
	_ =	sdelay $0x3  }
0x126: {  	v6 =	vor.u32 $0xE, v2;
	_ =	sdelay $0x1  }
0x127: {  	v4 =	vmul.f32 v4, v3;
	_ =	sdelay $0x1  }
0x128: {  	[tilespmem:v5+s5+$0x0] =	vst.idx.msk $0xffff, v4  }
0x129: {  	v4 =	vld.idx.msk [tilespmem:v6+s5+$0x0], $0xffff;
	_ =	sdelay $0x3  }
0x12a: {  	v5 =	vor.u32 $0xF, v2;
	_ =	sdelay $0x1  }
0x12b: {  	v4 =	vmul.f32 v4, v3;
	_ =	sdelay $0x1  }
0x12c: {  	[tilespmem:v6+s5+$0x0] =	vst.idx.msk $0xffff, v4  }
0x12d: {  	v4 =	vld.idx.msk [tilespmem:v5+s5+$0x0], $0xffff;
	_ =	sdelay $0x3  }
0x12e: {  	v6 =	vor.u32 $0x10, v2;
	_ =	sdelay $0x1  }
0x12f: {  	v4 =	vmul.f32 v4, v3;
	_ =	sdelay $0x1  }
0x130: {  	[tilespmem:v5+s5+$0x0] =	vst.idx.msk $0xffff, v4  }
0x131: {  	v4 =	vld.idx.msk [tilespmem:v6+s5+$0x0], $0xffff;
	_ =	sdelay $0x3  }
0x132: {  	v5 =	vor.u32 $0x11, v2;
	_ =	sdelay $0x1  }
0x133: {  	v4 =	vmul.f32 v4, v3;
	_ =	sdelay $0x1  }
0x134: {  	[tilespmem:v6+s5+$0x0] =	vst.idx.msk $0xffff, v4  }
0x135: {  	v4 =	vld.idx.msk [tilespmem:v5+s5+$0x0], $0xffff;
	_ =	sdelay $0x3  }
0x136: {  	v6 =	vor.u32 $0x12, v2;
	_ =	sdelay $0x1  }
0x137: {  	v4 =	vmul.f32 v4, v3;
	_ =	sdelay $0x1  }
0x138: {  	[tilespmem:v5+s5+$0x0] =	vst.idx.msk $0xffff, v4  }
0x139: {  	v4 =	vld.idx.msk [tilespmem:v6+s5+$0x0], $0xffff;
	_ =	sdelay $0x3  }
0x13a: {  	v5 =	vor.u32 $0x13, v2;
	_ =	sdelay $0x1  }
0x13b: {  	v4 =	vmul.f32 v4, v3;
	_ =	sdelay $0x1  }
0x13c: {  	[tilespmem:v6+s5+$0x0] =	vst.idx.msk $0xffff, v4  }
0x13d: {  	v4 =	vld.idx.msk [tilespmem:v5+s5+$0x0], $0xffff;
	_ =	sdelay $0x3  }
0x13e: {  	v6 =	vor.u32 $0x14, v2;
	_ =	sdelay $0x1  }
0x13f: {  	v4 =	vmul.f32 v4, v3;
	_ =	sdelay $0x1  }
0x140: {  	[tilespmem:v5+s5+$0x0] =	vst.idx.msk $0xffff, v4  }
0x141: {  	v4 =	vld.idx.msk [tilespmem:v6+s5+$0x0], $0xffff;
	_ =	sdelay $0x3  }
0x142: {  	v5 =	vor.u32 $0x15, v2;
	_ =	sdelay $0x1  }
0x143: {  	v4 =	vmul.f32 v4, v3;
	_ =	sdelay $0x1  }
0x144: {  	[tilespmem:v6+s5+$0x0] =	vst.idx.msk $0xffff, v4  }
0x145: {  	v4 =	vld.idx.msk [tilespmem:v5+s5+$0x0], $0xffff;
	_ =	sdelay $0x3  }
0x146: {  	v6 =	vor.u32 $0x16, v2;
	_ =	sdelay $0x1  }
0x147: {  	v4 =	vmul.f32 v4, v3;
	_ =	sdelay $0x1  }
0x148: {  	[tilespmem:v5+s5+$0x0] =	vst.idx.msk $0xffff, v4  }
0x149: {  	v4 =	vld.idx.msk [tilespmem:v6+s5+$0x0], $0xffff;
	_ =	sdelay $0x3  }
0x14a: {  	v5 =	vor.u32 $0x17, v2;
	_ =	sdelay $0x1  }
0x14b: {  	v4 =	vmul.f32 v4, v3;
	_ =	sdelay $0x1  }
0x14c: {  	[tilespmem:v6+s5+$0x0] =	vst.idx.msk $0xffff, v4  }
0x14d: {  	v4 =	vld.idx.msk [tilespmem:v5+s5+$0x0], $0xffff;
	_ =	sdelay $0x3  }
0x14e: {  	v6 =	vor.u32 $0x18, v2;
	_ =	sdelay $0x1  }
0x14f: {  	v4 =	vmul.f32 v4, v3;
	_ =	sdelay $0x1  }
0x150: {  	[tilespmem:v5+s5+$0x0] =	vst.idx.msk $0xffff, v4  }
0x151: {  	v4 =	vld.idx.msk [tilespmem:v6+s5+$0x0], $0xffff;
	_ =	sdelay $0x3  }
0x152: {  	v5 =	vor.u32 $0x19, v2;
	_ =	sdelay $0x1  }
0x153: {  	v4 =	vmul.f32 v4, v3;
	_ =	sdelay $0x1  }
0x154: {  	[tilespmem:v6+s5+$0x0] =	vst.idx.msk $0xffff, v4  }
0x155: {  	v4 =	vld.idx.msk [tilespmem:v5+s5+$0x0], $0xffff;
	_ =	sdelay $0x3  }
0x156: {  	v6 =	vor.u32 $0x1A, v2;
	_ =	sdelay $0x1  }
0x157: {  	v4 =	vmul.f32 v4, v3;
	_ =	sdelay $0x1  }
0x158: {  	[tilespmem:v5+s5+$0x0] =	vst.idx.msk $0xffff, v4  }
0x159: {  	v4 =	vld.idx.msk [tilespmem:v6+s5+$0x0], $0xffff;
	_ =	sdelay $0x3  }
0x15a: {  	v5 =	vor.u32 $0x1B, v2;
	_ =	sdelay $0x1  }
0x15b: {  	v4 =	vmul.f32 v4, v3;
	_ =	sdelay $0x1  }
0x15c: {  	[tilespmem:v6+s5+$0x0] =	vst.idx.msk $0xffff, v4  }
0x15d: {  	v4 =	vld.idx.msk [tilespmem:v5+s5+$0x0], $0xffff;
	_ =	sdelay $0x3  }
0x15e: {  	v6 =	vor.u32 $0x1C, v2;
	_ =	sdelay $0x1  }
0x15f: {  	v4 =	vmul.f32 v4, v3;
	_ =	sdelay $0x1  }
0x160: {  	[tilespmem:v5+s5+$0x0] =	vst.idx.msk $0xffff, v4  }
0x161: {  	v4 =	vld.idx.msk [tilespmem:v6+s5+$0x0], $0xffff;
	_ =	sdelay $0x3  }
0x162: {  	v5 =	vor.u32 $0x1D, v2;
	_ =	sdelay $0x1  }
0x163: {  	v4 =	vmul.f32 v4, v3;
	_ =	sdelay $0x1  }
0x164: {  	[tilespmem:v6+s5+$0x0] =	vst.idx.msk $0xffff, v4  }
0x165: {  	v4 =	vld.idx.msk [tilespmem:v5+s5+$0x0], $0xffff;
	_ =	sdelay $0x3  }
0x166: {  	v6 =	vor.u32 $0x1E, v2;
	_ =	sdelay $0x1  }
0x167: {  	v4 =	vmul.f32 v4, v3;
	_ =	sdelay $0x1  }
0x168: {  	[tilespmem:v5+s5+$0x0] =	vst.idx.msk $0xffff, v4  }
0x169: {  	v5 =	vld.idx.msk [tilespmem:v6+s5+$0x0], $0xffff;
	_ =	sdelay $0x3  }
0x16a: {  	v4 =	vor.u32 $0x1F, v2;
	_ =	sdelay $0x1  }
0x16b: {  	v2 =	vmul.f32 v5, v3;
	_ =	sdelay $0x1  }
0x16c: {  	[tilespmem:v6+s5+$0x0] =	vst.idx.msk $0xffff, v2  }
0x16d: {  	v5 =	vld.idx.msk [tilespmem:v4+s5+$0x0], $0xffff;
	_ =	sdelay $0x1  }
.Ltmp1:
0x16e: {  	v2 =	vmov s2;
	(pc) =	sbr.rel @p0 .LBB2_5-.Ltmp1, $3  }
0x16f: {  	v2 =	vshll.u32 v2, $0x5  }
0x170: {  	v2 =	vor.u32 v1, v2;
	_ =	sdelay $0x1  }
0x171: {  	v3 =	vmul.f32 v5, v3  }
0x172: {  	_ =	sdelay $0x3  }
0x173: {  	[tilespmem:v4+s5+$0x0] =	vst.idx.msk $0xffff, v3  }
0x174: {  	s0 =	sadd.s32 $0x10, s0;
	v3 =	vld.idx.msk [tilespmem:v2+s5+$0x0], $0xffff  }
0x175: {  	v4 =	vld [tilespmem:s0+$0x0];
	_ =	sdelay $0x2  }
0x176: {  	v5 =	vor.u32 $0x1, v2;
	_ =	sdelay $0x1  }
0x177: {  	v3 =	vmul.f32 v3, v4;
	_ =	sdelay $0x1  }
0x178: {  	[tilespmem:v2+s5+$0x0] =	vst.idx.msk $0xffff, v3  }
0x179: {  	v3 =	vld.idx.msk [tilespmem:v5+s5+$0x0], $0xffff;
	_ =	sdelay $0x2  }
0x17a: {  	v6 =	vor.u32 $0x2, v2;
	_ =	sdelay $0x1  }
0x17b: {  	v3 =	vmul.f32 v3, v4;
	_ =	sdelay $0x1  }
0x17c: {  	[tilespmem:v5+s5+$0x0] =	vst.idx.msk $0xffff, v3  }
0x17d: {  	v3 =	vld.idx.msk [tilespmem:v6+s5+$0x0], $0xffff;
	_ =	sdelay $0x2  }
0x17e: {  	v5 =	vor.u32 $0x3, v2;
	_ =	sdelay $0x1  }
0x17f: {  	v3 =	vmul.f32 v3, v4;
	_ =	sdelay $0x1  }
0x180: {  	[tilespmem:v6+s5+$0x0] =	vst.idx.msk $0xffff, v3  }
0x181: {  	v3 =	vld.idx.msk [tilespmem:v5+s5+$0x0], $0xffff;
	_ =	sdelay $0x2  }
0x182: {  	v6 =	vor.u32 $0x4, v2;
	_ =	sdelay $0x1  }
0x183: {  	v3 =	vmul.f32 v3, v4;
	_ =	sdelay $0x1  }
0x184: {  	[tilespmem:v5+s5+$0x0] =	vst.idx.msk $0xffff, v3  }
0x185: {  	v3 =	vld.idx.msk [tilespmem:v6+s5+$0x0], $0xffff;
	_ =	sdelay $0x2  }
0x186: {  	v5 =	vor.u32 $0x5, v2;
	_ =	sdelay $0x1  }
0x187: {  	v3 =	vmul.f32 v3, v4;
	_ =	sdelay $0x1  }
0x188: {  	[tilespmem:v6+s5+$0x0] =	vst.idx.msk $0xffff, v3  }
0x189: {  	v3 =	vld.idx.msk [tilespmem:v5+s5+$0x0], $0xffff;
	_ =	sdelay $0x2  }
0x18a: {  	v6 =	vor.u32 $0x6, v2;
	_ =	sdelay $0x1  }
0x18b: {  	v3 =	vmul.f32 v3, v4;
	_ =	sdelay $0x1  }
0x18c: {  	[tilespmem:v5+s5+$0x0] =	vst.idx.msk $0xffff, v3  }
0x18d: {  	v3 =	vld.idx.msk [tilespmem:v6+s5+$0x0], $0xffff;
	_ =	sdelay $0x2  }
0x18e: {  	v5 =	vor.u32 $0x7, v2;
	_ =	sdelay $0x1  }
0x18f: {  	v3 =	vmul.f32 v3, v4;
	_ =	sdelay $0x1  }
0x190: {  	[tilespmem:v6+s5+$0x0] =	vst.idx.msk $0xffff, v3  }
0x191: {  	v3 =	vld.idx.msk [tilespmem:v5+s5+$0x0], $0xffff;
	_ =	sdelay $0x2  }
0x192: {  	v6 =	vor.u32 $0x8, v2;
	_ =	sdelay $0x1  }
0x193: {  	v3 =	vmul.f32 v3, v4;
	_ =	sdelay $0x1  }
0x194: {  	[tilespmem:v5+s5+$0x0] =	vst.idx.msk $0xffff, v3  }
0x195: {  	v3 =	vld.idx.msk [tilespmem:v6+s5+$0x0], $0xffff;
	_ =	sdelay $0x2  }
0x196: {  	v5 =	vor.u32 $0x9, v2;
	_ =	sdelay $0x1  }
0x197: {  	v3 =	vmul.f32 v3, v4;
	_ =	sdelay $0x1  }
0x198: {  	[tilespmem:v6+s5+$0x0] =	vst.idx.msk $0xffff, v3  }
0x199: {  	v3 =	vld.idx.msk [tilespmem:v5+s5+$0x0], $0xffff;
	_ =	sdelay $0x2  }
0x19a: {  	v6 =	vor.u32 $0xA, v2;
	_ =	sdelay $0x1  }
0x19b: {  	v3 =	vmul.f32 v3, v4;
	_ =	sdelay $0x1  }
0x19c: {  	[tilespmem:v5+s5+$0x0] =	vst.idx.msk $0xffff, v3  }
0x19d: {  	v3 =	vld.idx.msk [tilespmem:v6+s5+$0x0], $0xffff;
	_ =	sdelay $0x2  }
0x19e: {  	v5 =	vor.u32 $0xB, v2;
	_ =	sdelay $0x1  }
0x19f: {  	v3 =	vmul.f32 v3, v4;
	_ =	sdelay $0x1  }
0x1a0: {  	[tilespmem:v6+s5+$0x0] =	vst.idx.msk $0xffff, v3  }
0x1a1: {  	v3 =	vld.idx.msk [tilespmem:v5+s5+$0x0], $0xffff;
	_ =	sdelay $0x2  }
0x1a2: {  	v6 =	vor.u32 $0xC, v2;
	_ =	sdelay $0x1  }
0x1a3: {  	v3 =	vmul.f32 v3, v4;
	_ =	sdelay $0x1  }
0x1a4: {  	[tilespmem:v5+s5+$0x0] =	vst.idx.msk $0xffff, v3  }
0x1a5: {  	v3 =	vld.idx.msk [tilespmem:v6+s5+$0x0], $0xffff;
	_ =	sdelay $0x2  }
0x1a6: {  	v5 =	vor.u32 $0xD, v2;
	_ =	sdelay $0x1  }
0x1a7: {  	v3 =	vmul.f32 v3, v4;
	_ =	sdelay $0x1  }
0x1a8: {  	[tilespmem:v6+s5+$0x0] =	vst.idx.msk $0xffff, v3  }
0x1a9: {  	v3 =	vld.idx.msk [tilespmem:v5+s5+$0x0], $0xffff;
	_ =	sdelay $0x2  }
0x1aa: {  	v6 =	vor.u32 $0xE, v2;
	_ =	sdelay $0x1  }
0x1ab: {  	v3 =	vmul.f32 v3, v4;
	_ =	sdelay $0x1  }
0x1ac: {  	[tilespmem:v5+s5+$0x0] =	vst.idx.msk $0xffff, v3  }
0x1ad: {  	v3 =	vld.idx.msk [tilespmem:v6+s5+$0x0], $0xffff;
	_ =	sdelay $0x2  }
0x1ae: {  	v5 =	vor.u32 $0xF, v2;
	_ =	sdelay $0x1  }
0x1af: {  	v3 =	vmul.f32 v3, v4;
	_ =	sdelay $0x1  }
0x1b0: {  	[tilespmem:v6+s5+$0x0] =	vst.idx.msk $0xffff, v3  }
0x1b1: {  	v3 =	vld.idx.msk [tilespmem:v5+s5+$0x0], $0xffff;
	_ =	sdelay $0x2  }
0x1b2: {  	v6 =	vor.u32 $0x10, v2;
	_ =	sdelay $0x1  }
0x1b3: {  	v3 =	vmul.f32 v3, v4;
	_ =	sdelay $0x1  }
0x1b4: {  	[tilespmem:v5+s5+$0x0] =	vst.idx.msk $0xffff, v3  }
0x1b5: {  	v3 =	vld.idx.msk [tilespmem:v6+s5+$0x0], $0xffff;
	_ =	sdelay $0x2  }
0x1b6: {  	v5 =	vor.u32 $0x11, v2;
	_ =	sdelay $0x1  }
0x1b7: {  	v3 =	vmul.f32 v3, v4;
	_ =	sdelay $0x1  }
0x1b8: {  	[tilespmem:v6+s5+$0x0] =	vst.idx.msk $0xffff, v3  }
0x1b9: {  	v3 =	vld.idx.msk [tilespmem:v5+s5+$0x0], $0xffff;
	_ =	sdelay $0x2  }
0x1ba: {  	v6 =	vor.u32 $0x12, v2;
	_ =	sdelay $0x1  }
0x1bb: {  	v3 =	vmul.f32 v3, v4;
	_ =	sdelay $0x1  }
0x1bc: {  	[tilespmem:v5+s5+$0x0] =	vst.idx.msk $0xffff, v3  }
0x1bd: {  	v3 =	vld.idx.msk [tilespmem:v6+s5+$0x0], $0xffff;
	_ =	sdelay $0x2  }
0x1be: {  	v5 =	vor.u32 $0x13, v2;
	_ =	sdelay $0x1  }
0x1bf: {  	v3 =	vmul.f32 v3, v4;
	_ =	sdelay $0x1  }
0x1c0: {  	[tilespmem:v6+s5+$0x0] =	vst.idx.msk $0xffff, v3  }
0x1c1: {  	v3 =	vld.idx.msk [tilespmem:v5+s5+$0x0], $0xffff;
	_ =	sdelay $0x2  }
0x1c2: {  	v6 =	vor.u32 $0x14, v2;
	_ =	sdelay $0x1  }
0x1c3: {  	v3 =	vmul.f32 v3, v4;
	_ =	sdelay $0x1  }
0x1c4: {  	[tilespmem:v5+s5+$0x0] =	vst.idx.msk $0xffff, v3  }
0x1c5: {  	v3 =	vld.idx.msk [tilespmem:v6+s5+$0x0], $0xffff;
	_ =	sdelay $0x2  }
0x1c6: {  	v5 =	vor.u32 $0x15, v2;
	_ =	sdelay $0x1  }
0x1c7: {  	v3 =	vmul.f32 v3, v4;
	_ =	sdelay $0x1  }
0x1c8: {  	[tilespmem:v6+s5+$0x0] =	vst.idx.msk $0xffff, v3  }
0x1c9: {  	v3 =	vld.idx.msk [tilespmem:v5+s5+$0x0], $0xffff;
	_ =	sdelay $0x2  }
0x1ca: {  	v6 =	vor.u32 $0x16, v2;
	_ =	sdelay $0x1  }
0x1cb: {  	v3 =	vmul.f32 v3, v4;
	_ =	sdelay $0x1  }
0x1cc: {  	[tilespmem:v5+s5+$0x0] =	vst.idx.msk $0xffff, v3  }
0x1cd: {  	v3 =	vld.idx.msk [tilespmem:v6+s5+$0x0], $0xffff;
	_ =	sdelay $0x2  }
0x1ce: {  	v5 =	vor.u32 $0x17, v2;
	_ =	sdelay $0x1  }
0x1cf: {  	v3 =	vmul.f32 v3, v4;
	_ =	sdelay $0x1  }
0x1d0: {  	[tilespmem:v6+s5+$0x0] =	vst.idx.msk $0xffff, v3  }
0x1d1: {  	v3 =	vld.idx.msk [tilespmem:v5+s5+$0x0], $0xffff;
	_ =	sdelay $0x2  }
0x1d2: {  	v6 =	vor.u32 $0x18, v2;
	_ =	sdelay $0x1  }
0x1d3: {  	v3 =	vmul.f32 v3, v4;
	_ =	sdelay $0x1  }
0x1d4: {  	[tilespmem:v5+s5+$0x0] =	vst.idx.msk $0xffff, v3  }
0x1d5: {  	v3 =	vld.idx.msk [tilespmem:v6+s5+$0x0], $0xffff;
	_ =	sdelay $0x2  }
0x1d6: {  	v5 =	vor.u32 $0x19, v2;
	_ =	sdelay $0x1  }
0x1d7: {  	v3 =	vmul.f32 v3, v4;
	_ =	sdelay $0x1  }
0x1d8: {  	[tilespmem:v6+s5+$0x0] =	vst.idx.msk $0xffff, v3  }
0x1d9: {  	v3 =	vld.idx.msk [tilespmem:v5+s5+$0x0], $0xffff;
	_ =	sdelay $0x2  }
0x1da: {  	v6 =	vor.u32 $0x1A, v2;
	_ =	sdelay $0x1  }
0x1db: {  	v3 =	vmul.f32 v3, v4;
	_ =	sdelay $0x1  }
0x1dc: {  	[tilespmem:v5+s5+$0x0] =	vst.idx.msk $0xffff, v3  }
0x1dd: {  	v3 =	vld.idx.msk [tilespmem:v6+s5+$0x0], $0xffff;
	_ =	sdelay $0x2  }
0x1de: {  	v5 =	vor.u32 $0x1B, v2;
	_ =	sdelay $0x1  }
0x1df: {  	v3 =	vmul.f32 v3, v4;
	_ =	sdelay $0x1  }
0x1e0: {  	[tilespmem:v6+s5+$0x0] =	vst.idx.msk $0xffff, v3  }
0x1e1: {  	v3 =	vld.idx.msk [tilespmem:v5+s5+$0x0], $0xffff;
	_ =	sdelay $0x2  }
0x1e2: {  	v6 =	vor.u32 $0x1C, v2;
	_ =	sdelay $0x1  }
0x1e3: {  	v3 =	vmul.f32 v3, v4;
	_ =	sdelay $0x1  }
0x1e4: {  	[tilespmem:v5+s5+$0x0] =	vst.idx.msk $0xffff, v3  }
0x1e5: {  	v3 =	vld.idx.msk [tilespmem:v6+s5+$0x0], $0xffff;
	_ =	sdelay $0x2  }
0x1e6: {  	v5 =	vor.u32 $0x1D, v2;
	_ =	sdelay $0x1  }
0x1e7: {  	v3 =	vmul.f32 v3, v4;
	_ =	sdelay $0x1  }
0x1e8: {  	[tilespmem:v6+s5+$0x0] =	vst.idx.msk $0xffff, v3  }
0x1e9: {  	v3 =	vld.idx.msk [tilespmem:v5+s5+$0x0], $0xffff;
	_ =	sdelay $0x2  }
0x1ea: {  	v6 =	vor.u32 $0x1E, v2;
	_ =	sdelay $0x1  }
0x1eb: {  	v3 =	vmul.f32 v3, v4;
	_ =	sdelay $0x1  }
0x1ec: {  	[tilespmem:v5+s5+$0x0] =	vst.idx.msk $0xffff, v3  }
0x1ed: {  	v3 =	vld.idx.msk [tilespmem:v6+s5+$0x0], $0xffff;
	_ =	sdelay $0x2  }
0x1ee: {  	v2 =	vor.u32 $0x1F, v2;
	_ =	sdelay $0x1  }
0x1ef: {  	v3 =	vmul.f32 v3, v4;
	_ =	sdelay $0x1  }
0x1f0: {  	[tilespmem:v6+s5+$0x0] =	vst.idx.msk $0xffff, v3  }
0x1f1: {  	v3 =	vld.idx.msk [tilespmem:v2+s5+$0x0], $0xffff;
	_ =	sdelay $0x4  }
0x1f2: {  	s2 =	sadd.s32 s3, s26;
	v3 =	vmul.f32 v3, v4  }
0x1f3: {  	s0 =	sshll.u32 s2, $0x2  }
0x1f4: {  	s1 =	simm.s32 $0x0;
	s0 =	sadd.s32 s0, s20;
	[tilespmem:v2+s5+$0x0] =	vst.idx.msk $0xffff, v3  }
0x1f5: {  	[hbm4b:s0+s1] =	stream.linear.scatter [tilespmem:s1], [sflag:$0x3], $0x3200, $0x38;
	[tilespmem:$0x1F460] =	vst v63  }
0x1f6: {  	_ = 	snop  }
0x1f7: {  	[spmem:s22] =	stream.indirect.scatter.add.f32 [tilespmem:s1], [sflag:$0xB], $0x20, s29, s31, $0xb8;
	[tilespmem:$0x1F460] =	vst v63  }
0x1f8: {  	_ =	swait.ge [sflag:s14], $0x190  }
0x1f9: {  	[sflag:s14] =	ssyncset.done $0x0  }
0x1fa: {  	s0 =	simm.s32 $0x6BD0;
	[sflag:s14] =	ssyncadd.s32 $0xFFFFFE70  }
0x1fb: {  	[tilespmem:s0], [sflag:$0x6] =	stream.indirect.gather [hbm4b:s6+s31], $0x1, s9, s31, $0xb8;
	[tilespmem:$0x1F460] =	vst v63  }
0x1fc: {  	_ =	swait.ge [sflag:s15], $0x3200  }
0x1fd: {  	[sflag:s15] =	ssyncset.done $0x0  }
0x1fe: {  	[sflag:s15] =	ssyncadd.s32 $0xFFFFCE00  }
0x1ff: {  	_ =	swait.ge [sflag:s17], $0x3200  }
0x200: {  	s2 =	rddreg [dreg:$0x12]  }
0x201: {  	s2 =	sadd.s32 s26, s2  }
0x202: {  	[sflag:s17] =	ssyncset.done $0x0;
	s26 =	sshll.u32 s2, $0x2  }
0x203: {  	[sflag:s17] =	ssyncadd.s32 $0xFFFFCE00;
	s2 =	sshrl.u32 s2, $0x3;
	s26 =	sadd.s32 s16, s26  }
0x204: {  	[tilespmem:s1], [sflag:$0x1] =	stream.linear.gather [hbm4b:s26+s1], $0x3200, $0x38;
	[tilespmem:$0x1F460] =	vst v63  }
0x205: {  	s26 =	sadd.s32 s7, s2  }
0x206: {  	[tilespmem:s28], [sflag:$0x7] =	stream.linear.gather [hbm4b:s26+s1], $0x190, $0x38;
	[tilespmem:$0x1F460] =	vst v63  }
0x207: {  	s2 =	sadd.s32 s19, s2  }
0x208: {  	[tilespmem:s29], [sflag:$0x9] =	stream.linear.gather [hbm4b:s2+s1], $0x190, $0x38;
	[tilespmem:$0x1F460] =	vst v63  }
0x209: {  	_ =	swait.ge [sflag:s18], $0x3200  }
0x20a: {  	[sflag:s18] =	ssyncset.done $0x0  }
0x20b: {  	v2 =	vmov s1;
	[sflag:s18] =	ssyncadd.s32 $0xFFFFCE00  }
0x20c: {  	v2 =	vshll.u32 v2, $0x5;
	_ =	swait.ge [sflag:s21], $0x190  }
0x20d: {  	v2 =	vor.u32 v1, v2;
	[sflag:s21] =	ssyncset.done $0x0  }
0x20e: {  	[sflag:s21] =	ssyncadd.s32 $0xFFFFFE70  }
0x20f: {  	_ =	swait.ge [sflag:s23], $0x190  }
0x210: {  	[sflag:s23] =	ssyncset.done $0x0  }
0x211: {  	[sflag:s23] =	ssyncadd.s32 $0xFFFFFE70  }
0x212: {  	v4 =	vld.idx.msk [tilespmem:v2+s4+$0x0], $0xffff  }
0x213: {  	v3 =	vld [tilespmem:s0+$0x0];
	_ =	sdelay $0x2  }
0x214: {  	v5 =	vor.u32 $0x1, v2;
	_ =	sdelay $0x1  }
0x215: {  	v4 =	vmul.f32 v4, v3;
	_ =	sdelay $0x1  }
0x216: {  	[tilespmem:v2+s4+$0x0] =	vst.idx.msk $0xffff, v4  }
0x217: {  	v4 =	vld.idx.msk [tilespmem:v5+s4+$0x0], $0xffff;
	_ =	sdelay $0x2  }
0x218: {  	v6 =	vor.u32 $0x2, v2;
	_ =	sdelay $0x1  }
0x219: {  	v4 =	vmul.f32 v4, v3;
	_ =	sdelay $0x1  }
0x21a: {  	[tilespmem:v5+s4+$0x0] =	vst.idx.msk $0xffff, v4  }
0x21b: {  	v4 =	vld.idx.msk [tilespmem:v6+s4+$0x0], $0xffff;
	_ =	sdelay $0x2  }
0x21c: {  	v5 =	vor.u32 $0x3, v2;
	_ =	sdelay $0x1  }
0x21d: {  	v4 =	vmul.f32 v4, v3;
	_ =	sdelay $0x1  }
0x21e: {  	[tilespmem:v6+s4+$0x0] =	vst.idx.msk $0xffff, v4  }
0x21f: {  	v4 =	vld.idx.msk [tilespmem:v5+s4+$0x0], $0xffff;
	_ =	sdelay $0x2  }
0x220: {  	v6 =	vor.u32 $0x4, v2;
	_ =	sdelay $0x1  }
0x221: {  	v4 =	vmul.f32 v4, v3;
	_ =	sdelay $0x1  }
0x222: {  	[tilespmem:v5+s4+$0x0] =	vst.idx.msk $0xffff, v4  }
0x223: {  	v4 =	vld.idx.msk [tilespmem:v6+s4+$0x0], $0xffff;
	_ =	sdelay $0x2  }
0x224: {  	v5 =	vor.u32 $0x5, v2;
	_ =	sdelay $0x1  }
0x225: {  	v4 =	vmul.f32 v4, v3;
	_ =	sdelay $0x1  }
0x226: {  	[tilespmem:v6+s4+$0x0] =	vst.idx.msk $0xffff, v4  }
0x227: {  	v4 =	vld.idx.msk [tilespmem:v5+s4+$0x0], $0xffff;
	_ =	sdelay $0x2  }
0x228: {  	v6 =	vor.u32 $0x6, v2;
	_ =	sdelay $0x1  }
0x229: {  	v4 =	vmul.f32 v4, v3;
	_ =	sdelay $0x1  }
0x22a: {  	[tilespmem:v5+s4+$0x0] =	vst.idx.msk $0xffff, v4  }
0x22b: {  	v4 =	vld.idx.msk [tilespmem:v6+s4+$0x0], $0xffff;
	_ =	sdelay $0x2  }
0x22c: {  	v5 =	vor.u32 $0x7, v2;
	_ =	sdelay $0x1  }
0x22d: {  	v4 =	vmul.f32 v4, v3;
	_ =	sdelay $0x1  }
0x22e: {  	[tilespmem:v6+s4+$0x0] =	vst.idx.msk $0xffff, v4  }
0x22f: {  	v4 =	vld.idx.msk [tilespmem:v5+s4+$0x0], $0xffff;
	_ =	sdelay $0x2  }
0x230: {  	v6 =	vor.u32 $0x8, v2;
	_ =	sdelay $0x1  }
0x231: {  	v4 =	vmul.f32 v4, v3;
	_ =	sdelay $0x1  }
0x232: {  	[tilespmem:v5+s4+$0x0] =	vst.idx.msk $0xffff, v4  }
0x233: {  	v4 =	vld.idx.msk [tilespmem:v6+s4+$0x0], $0xffff;
	_ =	sdelay $0x2  }
0x234: {  	v5 =	vor.u32 $0x9, v2;
	_ =	sdelay $0x1  }
0x235: {  	v4 =	vmul.f32 v4, v3;
	_ =	sdelay $0x1  }
0x236: {  	[tilespmem:v6+s4+$0x0] =	vst.idx.msk $0xffff, v4  }
0x237: {  	v4 =	vld.idx.msk [tilespmem:v5+s4+$0x0], $0xffff;
	_ =	sdelay $0x2  }
0x238: {  	v6 =	vor.u32 $0xA, v2;
	_ =	sdelay $0x1  }
0x239: {  	v4 =	vmul.f32 v4, v3;
	_ =	sdelay $0x1  }
0x23a: {  	[tilespmem:v5+s4+$0x0] =	vst.idx.msk $0xffff, v4  }
0x23b: {  	v4 =	vld.idx.msk [tilespmem:v6+s4+$0x0], $0xffff;
	_ =	sdelay $0x2  }
0x23c: {  	v5 =	vor.u32 $0xB, v2;
	_ =	sdelay $0x1  }
0x23d: {  	v4 =	vmul.f32 v4, v3;
	_ =	sdelay $0x1  }
0x23e: {  	[tilespmem:v6+s4+$0x0] =	vst.idx.msk $0xffff, v4  }
0x23f: {  	v4 =	vld.idx.msk [tilespmem:v5+s4+$0x0], $0xffff;
	_ =	sdelay $0x2  }
0x240: {  	v6 =	vor.u32 $0xC, v2;
	_ =	sdelay $0x1  }
0x241: {  	v4 =	vmul.f32 v4, v3;
	_ =	sdelay $0x1  }
0x242: {  	[tilespmem:v5+s4+$0x0] =	vst.idx.msk $0xffff, v4  }
0x243: {  	v4 =	vld.idx.msk [tilespmem:v6+s4+$0x0], $0xffff;
	_ =	sdelay $0x2  }
0x244: {  	v5 =	vor.u32 $0xD, v2;
	_ =	sdelay $0x1  }
0x245: {  	v4 =	vmul.f32 v4, v3;
	_ =	sdelay $0x1  }
0x246: {  	[tilespmem:v6+s4+$0x0] =	vst.idx.msk $0xffff, v4  }
0x247: {  	v4 =	vld.idx.msk [tilespmem:v5+s4+$0x0], $0xffff;
	_ =	sdelay $0x2  }
0x248: {  	v6 =	vor.u32 $0xE, v2;
	_ =	sdelay $0x1  }
0x249: {  	v4 =	vmul.f32 v4, v3;
	_ =	sdelay $0x1  }
0x24a: {  	[tilespmem:v5+s4+$0x0] =	vst.idx.msk $0xffff, v4  }
0x24b: {  	v4 =	vld.idx.msk [tilespmem:v6+s4+$0x0], $0xffff;
	_ =	sdelay $0x2  }
0x24c: {  	v5 =	vor.u32 $0xF, v2;
	_ =	sdelay $0x1  }
0x24d: {  	v4 =	vmul.f32 v4, v3;
	_ =	sdelay $0x1  }
0x24e: {  	[tilespmem:v6+s4+$0x0] =	vst.idx.msk $0xffff, v4  }
0x24f: {  	v4 =	vld.idx.msk [tilespmem:v5+s4+$0x0], $0xffff;
	_ =	sdelay $0x2  }
0x250: {  	v6 =	vor.u32 $0x10, v2;
	_ =	sdelay $0x1  }
0x251: {  	v4 =	vmul.f32 v4, v3;
	_ =	sdelay $0x1  }
0x252: {  	[tilespmem:v5+s4+$0x0] =	vst.idx.msk $0xffff, v4  }
0x253: {  	v4 =	vld.idx.msk [tilespmem:v6+s4+$0x0], $0xffff;
	_ =	sdelay $0x2  }
0x254: {  	v5 =	vor.u32 $0x11, v2;
	_ =	sdelay $0x1  }
0x255: {  	v4 =	vmul.f32 v4, v3;
	_ =	sdelay $0x1  }
0x256: {  	[tilespmem:v6+s4+$0x0] =	vst.idx.msk $0xffff, v4  }
0x257: {  	v4 =	vld.idx.msk [tilespmem:v5+s4+$0x0], $0xffff;
	_ =	sdelay $0x2  }
0x258: {  	v6 =	vor.u32 $0x12, v2;
	_ =	sdelay $0x1  }
0x259: {  	v4 =	vmul.f32 v4, v3;
	_ =	sdelay $0x1  }
0x25a: {  	[tilespmem:v5+s4+$0x0] =	vst.idx.msk $0xffff, v4  }
0x25b: {  	v4 =	vld.idx.msk [tilespmem:v6+s4+$0x0], $0xffff;
	_ =	sdelay $0x2  }
0x25c: {  	v5 =	vor.u32 $0x13, v2;
	_ =	sdelay $0x1  }
0x25d: {  	v4 =	vmul.f32 v4, v3;
	_ =	sdelay $0x1  }
0x25e: {  	[tilespmem:v6+s4+$0x0] =	vst.idx.msk $0xffff, v4  }
0x25f: {  	v4 =	vld.idx.msk [tilespmem:v5+s4+$0x0], $0xffff;
	_ =	sdelay $0x2  }
0x260: {  	v6 =	vor.u32 $0x14, v2;
	_ =	sdelay $0x1  }
0x261: {  	v4 =	vmul.f32 v4, v3;
	_ =	sdelay $0x1  }
0x262: {  	[tilespmem:v5+s4+$0x0] =	vst.idx.msk $0xffff, v4  }
0x263: {  	v4 =	vld.idx.msk [tilespmem:v6+s4+$0x0], $0xffff;
	_ =	sdelay $0x2  }
0x264: {  	v5 =	vor.u32 $0x15, v2;
	_ =	sdelay $0x1  }
0x265: {  	v4 =	vmul.f32 v4, v3;
	_ =	sdelay $0x1  }
0x266: {  	[tilespmem:v6+s4+$0x0] =	vst.idx.msk $0xffff, v4  }
0x267: {  	v4 =	vld.idx.msk [tilespmem:v5+s4+$0x0], $0xffff;
	_ =	sdelay $0x2  }
0x268: {  	v6 =	vor.u32 $0x16, v2;
	_ =	sdelay $0x1  }
0x269: {  	v4 =	vmul.f32 v4, v3;
	_ =	sdelay $0x1  }
0x26a: {  	[tilespmem:v5+s4+$0x0] =	vst.idx.msk $0xffff, v4  }
0x26b: {  	v4 =	vld.idx.msk [tilespmem:v6+s4+$0x0], $0xffff;
	_ =	sdelay $0x2  }
0x26c: {  	v5 =	vor.u32 $0x17, v2;
	_ =	sdelay $0x1  }
0x26d: {  	v4 =	vmul.f32 v4, v3;
	_ =	sdelay $0x1  }
0x26e: {  	[tilespmem:v6+s4+$0x0] =	vst.idx.msk $0xffff, v4  }
0x26f: {  	v4 =	vld.idx.msk [tilespmem:v5+s4+$0x0], $0xffff;
	_ =	sdelay $0x2  }
0x270: {  	v6 =	vor.u32 $0x18, v2;
	_ =	sdelay $0x1  }
0x271: {  	v4 =	vmul.f32 v4, v3;
	_ =	sdelay $0x1  }
0x272: {  	[tilespmem:v5+s4+$0x0] =	vst.idx.msk $0xffff, v4  }
0x273: {  	v4 =	vld.idx.msk [tilespmem:v6+s4+$0x0], $0xffff;
	_ =	sdelay $0x2  }
0x274: {  	v5 =	vor.u32 $0x19, v2;
	_ =	sdelay $0x1  }
0x275: {  	v4 =	vmul.f32 v4, v3;
	_ =	sdelay $0x1  }
0x276: {  	[tilespmem:v6+s4+$0x0] =	vst.idx.msk $0xffff, v4  }
0x277: {  	v4 =	vld.idx.msk [tilespmem:v5+s4+$0x0], $0xffff;
	_ =	sdelay $0x2  }
0x278: {  	v6 =	vor.u32 $0x1A, v2;
	_ =	sdelay $0x1  }
0x279: {  	v4 =	vmul.f32 v4, v3;
	_ =	sdelay $0x1  }
0x27a: {  	[tilespmem:v5+s4+$0x0] =	vst.idx.msk $0xffff, v4  }
0x27b: {  	v4 =	vld.idx.msk [tilespmem:v6+s4+$0x0], $0xffff;
	_ =	sdelay $0x2  }
0x27c: {  	v5 =	vor.u32 $0x1B, v2;
	_ =	sdelay $0x1  }
0x27d: {  	v4 =	vmul.f32 v4, v3;
	_ =	sdelay $0x1  }
0x27e: {  	[tilespmem:v6+s4+$0x0] =	vst.idx.msk $0xffff, v4  }
0x27f: {  	v4 =	vld.idx.msk [tilespmem:v5+s4+$0x0], $0xffff;
	_ =	sdelay $0x2  }
0x280: {  	v6 =	vor.u32 $0x1C, v2;
	_ =	sdelay $0x1  }
0x281: {  	v4 =	vmul.f32 v4, v3;
	_ =	sdelay $0x1  }
0x282: {  	[tilespmem:v5+s4+$0x0] =	vst.idx.msk $0xffff, v4  }
0x283: {  	v4 =	vld.idx.msk [tilespmem:v6+s4+$0x0], $0xffff;
	_ =	sdelay $0x2  }
0x284: {  	v5 =	vor.u32 $0x1D, v2;
	_ =	sdelay $0x1  }
0x285: {  	v4 =	vmul.f32 v4, v3;
	_ =	sdelay $0x1  }
0x286: {  	[tilespmem:v6+s4+$0x0] =	vst.idx.msk $0xffff, v4  }
0x287: {  	v4 =	vld.idx.msk [tilespmem:v5+s4+$0x0], $0xffff;
	_ =	sdelay $0x2  }
0x288: {  	v6 =	vor.u32 $0x1E, v2;
	_ =	sdelay $0x1  }
0x289: {  	v4 =	vmul.f32 v4, v3;
	_ =	sdelay $0x1  }
0x28a: {  	[tilespmem:v5+s4+$0x0] =	vst.idx.msk $0xffff, v4  }
0x28b: {  	v5 =	vld.idx.msk [tilespmem:v6+s4+$0x0], $0xffff;
	_ =	sdelay $0x2  }
0x28c: {  	v4 =	vor.u32 $0x1F, v2;
	_ =	sdelay $0x1  }
0x28d: {  	v2 =	vmul.f32 v5, v3;
	_ =	sdelay $0x1  }
0x28e: {  	[tilespmem:v6+s4+$0x0] =	vst.idx.msk $0xffff, v2  }
0x28f: {  	s26 =	simm.s32 $0x10;
	v5 =	vld.idx.msk [tilespmem:v4+s4+$0x0], $0xffff  }
0x290: {  	v2 =	vmov s26  }
0x291: {  	v2 =	vshll.u32 v2, $0x5  }
0x292: {  	v2 =	vor.u32 v1, v2;
	_ =	sdelay $0x1  }
0x293: {  	s1 =	simm.s32 $0x20;
	v3 =	vmul.f32 v5, v3  }
.LBB2_7:
0x294: {  	p0 =	sne.s32 s1, $0x180  }
0x295: {  	s0 =	sadd.s32 $0x10, s0;
	s2 =	smov.u32 s1;
	s1 =	sadd.s32 $0x10, s1;
	[tilespmem:v4+s4+$0x0] =	vst.idx.msk $0xffff, v3  }
0x296: {  	v4 =	vld.idx.msk [tilespmem:v2+s4+$0x0], $0xffff  }
0x297: {  	v3 =	vld [tilespmem:s0+$0x0];
	_ =	sdelay $0x2  }
0x298: {  	v5 =	vor.u32 $0x1, v2;
	_ =	sdelay $0x1  }
0x299: {  	v4 =	vmul.f32 v4, v3;
	_ =	sdelay $0x1  }
0x29a: {  	[tilespmem:v2+s4+$0x0] =	vst.idx.msk $0xffff, v4  }
0x29b: {  	v4 =	vld.idx.msk [tilespmem:v5+s4+$0x0], $0xffff;
	_ =	sdelay $0x3  }
0x29c: {  	v6 =	vor.u32 $0x2, v2;
	_ =	sdelay $0x1  }
0x29d: {  	v4 =	vmul.f32 v4, v3;
	_ =	sdelay $0x1  }
0x29e: {  	[tilespmem:v5+s4+$0x0] =	vst.idx.msk $0xffff, v4  }
0x29f: {  	v4 =	vld.idx.msk [tilespmem:v6+s4+$0x0], $0xffff;
	_ =	sdelay $0x3  }
0x2a0: {  	v5 =	vor.u32 $0x3, v2;
	_ =	sdelay $0x1  }
0x2a1: {  	v4 =	vmul.f32 v4, v3;
	_ =	sdelay $0x1  }
0x2a2: {  	[tilespmem:v6+s4+$0x0] =	vst.idx.msk $0xffff, v4  }
0x2a3: {  	v4 =	vld.idx.msk [tilespmem:v5+s4+$0x0], $0xffff;
	_ =	sdelay $0x3  }
0x2a4: {  	v6 =	vor.u32 $0x4, v2;
	_ =	sdelay $0x1  }
0x2a5: {  	v4 =	vmul.f32 v4, v3;
	_ =	sdelay $0x1  }
0x2a6: {  	[tilespmem:v5+s4+$0x0] =	vst.idx.msk $0xffff, v4  }
0x2a7: {  	v4 =	vld.idx.msk [tilespmem:v6+s4+$0x0], $0xffff;
	_ =	sdelay $0x3  }
0x2a8: {  	v5 =	vor.u32 $0x5, v2;
	_ =	sdelay $0x1  }
0x2a9: {  	v4 =	vmul.f32 v4, v3;
	_ =	sdelay $0x1  }
0x2aa: {  	[tilespmem:v6+s4+$0x0] =	vst.idx.msk $0xffff, v4  }
0x2ab: {  	v4 =	vld.idx.msk [tilespmem:v5+s4+$0x0], $0xffff;
	_ =	sdelay $0x3  }
0x2ac: {  	v6 =	vor.u32 $0x6, v2;
	_ =	sdelay $0x1  }
0x2ad: {  	v4 =	vmul.f32 v4, v3;
	_ =	sdelay $0x1  }
0x2ae: {  	[tilespmem:v5+s4+$0x0] =	vst.idx.msk $0xffff, v4  }
0x2af: {  	v4 =	vld.idx.msk [tilespmem:v6+s4+$0x0], $0xffff;
	_ =	sdelay $0x3  }
0x2b0: {  	v5 =	vor.u32 $0x7, v2;
	_ =	sdelay $0x1  }
0x2b1: {  	v4 =	vmul.f32 v4, v3;
	_ =	sdelay $0x1  }
0x2b2: {  	[tilespmem:v6+s4+$0x0] =	vst.idx.msk $0xffff, v4  }
0x2b3: {  	v4 =	vld.idx.msk [tilespmem:v5+s4+$0x0], $0xffff;
	_ =	sdelay $0x3  }
0x2b4: {  	v6 =	vor.u32 $0x8, v2;
	_ =	sdelay $0x1  }
0x2b5: {  	v4 =	vmul.f32 v4, v3;
	_ =	sdelay $0x1  }
0x2b6: {  	[tilespmem:v5+s4+$0x0] =	vst.idx.msk $0xffff, v4  }
0x2b7: {  	v4 =	vld.idx.msk [tilespmem:v6+s4+$0x0], $0xffff;
	_ =	sdelay $0x3  }
0x2b8: {  	v5 =	vor.u32 $0x9, v2;
	_ =	sdelay $0x1  }
0x2b9: {  	v4 =	vmul.f32 v4, v3;
	_ =	sdelay $0x1  }
0x2ba: {  	[tilespmem:v6+s4+$0x0] =	vst.idx.msk $0xffff, v4  }
0x2bb: {  	v4 =	vld.idx.msk [tilespmem:v5+s4+$0x0], $0xffff;
	_ =	sdelay $0x3  }
0x2bc: {  	v6 =	vor.u32 $0xA, v2;
	_ =	sdelay $0x1  }
0x2bd: {  	v4 =	vmul.f32 v4, v3;
	_ =	sdelay $0x1  }
0x2be: {  	[tilespmem:v5+s4+$0x0] =	vst.idx.msk $0xffff, v4  }
0x2bf: {  	v4 =	vld.idx.msk [tilespmem:v6+s4+$0x0], $0xffff;
	_ =	sdelay $0x3  }
0x2c0: {  	v5 =	vor.u32 $0xB, v2;
	_ =	sdelay $0x1  }
0x2c1: {  	v4 =	vmul.f32 v4, v3;
	_ =	sdelay $0x1  }
0x2c2: {  	[tilespmem:v6+s4+$0x0] =	vst.idx.msk $0xffff, v4  }
0x2c3: {  	v4 =	vld.idx.msk [tilespmem:v5+s4+$0x0], $0xffff;
	_ =	sdelay $0x3  }
0x2c4: {  	v6 =	vor.u32 $0xC, v2;
	_ =	sdelay $0x1  }
0x2c5: {  	v4 =	vmul.f32 v4, v3;
	_ =	sdelay $0x1  }
0x2c6: {  	[tilespmem:v5+s4+$0x0] =	vst.idx.msk $0xffff, v4  }
0x2c7: {  	v4 =	vld.idx.msk [tilespmem:v6+s4+$0x0], $0xffff;
	_ =	sdelay $0x3  }
0x2c8: {  	v5 =	vor.u32 $0xD, v2;
	_ =	sdelay $0x1  }
0x2c9: {  	v4 =	vmul.f32 v4, v3;
	_ =	sdelay $0x1  }
0x2ca: {  	[tilespmem:v6+s4+$0x0] =	vst.idx.msk $0xffff, v4  }
0x2cb: {  	v4 =	vld.idx.msk [tilespmem:v5+s4+$0x0], $0xffff;
	_ =	sdelay $0x3  }
0x2cc: {  	v6 =	vor.u32 $0xE, v2;
	_ =	sdelay $0x1  }
0x2cd: {  	v4 =	vmul.f32 v4, v3;
	_ =	sdelay $0x1  }
0x2ce: {  	[tilespmem:v5+s4+$0x0] =	vst.idx.msk $0xffff, v4  }
0x2cf: {  	v4 =	vld.idx.msk [tilespmem:v6+s4+$0x0], $0xffff;
	_ =	sdelay $0x3  }
0x2d0: {  	v5 =	vor.u32 $0xF, v2;
	_ =	sdelay $0x1  }
0x2d1: {  	v4 =	vmul.f32 v4, v3;
	_ =	sdelay $0x1  }
0x2d2: {  	[tilespmem:v6+s4+$0x0] =	vst.idx.msk $0xffff, v4  }
0x2d3: {  	v4 =	vld.idx.msk [tilespmem:v5+s4+$0x0], $0xffff;
	_ =	sdelay $0x3  }
0x2d4: {  	v6 =	vor.u32 $0x10, v2;
	_ =	sdelay $0x1  }
0x2d5: {  	v4 =	vmul.f32 v4, v3;
	_ =	sdelay $0x1  }
0x2d6: {  	[tilespmem:v5+s4+$0x0] =	vst.idx.msk $0xffff, v4  }
0x2d7: {  	v4 =	vld.idx.msk [tilespmem:v6+s4+$0x0], $0xffff;
	_ =	sdelay $0x3  }
0x2d8: {  	v5 =	vor.u32 $0x11, v2;
	_ =	sdelay $0x1  }
0x2d9: {  	v4 =	vmul.f32 v4, v3;
	_ =	sdelay $0x1  }
0x2da: {  	[tilespmem:v6+s4+$0x0] =	vst.idx.msk $0xffff, v4  }
0x2db: {  	v4 =	vld.idx.msk [tilespmem:v5+s4+$0x0], $0xffff;
	_ =	sdelay $0x3  }
0x2dc: {  	v6 =	vor.u32 $0x12, v2;
	_ =	sdelay $0x1  }
0x2dd: {  	v4 =	vmul.f32 v4, v3;
	_ =	sdelay $0x1  }
0x2de: {  	[tilespmem:v5+s4+$0x0] =	vst.idx.msk $0xffff, v4  }
0x2df: {  	v4 =	vld.idx.msk [tilespmem:v6+s4+$0x0], $0xffff;
	_ =	sdelay $0x3  }
0x2e0: {  	v5 =	vor.u32 $0x13, v2;
	_ =	sdelay $0x1  }
0x2e1: {  	v4 =	vmul.f32 v4, v3;
	_ =	sdelay $0x1  }
0x2e2: {  	[tilespmem:v6+s4+$0x0] =	vst.idx.msk $0xffff, v4  }
0x2e3: {  	v4 =	vld.idx.msk [tilespmem:v5+s4+$0x0], $0xffff;
	_ =	sdelay $0x3  }
0x2e4: {  	v6 =	vor.u32 $0x14, v2;
	_ =	sdelay $0x1  }
0x2e5: {  	v4 =	vmul.f32 v4, v3;
	_ =	sdelay $0x1  }
0x2e6: {  	[tilespmem:v5+s4+$0x0] =	vst.idx.msk $0xffff, v4  }
0x2e7: {  	v4 =	vld.idx.msk [tilespmem:v6+s4+$0x0], $0xffff;
	_ =	sdelay $0x3  }
0x2e8: {  	v5 =	vor.u32 $0x15, v2;
	_ =	sdelay $0x1  }
0x2e9: {  	v4 =	vmul.f32 v4, v3;
	_ =	sdelay $0x1  }
0x2ea: {  	[tilespmem:v6+s4+$0x0] =	vst.idx.msk $0xffff, v4  }
0x2eb: {  	v4 =	vld.idx.msk [tilespmem:v5+s4+$0x0], $0xffff;
	_ =	sdelay $0x3  }
0x2ec: {  	v6 =	vor.u32 $0x16, v2;
	_ =	sdelay $0x1  }
0x2ed: {  	v4 =	vmul.f32 v4, v3;
	_ =	sdelay $0x1  }
0x2ee: {  	[tilespmem:v5+s4+$0x0] =	vst.idx.msk $0xffff, v4  }
0x2ef: {  	v4 =	vld.idx.msk [tilespmem:v6+s4+$0x0], $0xffff;
	_ =	sdelay $0x3  }
0x2f0: {  	v5 =	vor.u32 $0x17, v2;
	_ =	sdelay $0x1  }
0x2f1: {  	v4 =	vmul.f32 v4, v3;
	_ =	sdelay $0x1  }
0x2f2: {  	[tilespmem:v6+s4+$0x0] =	vst.idx.msk $0xffff, v4  }
0x2f3: {  	v4 =	vld.idx.msk [tilespmem:v5+s4+$0x0], $0xffff;
	_ =	sdelay $0x3  }
0x2f4: {  	v6 =	vor.u32 $0x18, v2;
	_ =	sdelay $0x1  }
0x2f5: {  	v4 =	vmul.f32 v4, v3;
	_ =	sdelay $0x1  }
0x2f6: {  	[tilespmem:v5+s4+$0x0] =	vst.idx.msk $0xffff, v4  }
0x2f7: {  	v4 =	vld.idx.msk [tilespmem:v6+s4+$0x0], $0xffff;
	_ =	sdelay $0x3  }
0x2f8: {  	v5 =	vor.u32 $0x19, v2;
	_ =	sdelay $0x1  }
0x2f9: {  	v4 =	vmul.f32 v4, v3;
	_ =	sdelay $0x1  }
0x2fa: {  	[tilespmem:v6+s4+$0x0] =	vst.idx.msk $0xffff, v4  }
0x2fb: {  	v4 =	vld.idx.msk [tilespmem:v5+s4+$0x0], $0xffff;
	_ =	sdelay $0x3  }
0x2fc: {  	v6 =	vor.u32 $0x1A, v2;
	_ =	sdelay $0x1  }
0x2fd: {  	v4 =	vmul.f32 v4, v3;
	_ =	sdelay $0x1  }
0x2fe: {  	[tilespmem:v5+s4+$0x0] =	vst.idx.msk $0xffff, v4  }
0x2ff: {  	v4 =	vld.idx.msk [tilespmem:v6+s4+$0x0], $0xffff;
	_ =	sdelay $0x3  }
0x300: {  	v5 =	vor.u32 $0x1B, v2;
	_ =	sdelay $0x1  }
0x301: {  	v4 =	vmul.f32 v4, v3;
	_ =	sdelay $0x1  }
0x302: {  	[tilespmem:v6+s4+$0x0] =	vst.idx.msk $0xffff, v4  }
0x303: {  	v4 =	vld.idx.msk [tilespmem:v5+s4+$0x0], $0xffff;
	_ =	sdelay $0x3  }
0x304: {  	v6 =	vor.u32 $0x1C, v2;
	_ =	sdelay $0x1  }
0x305: {  	v4 =	vmul.f32 v4, v3;
	_ =	sdelay $0x1  }
0x306: {  	[tilespmem:v5+s4+$0x0] =	vst.idx.msk $0xffff, v4  }
0x307: {  	v4 =	vld.idx.msk [tilespmem:v6+s4+$0x0], $0xffff;
	_ =	sdelay $0x3  }
0x308: {  	v5 =	vor.u32 $0x1D, v2;
	_ =	sdelay $0x1  }
0x309: {  	v4 =	vmul.f32 v4, v3;
	_ =	sdelay $0x1  }
0x30a: {  	[tilespmem:v6+s4+$0x0] =	vst.idx.msk $0xffff, v4  }
0x30b: {  	v4 =	vld.idx.msk [tilespmem:v5+s4+$0x0], $0xffff;
	_ =	sdelay $0x3  }
0x30c: {  	v6 =	vor.u32 $0x1E, v2;
	_ =	sdelay $0x1  }
0x30d: {  	v4 =	vmul.f32 v4, v3;
	_ =	sdelay $0x1  }
0x30e: {  	[tilespmem:v5+s4+$0x0] =	vst.idx.msk $0xffff, v4  }
0x30f: {  	v5 =	vld.idx.msk [tilespmem:v6+s4+$0x0], $0xffff;
	_ =	sdelay $0x3  }
0x310: {  	v4 =	vor.u32 $0x1F, v2;
	_ =	sdelay $0x1  }
0x311: {  	v2 =	vmul.f32 v5, v3;
	_ =	sdelay $0x1  }
0x312: {  	[tilespmem:v6+s4+$0x0] =	vst.idx.msk $0xffff, v2  }
0x313: {  	v5 =	vld.idx.msk [tilespmem:v4+s4+$0x0], $0xffff;
	_ =	sdelay $0x1  }
.Ltmp2:
0x314: {  	v2 =	vmov s2;
	(pc) =	sbr.rel @p0 .LBB2_7-.Ltmp2, $3  }
0x315: {  	v2 =	vshll.u32 v2, $0x5  }
0x316: {  	v2 =	vor.u32 v1, v2;
	_ =	sdelay $0x1  }
0x317: {  	v3 =	vmul.f32 v5, v3  }
0x318: {  	_ =	sdelay $0x3  }
0x319: {  	[tilespmem:v4+s4+$0x0] =	vst.idx.msk $0xffff, v3  }
0x31a: {  	s0 =	sadd.s32 $0x10, s0;
	v3 =	vld.idx.msk [tilespmem:v2+s4+$0x0], $0xffff  }
0x31b: {  	v4 =	vld [tilespmem:s0+$0x0];
	_ =	sdelay $0x2  }
0x31c: {  	v5 =	vor.u32 $0x1, v2;
	_ =	sdelay $0x1  }
0x31d: {  	v3 =	vmul.f32 v3, v4;
	_ =	sdelay $0x1  }
0x31e: {  	[tilespmem:v2+s4+$0x0] =	vst.idx.msk $0xffff, v3  }
0x31f: {  	v3 =	vld.idx.msk [tilespmem:v5+s4+$0x0], $0xffff;
	_ =	sdelay $0x2  }
0x320: {  	v6 =	vor.u32 $0x2, v2;
	_ =	sdelay $0x1  }
0x321: {  	v3 =	vmul.f32 v3, v4;
	_ =	sdelay $0x1  }
0x322: {  	[tilespmem:v5+s4+$0x0] =	vst.idx.msk $0xffff, v3  }
0x323: {  	v3 =	vld.idx.msk [tilespmem:v6+s4+$0x0], $0xffff;
	_ =	sdelay $0x2  }
0x324: {  	v36 =	vor.u32 $0x3, v2;
	_ =	sdelay $0x1  }
0x325: {  	v3 =	vmul.f32 v3, v4;
	_ =	sdelay $0x1  }
0x326: {  	[tilespmem:v6+s4+$0x0] =	vst.idx.msk $0xffff, v3  }
0x327: {  	v3 =	vld.idx.msk [tilespmem:v36+s4+$0x0], $0xffff;
	_ =	sdelay $0x2  }
0x328: {  	v37 =	vor.u32 $0x4, v2;
	_ =	sdelay $0x1  }
0x329: {  	v3 =	vmul.f32 v3, v4;
	_ =	sdelay $0x1  }
0x32a: {  	[tilespmem:v36+s4+$0x0] =	vst.idx.msk $0xffff, v3  }
0x32b: {  	v3 =	vld.idx.msk [tilespmem:v37+s4+$0x0], $0xffff;
	_ =	sdelay $0x2  }
0x32c: {  	v38 =	vor.u32 $0x5, v2;
	_ =	sdelay $0x1  }
0x32d: {  	v3 =	vmul.f32 v3, v4;
	_ =	sdelay $0x1  }
0x32e: {  	[tilespmem:v37+s4+$0x0] =	vst.idx.msk $0xffff, v3  }
0x32f: {  	v3 =	vld.idx.msk [tilespmem:v38+s4+$0x0], $0xffff;
	_ =	sdelay $0x2  }
0x330: {  	v39 =	vor.u32 $0x6, v2;
	_ =	sdelay $0x1  }
0x331: {  	v3 =	vmul.f32 v3, v4;
	_ =	sdelay $0x1  }
0x332: {  	[tilespmem:v38+s4+$0x0] =	vst.idx.msk $0xffff, v3  }
0x333: {  	v3 =	vld.idx.msk [tilespmem:v39+s4+$0x0], $0xffff;
	_ =	sdelay $0x2  }
0x334: {  	v40 =	vor.u32 $0x7, v2;
	_ =	sdelay $0x1  }
0x335: {  	v3 =	vmul.f32 v3, v4;
	_ =	sdelay $0x1  }
0x336: {  	[tilespmem:v39+s4+$0x0] =	vst.idx.msk $0xffff, v3  }
0x337: {  	v3 =	vld.idx.msk [tilespmem:v40+s4+$0x0], $0xffff;
	_ =	sdelay $0x2  }
0x338: {  	v41 =	vor.u32 $0x8, v2;
	_ =	sdelay $0x1  }
0x339: {  	v3 =	vmul.f32 v3, v4;
	_ =	sdelay $0x1  }
0x33a: {  	[tilespmem:v40+s4+$0x0] =	vst.idx.msk $0xffff, v3  }
0x33b: {  	v3 =	vld.idx.msk [tilespmem:v41+s4+$0x0], $0xffff;
	_ =	sdelay $0x2  }
0x33c: {  	v42 =	vor.u32 $0x9, v2;
	_ =	sdelay $0x1  }
0x33d: {  	v3 =	vmul.f32 v3, v4;
	_ =	sdelay $0x1  }
0x33e: {  	[tilespmem:v41+s4+$0x0] =	vst.idx.msk $0xffff, v3  }
0x33f: {  	v3 =	vld.idx.msk [tilespmem:v42+s4+$0x0], $0xffff;
	_ =	sdelay $0x2  }
0x340: {  	v43 =	vor.u32 $0xA, v2;
	_ =	sdelay $0x1  }
0x341: {  	v3 =	vmul.f32 v3, v4;
	_ =	sdelay $0x1  }
0x342: {  	[tilespmem:v42+s4+$0x0] =	vst.idx.msk $0xffff, v3  }
0x343: {  	v3 =	vld.idx.msk [tilespmem:v43+s4+$0x0], $0xffff;
	_ =	sdelay $0x2  }
0x344: {  	v44 =	vor.u32 $0xB, v2;
	_ =	sdelay $0x1  }
0x345: {  	v3 =	vmul.f32 v3, v4;
	_ =	sdelay $0x1  }
0x346: {  	[tilespmem:v43+s4+$0x0] =	vst.idx.msk $0xffff, v3  }
0x347: {  	v3 =	vld.idx.msk [tilespmem:v44+s4+$0x0], $0xffff;
	_ =	sdelay $0x2  }
0x348: {  	v45 =	vor.u32 $0xC, v2;
	_ =	sdelay $0x1  }
0x349: {  	v3 =	vmul.f32 v3, v4;
	_ =	sdelay $0x1  }
0x34a: {  	[tilespmem:v44+s4+$0x0] =	vst.idx.msk $0xffff, v3  }
0x34b: {  	v3 =	vld.idx.msk [tilespmem:v45+s4+$0x0], $0xffff;
	_ =	sdelay $0x2  }
0x34c: {  	v46 =	vor.u32 $0xD, v2;
	_ =	sdelay $0x1  }
0x34d: {  	v3 =	vmul.f32 v3, v4;
	_ =	sdelay $0x1  }
0x34e: {  	[tilespmem:v45+s4+$0x0] =	vst.idx.msk $0xffff, v3  }
0x34f: {  	v3 =	vld.idx.msk [tilespmem:v46+s4+$0x0], $0xffff;
	_ =	sdelay $0x2  }
0x350: {  	v47 =	vor.u32 $0xE, v2;
	_ =	sdelay $0x1  }
0x351: {  	v3 =	vmul.f32 v3, v4;
	_ =	sdelay $0x1  }
0x352: {  	[tilespmem:v46+s4+$0x0] =	vst.idx.msk $0xffff, v3  }
0x353: {  	v3 =	vld.idx.msk [tilespmem:v47+s4+$0x0], $0xffff;
	_ =	sdelay $0x2  }
0x354: {  	v48 =	vor.u32 $0xF, v2;
	_ =	sdelay $0x1  }
0x355: {  	v3 =	vmul.f32 v3, v4;
	_ =	sdelay $0x1  }
0x356: {  	[tilespmem:v47+s4+$0x0] =	vst.idx.msk $0xffff, v3  }
0x357: {  	v3 =	vld.idx.msk [tilespmem:v48+s4+$0x0], $0xffff;
	_ =	sdelay $0x2  }
0x358: {  	v49 =	vor.u32 $0x10, v2;
	_ =	sdelay $0x1  }
0x359: {  	v3 =	vmul.f32 v3, v4;
	_ =	sdelay $0x1  }
0x35a: {  	[tilespmem:v48+s4+$0x0] =	vst.idx.msk $0xffff, v3  }
0x35b: {  	v3 =	vld.idx.msk [tilespmem:v49+s4+$0x0], $0xffff;
	_ =	sdelay $0x2  }
0x35c: {  	v50 =	vor.u32 $0x11, v2;
	_ =	sdelay $0x1  }
0x35d: {  	v3 =	vmul.f32 v3, v4;
	_ =	sdelay $0x1  }
0x35e: {  	[tilespmem:v49+s4+$0x0] =	vst.idx.msk $0xffff, v3  }
0x35f: {  	v3 =	vld.idx.msk [tilespmem:v50+s4+$0x0], $0xffff;
	_ =	sdelay $0x2  }
0x360: {  	v51 =	vor.u32 $0x12, v2;
	_ =	sdelay $0x1  }
0x361: {  	v3 =	vmul.f32 v3, v4;
	_ =	sdelay $0x1  }
0x362: {  	[tilespmem:v50+s4+$0x0] =	vst.idx.msk $0xffff, v3  }
0x363: {  	v3 =	vld.idx.msk [tilespmem:v51+s4+$0x0], $0xffff;
	_ =	sdelay $0x2  }
0x364: {  	v52 =	vor.u32 $0x13, v2;
	_ =	sdelay $0x1  }
0x365: {  	v3 =	vmul.f32 v3, v4;
	_ =	sdelay $0x1  }
0x366: {  	[tilespmem:v51+s4+$0x0] =	vst.idx.msk $0xffff, v3  }
0x367: {  	v3 =	vld.idx.msk [tilespmem:v52+s4+$0x0], $0xffff;
	_ =	sdelay $0x2  }
0x368: {  	v53 =	vor.u32 $0x14, v2;
	_ =	sdelay $0x1  }
0x369: {  	v3 =	vmul.f32 v3, v4;
	_ =	sdelay $0x1  }
0x36a: {  	[tilespmem:v52+s4+$0x0] =	vst.idx.msk $0xffff, v3  }
0x36b: {  	v3 =	vld.idx.msk [tilespmem:v53+s4+$0x0], $0xffff;
	_ =	sdelay $0x2  }
0x36c: {  	v54 =	vor.u32 $0x15, v2;
	_ =	sdelay $0x1  }
0x36d: {  	v3 =	vmul.f32 v3, v4;
	_ =	sdelay $0x1  }
0x36e: {  	[tilespmem:v53+s4+$0x0] =	vst.idx.msk $0xffff, v3  }
0x36f: {  	v3 =	vld.idx.msk [tilespmem:v54+s4+$0x0], $0xffff;
	_ =	sdelay $0x2  }
0x370: {  	v55 =	vor.u32 $0x16, v2;
	_ =	sdelay $0x1  }
0x371: {  	v3 =	vmul.f32 v3, v4;
	_ =	sdelay $0x1  }
0x372: {  	[tilespmem:v54+s4+$0x0] =	vst.idx.msk $0xffff, v3  }
0x373: {  	v3 =	vld.idx.msk [tilespmem:v55+s4+$0x0], $0xffff;
	_ =	sdelay $0x2  }
0x374: {  	v56 =	vor.u32 $0x17, v2;
	_ =	sdelay $0x1  }
0x375: {  	v3 =	vmul.f32 v3, v4;
	_ =	sdelay $0x1  }
0x376: {  	[tilespmem:v55+s4+$0x0] =	vst.idx.msk $0xffff, v3  }
0x377: {  	v3 =	vld.idx.msk [tilespmem:v56+s4+$0x0], $0xffff;
	_ =	sdelay $0x2  }
0x378: {  	v57 =	vor.u32 $0x18, v2;
	_ =	sdelay $0x1  }
0x379: {  	v3 =	vmul.f32 v3, v4;
	_ =	sdelay $0x1  }
0x37a: {  	[tilespmem:v56+s4+$0x0] =	vst.idx.msk $0xffff, v3  }
0x37b: {  	v3 =	vld.idx.msk [tilespmem:v57+s4+$0x0], $0xffff;
	_ =	sdelay $0x2  }
0x37c: {  	v58 =	vor.u32 $0x19, v2;
	_ =	sdelay $0x1  }
0x37d: {  	v3 =	vmul.f32 v3, v4;
	_ =	sdelay $0x1  }
0x37e: {  	[tilespmem:v57+s4+$0x0] =	vst.idx.msk $0xffff, v3  }
0x37f: {  	v3 =	vld.idx.msk [tilespmem:v58+s4+$0x0], $0xffff;
	_ =	sdelay $0x2  }
0x380: {  	v59 =	vor.u32 $0x1A, v2;
	_ =	sdelay $0x1  }
0x381: {  	v3 =	vmul.f32 v3, v4;
	_ =	sdelay $0x1  }
0x382: {  	[tilespmem:v58+s4+$0x0] =	vst.idx.msk $0xffff, v3  }
0x383: {  	v3 =	vld.idx.msk [tilespmem:v59+s4+$0x0], $0xffff;
	_ =	sdelay $0x2  }
0x384: {  	v60 =	vor.u32 $0x1B, v2;
	_ =	sdelay $0x1  }
0x385: {  	v3 =	vmul.f32 v3, v4;
	_ =	sdelay $0x1  }
0x386: {  	[tilespmem:v59+s4+$0x0] =	vst.idx.msk $0xffff, v3  }
0x387: {  	v3 =	vld.idx.msk [tilespmem:v60+s4+$0x0], $0xffff;
	_ =	sdelay $0x2  }
0x388: {  	v61 =	vor.u32 $0x1C, v2;
	_ =	sdelay $0x1  }
0x389: {  	v3 =	vmul.f32 v3, v4;
	_ =	sdelay $0x1  }
0x38a: {  	[tilespmem:v60+s4+$0x0] =	vst.idx.msk $0xffff, v3  }
0x38b: {  	v3 =	vld.idx.msk [tilespmem:v61+s4+$0x0], $0xffff;
	_ =	sdelay $0x2  }
0x38c: {  	v62 =	vor.u32 $0x1D, v2;
	_ =	sdelay $0x1  }
0x38d: {  	v3 =	vmul.f32 v3, v4;
	_ =	sdelay $0x1  }
0x38e: {  	[tilespmem:v61+s4+$0x0] =	vst.idx.msk $0xffff, v3  }
0x38f: {  	v3 =	vld.idx.msk [tilespmem:v62+s4+$0x0], $0xffff;
	_ =	sdelay $0x2  }
0x390: {  	v63 =	vor.u32 $0x1E, v2;
	_ =	sdelay $0x1  }
0x391: {  	v3 =	vmul.f32 v3, v4;
	_ =	sdelay $0x1  }
0x392: {  	[tilespmem:v62+s4+$0x0] =	vst.idx.msk $0xffff, v3  }
0x393: {  	v3 =	vld.idx.msk [tilespmem:v63+s4+$0x0], $0xffff;
	_ =	sdelay $0x2  }
0x394: {  	v2 =	vor.u32 $0x1F, v2;
	_ =	sdelay $0x1  }
0x395: {  	v3 =	vmul.f32 v3, v4;
	_ =	sdelay $0x1  }
0x396: {  	[tilespmem:v63+s4+$0x0] =	vst.idx.msk $0xffff, v3  }
0x397: {  	v3 =	vld.idx.msk [tilespmem:v2+s4+$0x0], $0xffff;
	_ =	sdelay $0x4  }
0x398: {  	v3 =	vmul.f32 v3, v4;
	_ =	sdelay $0x1  }
0x399: {  	s24 =	sadd.s32 s24, s20;
	s8 =	sadd.s32 $0x1, s8;
	[tilespmem:v2+s4+$0x0] =	vst.idx.msk $0xffff, v3  }
0x39a: {  	[hbm4b:s24+s5] =	stream.linear.scatter [tilespmem:s4], [sflag:$0x4], $0x3200, $0x38;
	[tilespmem:$0x1F460] =	vst v63  }
0x39b: {  	p0 =	sne.s32 s8, $0x3E  }
0x39c: {  	[spmem:s22] =	stream.indirect.scatter.add.f32 [tilespmem:s4], [sflag:$0xC], $0x20, s10, s31, $0xb8;
	[tilespmem:$0x1F460] =	vst v63  }
.Ltmp3:
0x39d: {  	_ = 	snop;
	(pc) =	sbr.rel @p0 .LBB2_4-.Ltmp3, $4  }
0x39e: {  	_ =	swait.ge [sflag:s30], $0x190  }
0x39f: {  	[sflag:s30] =	ssyncset.done $0x0  }
0x3a0: {  	s26 =	simm.s32 $0x6A40;
	[sflag:s30] =	ssyncadd.s32 $0xFFFFFE70  }
0x3a1: {  	[tilespmem:s26], [sflag:$0x5] =	stream.indirect.gather [hbm4b:s6+s31], $0x1, s28, s31, $0xb8;
	[tilespmem:$0x1F460] =	vst v63  }
0x3a2: {  	_ =	swait.ge [sflag:s11], $0x3200  }
0x3a3: {  	s0 =	simm.s32 $0x0;
	[sflag:s11] =	ssyncset.done $0x0  }
0x3a4: {  	v2 =	vmov s0;
	[sflag:s11] =	ssyncadd.s32 $0xFFFFCE00  }
0x3a5: {  	v2 =	vshll.u32 v2, $0x5;
	_ =	swait.ge [sflag:s12], $0x190  }
0x3a6: {  	v2 =	vor.u32 v1, v2;
	[sflag:s12] =	ssyncset.done $0x0  }
0x3a7: {  	[sflag:s12] =	ssyncadd.s32 $0xFFFFFE70  }
0x3a8: {  	_ =	swait.ge [sflag:s13], $0x190  }
0x3a9: {  	[sflag:s13] =	ssyncset.done $0x0  }
0x3aa: {  	[sflag:s13] =	ssyncadd.s32 $0xFFFFFE70  }
0x3ab: {  	s0 =	simm.s32 $0x6A40;
	v4 =	vld.idx.msk [tilespmem:v2+s5+$0x0], $0xffff  }
0x3ac: {  	v3 =	vld [tilespmem:s0+$0x0];
	_ =	sdelay $0x2  }
0x3ad: {  	v5 =	vor.u32 $0x1, v2;
	_ =	sdelay $0x1  }
0x3ae: {  	v4 =	vmul.f32 v4, v3;
	_ =	sdelay $0x1  }
0x3af: {  	[tilespmem:v2+s5+$0x0] =	vst.idx.msk $0xffff, v4  }
0x3b0: {  	v4 =	vld.idx.msk [tilespmem:v5+s5+$0x0], $0xffff;
	_ =	sdelay $0x2  }
0x3b1: {  	v6 =	vor.u32 $0x2, v2;
	_ =	sdelay $0x1  }
0x3b2: {  	v4 =	vmul.f32 v4, v3;
	_ =	sdelay $0x1  }
0x3b3: {  	[tilespmem:v5+s5+$0x0] =	vst.idx.msk $0xffff, v4  }
0x3b4: {  	v4 =	vld.idx.msk [tilespmem:v6+s5+$0x0], $0xffff;
	_ =	sdelay $0x2  }
0x3b5: {  	v5 =	vor.u32 $0x3, v2;
	_ =	sdelay $0x1  }
0x3b6: {  	v4 =	vmul.f32 v4, v3;
	_ =	sdelay $0x1  }
0x3b7: {  	[tilespmem:v6+s5+$0x0] =	vst.idx.msk $0xffff, v4  }
0x3b8: {  	v4 =	vld.idx.msk [tilespmem:v5+s5+$0x0], $0xffff;
	_ =	sdelay $0x2  }
0x3b9: {  	v6 =	vor.u32 $0x4, v2;
	_ =	sdelay $0x1  }
0x3ba: {  	v4 =	vmul.f32 v4, v3;
	_ =	sdelay $0x1  }
0x3bb: {  	[tilespmem:v5+s5+$0x0] =	vst.idx.msk $0xffff, v4  }
0x3bc: {  	v4 =	vld.idx.msk [tilespmem:v6+s5+$0x0], $0xffff;
	_ =	sdelay $0x2  }
0x3bd: {  	v5 =	vor.u32 $0x5, v2;
	_ =	sdelay $0x1  }
0x3be: {  	v4 =	vmul.f32 v4, v3;
	_ =	sdelay $0x1  }
0x3bf: {  	[tilespmem:v6+s5+$0x0] =	vst.idx.msk $0xffff, v4  }
0x3c0: {  	v4 =	vld.idx.msk [tilespmem:v5+s5+$0x0], $0xffff;
	_ =	sdelay $0x2  }
0x3c1: {  	v6 =	vor.u32 $0x6, v2;
	_ =	sdelay $0x1  }
0x3c2: {  	v4 =	vmul.f32 v4, v3;
	_ =	sdelay $0x1  }
0x3c3: {  	[tilespmem:v5+s5+$0x0] =	vst.idx.msk $0xffff, v4  }
0x3c4: {  	v4 =	vld.idx.msk [tilespmem:v6+s5+$0x0], $0xffff;
	_ =	sdelay $0x2  }
0x3c5: {  	v5 =	vor.u32 $0x7, v2;
	_ =	sdelay $0x1  }
0x3c6: {  	v4 =	vmul.f32 v4, v3;
	_ =	sdelay $0x1  }
0x3c7: {  	[tilespmem:v6+s5+$0x0] =	vst.idx.msk $0xffff, v4  }
0x3c8: {  	v4 =	vld.idx.msk [tilespmem:v5+s5+$0x0], $0xffff;
	_ =	sdelay $0x2  }
0x3c9: {  	v6 =	vor.u32 $0x8, v2;
	_ =	sdelay $0x1  }
0x3ca: {  	v4 =	vmul.f32 v4, v3;
	_ =	sdelay $0x1  }
0x3cb: {  	[tilespmem:v5+s5+$0x0] =	vst.idx.msk $0xffff, v4  }
0x3cc: {  	v4 =	vld.idx.msk [tilespmem:v6+s5+$0x0], $0xffff;
	_ =	sdelay $0x2  }
0x3cd: {  	v5 =	vor.u32 $0x9, v2;
	_ =	sdelay $0x1  }
0x3ce: {  	v4 =	vmul.f32 v4, v3;
	_ =	sdelay $0x1  }
0x3cf: {  	[tilespmem:v6+s5+$0x0] =	vst.idx.msk $0xffff, v4  }
0x3d0: {  	v4 =	vld.idx.msk [tilespmem:v5+s5+$0x0], $0xffff;
	_ =	sdelay $0x2  }
0x3d1: {  	v6 =	vor.u32 $0xA, v2;
	_ =	sdelay $0x1  }
0x3d2: {  	v4 =	vmul.f32 v4, v3;
	_ =	sdelay $0x1  }
0x3d3: {  	[tilespmem:v5+s5+$0x0] =	vst.idx.msk $0xffff, v4  }
0x3d4: {  	v4 =	vld.idx.msk [tilespmem:v6+s5+$0x0], $0xffff;
	_ =	sdelay $0x2  }
0x3d5: {  	v5 =	vor.u32 $0xB, v2;
	_ =	sdelay $0x1  }
0x3d6: {  	v4 =	vmul.f32 v4, v3;
	_ =	sdelay $0x1  }
0x3d7: {  	[tilespmem:v6+s5+$0x0] =	vst.idx.msk $0xffff, v4  }
0x3d8: {  	v4 =	vld.idx.msk [tilespmem:v5+s5+$0x0], $0xffff;
	_ =	sdelay $0x2  }
0x3d9: {  	v6 =	vor.u32 $0xC, v2;
	_ =	sdelay $0x1  }
0x3da: {  	v4 =	vmul.f32 v4, v3;
	_ =	sdelay $0x1  }
0x3db: {  	[tilespmem:v5+s5+$0x0] =	vst.idx.msk $0xffff, v4  }
0x3dc: {  	v4 =	vld.idx.msk [tilespmem:v6+s5+$0x0], $0xffff;
	_ =	sdelay $0x2  }
0x3dd: {  	v5 =	vor.u32 $0xD, v2;
	_ =	sdelay $0x1  }
0x3de: {  	v4 =	vmul.f32 v4, v3;
	_ =	sdelay $0x1  }
0x3df: {  	[tilespmem:v6+s5+$0x0] =	vst.idx.msk $0xffff, v4  }
0x3e0: {  	v4 =	vld.idx.msk [tilespmem:v5+s5+$0x0], $0xffff;
	_ =	sdelay $0x2  }
0x3e1: {  	v6 =	vor.u32 $0xE, v2;
	_ =	sdelay $0x1  }
0x3e2: {  	v4 =	vmul.f32 v4, v3;
	_ =	sdelay $0x1  }
0x3e3: {  	[tilespmem:v5+s5+$0x0] =	vst.idx.msk $0xffff, v4  }
0x3e4: {  	v4 =	vld.idx.msk [tilespmem:v6+s5+$0x0], $0xffff;
	_ =	sdelay $0x2  }
0x3e5: {  	v5 =	vor.u32 $0xF, v2;
	_ =	sdelay $0x1  }
0x3e6: {  	v4 =	vmul.f32 v4, v3;
	_ =	sdelay $0x1  }
0x3e7: {  	[tilespmem:v6+s5+$0x0] =	vst.idx.msk $0xffff, v4  }
0x3e8: {  	v4 =	vld.idx.msk [tilespmem:v5+s5+$0x0], $0xffff;
	_ =	sdelay $0x2  }
0x3e9: {  	v6 =	vor.u32 $0x10, v2;
	_ =	sdelay $0x1  }
0x3ea: {  	v4 =	vmul.f32 v4, v3;
	_ =	sdelay $0x1  }
0x3eb: {  	[tilespmem:v5+s5+$0x0] =	vst.idx.msk $0xffff, v4  }
0x3ec: {  	v4 =	vld.idx.msk [tilespmem:v6+s5+$0x0], $0xffff;
	_ =	sdelay $0x2  }
0x3ed: {  	v5 =	vor.u32 $0x11, v2;
	_ =	sdelay $0x1  }
0x3ee: {  	v4 =	vmul.f32 v4, v3;
	_ =	sdelay $0x1  }
0x3ef: {  	[tilespmem:v6+s5+$0x0] =	vst.idx.msk $0xffff, v4  }
0x3f0: {  	v4 =	vld.idx.msk [tilespmem:v5+s5+$0x0], $0xffff;
	_ =	sdelay $0x2  }
0x3f1: {  	v6 =	vor.u32 $0x12, v2;
	_ =	sdelay $0x1  }
0x3f2: {  	v4 =	vmul.f32 v4, v3;
	_ =	sdelay $0x1  }
0x3f3: {  	[tilespmem:v5+s5+$0x0] =	vst.idx.msk $0xffff, v4  }
0x3f4: {  	v4 =	vld.idx.msk [tilespmem:v6+s5+$0x0], $0xffff;
	_ =	sdelay $0x2  }
0x3f5: {  	v5 =	vor.u32 $0x13, v2;
	_ =	sdelay $0x1  }
0x3f6: {  	v4 =	vmul.f32 v4, v3;
	_ =	sdelay $0x1  }
0x3f7: {  	[tilespmem:v6+s5+$0x0] =	vst.idx.msk $0xffff, v4  }
0x3f8: {  	v4 =	vld.idx.msk [tilespmem:v5+s5+$0x0], $0xffff;
	_ =	sdelay $0x2  }
0x3f9: {  	v6 =	vor.u32 $0x14, v2;
	_ =	sdelay $0x1  }
0x3fa: {  	v4 =	vmul.f32 v4, v3;
	_ =	sdelay $0x1  }
0x3fb: {  	[tilespmem:v5+s5+$0x0] =	vst.idx.msk $0xffff, v4  }
0x3fc: {  	v4 =	vld.idx.msk [tilespmem:v6+s5+$0x0], $0xffff;
	_ =	sdelay $0x2  }
0x3fd: {  	v5 =	vor.u32 $0x15, v2;
	_ =	sdelay $0x1  }
0x3fe: {  	v4 =	vmul.f32 v4, v3;
	_ =	sdelay $0x1  }
0x3ff: {  	[tilespmem:v6+s5+$0x0] =	vst.idx.msk $0xffff, v4  }
0x400: {  	v4 =	vld.idx.msk [tilespmem:v5+s5+$0x0], $0xffff;
	_ =	sdelay $0x2  }
0x401: {  	v6 =	vor.u32 $0x16, v2;
	_ =	sdelay $0x1  }
0x402: {  	v4 =	vmul.f32 v4, v3;
	_ =	sdelay $0x1  }
0x403: {  	[tilespmem:v5+s5+$0x0] =	vst.idx.msk $0xffff, v4  }
0x404: {  	v4 =	vld.idx.msk [tilespmem:v6+s5+$0x0], $0xffff;
	_ =	sdelay $0x2  }
0x405: {  	v5 =	vor.u32 $0x17, v2;
	_ =	sdelay $0x1  }
0x406: {  	v4 =	vmul.f32 v4, v3;
	_ =	sdelay $0x1  }
0x407: {  	[tilespmem:v6+s5+$0x0] =	vst.idx.msk $0xffff, v4  }
0x408: {  	v4 =	vld.idx.msk [tilespmem:v5+s5+$0x0], $0xffff;
	_ =	sdelay $0x2  }
0x409: {  	v6 =	vor.u32 $0x18, v2;
	_ =	sdelay $0x1  }
0x40a: {  	v4 =	vmul.f32 v4, v3;
	_ =	sdelay $0x1  }
0x40b: {  	[tilespmem:v5+s5+$0x0] =	vst.idx.msk $0xffff, v4  }
0x40c: {  	v4 =	vld.idx.msk [tilespmem:v6+s5+$0x0], $0xffff;
	_ =	sdelay $0x2  }
0x40d: {  	v5 =	vor.u32 $0x19, v2;
	_ =	sdelay $0x1  }
0x40e: {  	v4 =	vmul.f32 v4, v3;
	_ =	sdelay $0x1  }
0x40f: {  	[tilespmem:v6+s5+$0x0] =	vst.idx.msk $0xffff, v4  }
0x410: {  	v4 =	vld.idx.msk [tilespmem:v5+s5+$0x0], $0xffff;
	_ =	sdelay $0x2  }
0x411: {  	v6 =	vor.u32 $0x1A, v2;
	_ =	sdelay $0x1  }
0x412: {  	v4 =	vmul.f32 v4, v3;
	_ =	sdelay $0x1  }
0x413: {  	[tilespmem:v5+s5+$0x0] =	vst.idx.msk $0xffff, v4  }
0x414: {  	v4 =	vld.idx.msk [tilespmem:v6+s5+$0x0], $0xffff;
	_ =	sdelay $0x2  }
0x415: {  	v5 =	vor.u32 $0x1B, v2;
	_ =	sdelay $0x1  }
0x416: {  	v4 =	vmul.f32 v4, v3;
	_ =	sdelay $0x1  }
0x417: {  	[tilespmem:v6+s5+$0x0] =	vst.idx.msk $0xffff, v4  }
0x418: {  	v4 =	vld.idx.msk [tilespmem:v5+s5+$0x0], $0xffff;
	_ =	sdelay $0x2  }
0x419: {  	v6 =	vor.u32 $0x1C, v2;
	_ =	sdelay $0x1  }
0x41a: {  	v4 =	vmul.f32 v4, v3;
	_ =	sdelay $0x1  }
0x41b: {  	[tilespmem:v5+s5+$0x0] =	vst.idx.msk $0xffff, v4  }
0x41c: {  	v4 =	vld.idx.msk [tilespmem:v6+s5+$0x0], $0xffff;
	_ =	sdelay $0x2  }
0x41d: {  	v5 =	vor.u32 $0x1D, v2;
	_ =	sdelay $0x1  }
0x41e: {  	v4 =	vmul.f32 v4, v3;
	_ =	sdelay $0x1  }
0x41f: {  	[tilespmem:v6+s5+$0x0] =	vst.idx.msk $0xffff, v4  }
0x420: {  	v4 =	vld.idx.msk [tilespmem:v5+s5+$0x0], $0xffff;
	_ =	sdelay $0x2  }
0x421: {  	v6 =	vor.u32 $0x1E, v2;
	_ =	sdelay $0x1  }
0x422: {  	v4 =	vmul.f32 v4, v3;
	_ =	sdelay $0x1  }
0x423: {  	[tilespmem:v5+s5+$0x0] =	vst.idx.msk $0xffff, v4  }
0x424: {  	v5 =	vld.idx.msk [tilespmem:v6+s5+$0x0], $0xffff;
	_ =	sdelay $0x2  }
0x425: {  	v4 =	vor.u32 $0x1F, v2;
	_ =	sdelay $0x1  }
0x426: {  	v2 =	vmul.f32 v5, v3;
	_ =	sdelay $0x1  }
0x427: {  	[tilespmem:v6+s5+$0x0] =	vst.idx.msk $0xffff, v2  }
0x428: {  	s1 =	simm.s32 $0x10;
	v5 =	vld.idx.msk [tilespmem:v4+s5+$0x0], $0xffff  }
0x429: {  	v2 =	vmov s1  }
0x42a: {  	v2 =	vshll.u32 v2, $0x5  }
0x42b: {  	v2 =	vor.u32 v1, v2;
	_ =	sdelay $0x1  }
0x42c: {  	s1 =	simm.s32 $0x20;
	v3 =	vmul.f32 v5, v3  }
.LBB2_10:
0x42d: {  	p0 =	sne.s32 s1, $0x180  }
0x42e: {  	s0 =	sadd.s32 $0x10, s0;
	s2 =	smov.u32 s1;
	s1 =	sadd.s32 $0x10, s1;
	[tilespmem:v4+s5+$0x0] =	vst.idx.msk $0xffff, v3  }
0x42f: {  	v4 =	vld.idx.msk [tilespmem:v2+s5+$0x0], $0xffff  }
0x430: {  	v3 =	vld [tilespmem:s0+$0x0];
	_ =	sdelay $0x2  }
0x431: {  	v5 =	vor.u32 $0x1, v2;
	_ =	sdelay $0x1  }
0x432: {  	v4 =	vmul.f32 v4, v3;
	_ =	sdelay $0x1  }
0x433: {  	[tilespmem:v2+s5+$0x0] =	vst.idx.msk $0xffff, v4  }
0x434: {  	v4 =	vld.idx.msk [tilespmem:v5+s5+$0x0], $0xffff;
	_ =	sdelay $0x3  }
0x435: {  	v6 =	vor.u32 $0x2, v2;
	_ =	sdelay $0x1  }
0x436: {  	v4 =	vmul.f32 v4, v3;
	_ =	sdelay $0x1  }
0x437: {  	[tilespmem:v5+s5+$0x0] =	vst.idx.msk $0xffff, v4  }
0x438: {  	v4 =	vld.idx.msk [tilespmem:v6+s5+$0x0], $0xffff;
	_ =	sdelay $0x3  }
0x439: {  	v5 =	vor.u32 $0x3, v2;
	_ =	sdelay $0x1  }
0x43a: {  	v4 =	vmul.f32 v4, v3;
	_ =	sdelay $0x1  }
0x43b: {  	[tilespmem:v6+s5+$0x0] =	vst.idx.msk $0xffff, v4  }
0x43c: {  	v4 =	vld.idx.msk [tilespmem:v5+s5+$0x0], $0xffff;
	_ =	sdelay $0x3  }
0x43d: {  	v6 =	vor.u32 $0x4, v2;
	_ =	sdelay $0x1  }
0x43e: {  	v4 =	vmul.f32 v4, v3;
	_ =	sdelay $0x1  }
0x43f: {  	[tilespmem:v5+s5+$0x0] =	vst.idx.msk $0xffff, v4  }
0x440: {  	v4 =	vld.idx.msk [tilespmem:v6+s5+$0x0], $0xffff;
	_ =	sdelay $0x3  }
0x441: {  	v5 =	vor.u32 $0x5, v2;
	_ =	sdelay $0x1  }
0x442: {  	v4 =	vmul.f32 v4, v3;
	_ =	sdelay $0x1  }
0x443: {  	[tilespmem:v6+s5+$0x0] =	vst.idx.msk $0xffff, v4  }
0x444: {  	v4 =	vld.idx.msk [tilespmem:v5+s5+$0x0], $0xffff;
	_ =	sdelay $0x3  }
0x445: {  	v6 =	vor.u32 $0x6, v2;
	_ =	sdelay $0x1  }
0x446: {  	v4 =	vmul.f32 v4, v3;
	_ =	sdelay $0x1  }
0x447: {  	[tilespmem:v5+s5+$0x0] =	vst.idx.msk $0xffff, v4  }
0x448: {  	v4 =	vld.idx.msk [tilespmem:v6+s5+$0x0], $0xffff;
	_ =	sdelay $0x3  }
0x449: {  	v5 =	vor.u32 $0x7, v2;
	_ =	sdelay $0x1  }
0x44a: {  	v4 =	vmul.f32 v4, v3;
	_ =	sdelay $0x1  }
0x44b: {  	[tilespmem:v6+s5+$0x0] =	vst.idx.msk $0xffff, v4  }
0x44c: {  	v4 =	vld.idx.msk [tilespmem:v5+s5+$0x0], $0xffff;
	_ =	sdelay $0x3  }
0x44d: {  	v6 =	vor.u32 $0x8, v2;
	_ =	sdelay $0x1  }
0x44e: {  	v4 =	vmul.f32 v4, v3;
	_ =	sdelay $0x1  }
0x44f: {  	[tilespmem:v5+s5+$0x0] =	vst.idx.msk $0xffff, v4  }
0x450: {  	v4 =	vld.idx.msk [tilespmem:v6+s5+$0x0], $0xffff;
	_ =	sdelay $0x3  }
0x451: {  	v5 =	vor.u32 $0x9, v2;
	_ =	sdelay $0x1  }
0x452: {  	v4 =	vmul.f32 v4, v3;
	_ =	sdelay $0x1  }
0x453: {  	[tilespmem:v6+s5+$0x0] =	vst.idx.msk $0xffff, v4  }
0x454: {  	v4 =	vld.idx.msk [tilespmem:v5+s5+$0x0], $0xffff;
	_ =	sdelay $0x3  }
0x455: {  	v6 =	vor.u32 $0xA, v2;
	_ =	sdelay $0x1  }
0x456: {  	v4 =	vmul.f32 v4, v3;
	_ =	sdelay $0x1  }
0x457: {  	[tilespmem:v5+s5+$0x0] =	vst.idx.msk $0xffff, v4  }
0x458: {  	v4 =	vld.idx.msk [tilespmem:v6+s5+$0x0], $0xffff;
	_ =	sdelay $0x3  }
0x459: {  	v5 =	vor.u32 $0xB, v2;
	_ =	sdelay $0x1  }
0x45a: {  	v4 =	vmul.f32 v4, v3;
	_ =	sdelay $0x1  }
0x45b: {  	[tilespmem:v6+s5+$0x0] =	vst.idx.msk $0xffff, v4  }
0x45c: {  	v4 =	vld.idx.msk [tilespmem:v5+s5+$0x0], $0xffff;
	_ =	sdelay $0x3  }
0x45d: {  	v6 =	vor.u32 $0xC, v2;
	_ =	sdelay $0x1  }
0x45e: {  	v4 =	vmul.f32 v4, v3;
	_ =	sdelay $0x1  }
0x45f: {  	[tilespmem:v5+s5+$0x0] =	vst.idx.msk $0xffff, v4  }
0x460: {  	v4 =	vld.idx.msk [tilespmem:v6+s5+$0x0], $0xffff;
	_ =	sdelay $0x3  }
0x461: {  	v5 =	vor.u32 $0xD, v2;
	_ =	sdelay $0x1  }
0x462: {  	v4 =	vmul.f32 v4, v3;
	_ =	sdelay $0x1  }
0x463: {  	[tilespmem:v6+s5+$0x0] =	vst.idx.msk $0xffff, v4  }
0x464: {  	v4 =	vld.idx.msk [tilespmem:v5+s5+$0x0], $0xffff;
	_ =	sdelay $0x3  }
0x465: {  	v6 =	vor.u32 $0xE, v2;
	_ =	sdelay $0x1  }
0x466: {  	v4 =	vmul.f32 v4, v3;
	_ =	sdelay $0x1  }
0x467: {  	[tilespmem:v5+s5+$0x0] =	vst.idx.msk $0xffff, v4  }
0x468: {  	v4 =	vld.idx.msk [tilespmem:v6+s5+$0x0], $0xffff;
	_ =	sdelay $0x3  }
0x469: {  	v5 =	vor.u32 $0xF, v2;
	_ =	sdelay $0x1  }
0x46a: {  	v4 =	vmul.f32 v4, v3;
	_ =	sdelay $0x1  }
0x46b: {  	[tilespmem:v6+s5+$0x0] =	vst.idx.msk $0xffff, v4  }
0x46c: {  	v4 =	vld.idx.msk [tilespmem:v5+s5+$0x0], $0xffff;
	_ =	sdelay $0x3  }
0x46d: {  	v6 =	vor.u32 $0x10, v2;
	_ =	sdelay $0x1  }
0x46e: {  	v4 =	vmul.f32 v4, v3;
	_ =	sdelay $0x1  }
0x46f: {  	[tilespmem:v5+s5+$0x0] =	vst.idx.msk $0xffff, v4  }
0x470: {  	v4 =	vld.idx.msk [tilespmem:v6+s5+$0x0], $0xffff;
	_ =	sdelay $0x3  }
0x471: {  	v5 =	vor.u32 $0x11, v2;
	_ =	sdelay $0x1  }
0x472: {  	v4 =	vmul.f32 v4, v3;
	_ =	sdelay $0x1  }
0x473: {  	[tilespmem:v6+s5+$0x0] =	vst.idx.msk $0xffff, v4  }
0x474: {  	v4 =	vld.idx.msk [tilespmem:v5+s5+$0x0], $0xffff;
	_ =	sdelay $0x3  }
0x475: {  	v6 =	vor.u32 $0x12, v2;
	_ =	sdelay $0x1  }
0x476: {  	v4 =	vmul.f32 v4, v3;
	_ =	sdelay $0x1  }
0x477: {  	[tilespmem:v5+s5+$0x0] =	vst.idx.msk $0xffff, v4  }
0x478: {  	v4 =	vld.idx.msk [tilespmem:v6+s5+$0x0], $0xffff;
	_ =	sdelay $0x3  }
0x479: {  	v5 =	vor.u32 $0x13, v2;
	_ =	sdelay $0x1  }
0x47a: {  	v4 =	vmul.f32 v4, v3;
	_ =	sdelay $0x1  }
0x47b: {  	[tilespmem:v6+s5+$0x0] =	vst.idx.msk $0xffff, v4  }
0x47c: {  	v4 =	vld.idx.msk [tilespmem:v5+s5+$0x0], $0xffff;
	_ =	sdelay $0x3  }
0x47d: {  	v6 =	vor.u32 $0x14, v2;
	_ =	sdelay $0x1  }
0x47e: {  	v4 =	vmul.f32 v4, v3;
	_ =	sdelay $0x1  }
0x47f: {  	[tilespmem:v5+s5+$0x0] =	vst.idx.msk $0xffff, v4  }
0x480: {  	v4 =	vld.idx.msk [tilespmem:v6+s5+$0x0], $0xffff;
	_ =	sdelay $0x3  }
0x481: {  	v5 =	vor.u32 $0x15, v2;
	_ =	sdelay $0x1  }
0x482: {  	v4 =	vmul.f32 v4, v3;
	_ =	sdelay $0x1  }
0x483: {  	[tilespmem:v6+s5+$0x0] =	vst.idx.msk $0xffff, v4  }
0x484: {  	v4 =	vld.idx.msk [tilespmem:v5+s5+$0x0], $0xffff;
	_ =	sdelay $0x3  }
0x485: {  	v6 =	vor.u32 $0x16, v2;
	_ =	sdelay $0x1  }
0x486: {  	v4 =	vmul.f32 v4, v3;
	_ =	sdelay $0x1  }
0x487: {  	[tilespmem:v5+s5+$0x0] =	vst.idx.msk $0xffff, v4  }
0x488: {  	v4 =	vld.idx.msk [tilespmem:v6+s5+$0x0], $0xffff;
	_ =	sdelay $0x3  }
0x489: {  	v5 =	vor.u32 $0x17, v2;
	_ =	sdelay $0x1  }
0x48a: {  	v4 =	vmul.f32 v4, v3;
	_ =	sdelay $0x1  }
0x48b: {  	[tilespmem:v6+s5+$0x0] =	vst.idx.msk $0xffff, v4  }
0x48c: {  	v4 =	vld.idx.msk [tilespmem:v5+s5+$0x0], $0xffff;
	_ =	sdelay $0x3  }
0x48d: {  	v6 =	vor.u32 $0x18, v2;
	_ =	sdelay $0x1  }
0x48e: {  	v4 =	vmul.f32 v4, v3;
	_ =	sdelay $0x1  }
0x48f: {  	[tilespmem:v5+s5+$0x0] =	vst.idx.msk $0xffff, v4  }
0x490: {  	v4 =	vld.idx.msk [tilespmem:v6+s5+$0x0], $0xffff;
	_ =	sdelay $0x3  }
0x491: {  	v5 =	vor.u32 $0x19, v2;
	_ =	sdelay $0x1  }
0x492: {  	v4 =	vmul.f32 v4, v3;
	_ =	sdelay $0x1  }
0x493: {  	[tilespmem:v6+s5+$0x0] =	vst.idx.msk $0xffff, v4  }
0x494: {  	v4 =	vld.idx.msk [tilespmem:v5+s5+$0x0], $0xffff;
	_ =	sdelay $0x3  }
0x495: {  	v6 =	vor.u32 $0x1A, v2;
	_ =	sdelay $0x1  }
0x496: {  	v4 =	vmul.f32 v4, v3;
	_ =	sdelay $0x1  }
0x497: {  	[tilespmem:v5+s5+$0x0] =	vst.idx.msk $0xffff, v4  }
0x498: {  	v4 =	vld.idx.msk [tilespmem:v6+s5+$0x0], $0xffff;
	_ =	sdelay $0x3  }
0x499: {  	v5 =	vor.u32 $0x1B, v2;
	_ =	sdelay $0x1  }
0x49a: {  	v4 =	vmul.f32 v4, v3;
	_ =	sdelay $0x1  }
0x49b: {  	[tilespmem:v6+s5+$0x0] =	vst.idx.msk $0xffff, v4  }
0x49c: {  	v4 =	vld.idx.msk [tilespmem:v5+s5+$0x0], $0xffff;
	_ =	sdelay $0x3  }
0x49d: {  	v6 =	vor.u32 $0x1C, v2;
	_ =	sdelay $0x1  }
0x49e: {  	v4 =	vmul.f32 v4, v3;
	_ =	sdelay $0x1  }
0x49f: {  	[tilespmem:v5+s5+$0x0] =	vst.idx.msk $0xffff, v4  }
0x4a0: {  	v4 =	vld.idx.msk [tilespmem:v6+s5+$0x0], $0xffff;
	_ =	sdelay $0x3  }
0x4a1: {  	v5 =	vor.u32 $0x1D, v2;
	_ =	sdelay $0x1  }
0x4a2: {  	v4 =	vmul.f32 v4, v3;
	_ =	sdelay $0x1  }
0x4a3: {  	[tilespmem:v6+s5+$0x0] =	vst.idx.msk $0xffff, v4  }
0x4a4: {  	v4 =	vld.idx.msk [tilespmem:v5+s5+$0x0], $0xffff;
	_ =	sdelay $0x3  }
0x4a5: {  	v6 =	vor.u32 $0x1E, v2;
	_ =	sdelay $0x1  }
0x4a6: {  	v4 =	vmul.f32 v4, v3;
	_ =	sdelay $0x1  }
0x4a7: {  	[tilespmem:v5+s5+$0x0] =	vst.idx.msk $0xffff, v4  }
0x4a8: {  	v5 =	vld.idx.msk [tilespmem:v6+s5+$0x0], $0xffff;
	_ =	sdelay $0x3  }
0x4a9: {  	v4 =	vor.u32 $0x1F, v2;
	_ =	sdelay $0x1  }
0x4aa: {  	v2 =	vmul.f32 v5, v3;
	_ =	sdelay $0x1  }
0x4ab: {  	[tilespmem:v6+s5+$0x0] =	vst.idx.msk $0xffff, v2  }
0x4ac: {  	v5 =	vld.idx.msk [tilespmem:v4+s5+$0x0], $0xffff;
	_ =	sdelay $0x1  }
.Ltmp4:
0x4ad: {  	v2 =	vmov s2;
	(pc) =	sbr.rel @p0 .LBB2_10-.Ltmp4, $3  }
0x4ae: {  	v2 =	vshll.u32 v2, $0x5  }
0x4af: {  	v2 =	vor.u32 v1, v2;
	_ =	sdelay $0x1  }
0x4b0: {  	v3 =	vmul.f32 v5, v3  }
0x4b1: {  	_ =	sdelay $0x3  }
0x4b2: {  	[tilespmem:v4+s5+$0x0] =	vst.idx.msk $0xffff, v3  }
0x4b3: {  	s0 =	sadd.s32 $0x10, s0;
	v3 =	vld.idx.msk [tilespmem:v2+s5+$0x0], $0xffff  }
0x4b4: {  	v4 =	vld [tilespmem:s0+$0x0];
	_ =	sdelay $0x2  }
0x4b5: {  	v5 =	vor.u32 $0x1, v2;
	_ =	sdelay $0x1  }
0x4b6: {  	v3 =	vmul.f32 v3, v4;
	_ =	sdelay $0x1  }
0x4b7: {  	[tilespmem:v2+s5+$0x0] =	vst.idx.msk $0xffff, v3  }
0x4b8: {  	v3 =	vld.idx.msk [tilespmem:v5+s5+$0x0], $0xffff;
	_ =	sdelay $0x2  }
0x4b9: {  	v6 =	vor.u32 $0x2, v2;
	_ =	sdelay $0x1  }
0x4ba: {  	v3 =	vmul.f32 v3, v4;
	_ =	sdelay $0x1  }
0x4bb: {  	[tilespmem:v5+s5+$0x0] =	vst.idx.msk $0xffff, v3  }
0x4bc: {  	v3 =	vld.idx.msk [tilespmem:v6+s5+$0x0], $0xffff;
	_ =	sdelay $0x2  }
0x4bd: {  	v36 =	vor.u32 $0x3, v2;
	_ =	sdelay $0x1  }
0x4be: {  	v3 =	vmul.f32 v3, v4;
	_ =	sdelay $0x1  }
0x4bf: {  	[tilespmem:v6+s5+$0x0] =	vst.idx.msk $0xffff, v3  }
0x4c0: {  	v3 =	vld.idx.msk [tilespmem:v36+s5+$0x0], $0xffff;
	_ =	sdelay $0x2  }
0x4c1: {  	v37 =	vor.u32 $0x4, v2;
	_ =	sdelay $0x1  }
0x4c2: {  	v3 =	vmul.f32 v3, v4;
	_ =	sdelay $0x1  }
0x4c3: {  	[tilespmem:v36+s5+$0x0] =	vst.idx.msk $0xffff, v3  }
0x4c4: {  	v3 =	vld.idx.msk [tilespmem:v37+s5+$0x0], $0xffff;
	_ =	sdelay $0x2  }
0x4c5: {  	v38 =	vor.u32 $0x5, v2;
	_ =	sdelay $0x1  }
0x4c6: {  	v3 =	vmul.f32 v3, v4;
	_ =	sdelay $0x1  }
0x4c7: {  	[tilespmem:v37+s5+$0x0] =	vst.idx.msk $0xffff, v3  }
0x4c8: {  	v3 =	vld.idx.msk [tilespmem:v38+s5+$0x0], $0xffff;
	_ =	sdelay $0x2  }
0x4c9: {  	v39 =	vor.u32 $0x6, v2;
	_ =	sdelay $0x1  }
0x4ca: {  	v3 =	vmul.f32 v3, v4;
	_ =	sdelay $0x1  }
0x4cb: {  	[tilespmem:v38+s5+$0x0] =	vst.idx.msk $0xffff, v3  }
0x4cc: {  	v3 =	vld.idx.msk [tilespmem:v39+s5+$0x0], $0xffff;
	_ =	sdelay $0x2  }
0x4cd: {  	v40 =	vor.u32 $0x7, v2;
	_ =	sdelay $0x1  }
0x4ce: {  	v3 =	vmul.f32 v3, v4;
	_ =	sdelay $0x1  }
0x4cf: {  	[tilespmem:v39+s5+$0x0] =	vst.idx.msk $0xffff, v3  }
0x4d0: {  	v3 =	vld.idx.msk [tilespmem:v40+s5+$0x0], $0xffff;
	_ =	sdelay $0x2  }
0x4d1: {  	v41 =	vor.u32 $0x8, v2;
	_ =	sdelay $0x1  }
0x4d2: {  	v3 =	vmul.f32 v3, v4;
	_ =	sdelay $0x1  }
0x4d3: {  	[tilespmem:v40+s5+$0x0] =	vst.idx.msk $0xffff, v3  }
0x4d4: {  	v3 =	vld.idx.msk [tilespmem:v41+s5+$0x0], $0xffff;
	_ =	sdelay $0x2  }
0x4d5: {  	v42 =	vor.u32 $0x9, v2;
	_ =	sdelay $0x1  }
0x4d6: {  	v3 =	vmul.f32 v3, v4;
	_ =	sdelay $0x1  }
0x4d7: {  	[tilespmem:v41+s5+$0x0] =	vst.idx.msk $0xffff, v3  }
0x4d8: {  	v3 =	vld.idx.msk [tilespmem:v42+s5+$0x0], $0xffff;
	_ =	sdelay $0x2  }
0x4d9: {  	v43 =	vor.u32 $0xA, v2;
	_ =	sdelay $0x1  }
0x4da: {  	v3 =	vmul.f32 v3, v4;
	_ =	sdelay $0x1  }
0x4db: {  	[tilespmem:v42+s5+$0x0] =	vst.idx.msk $0xffff, v3  }
0x4dc: {  	v3 =	vld.idx.msk [tilespmem:v43+s5+$0x0], $0xffff;
	_ =	sdelay $0x2  }
0x4dd: {  	v44 =	vor.u32 $0xB, v2;
	_ =	sdelay $0x1  }
0x4de: {  	v3 =	vmul.f32 v3, v4;
	_ =	sdelay $0x1  }
0x4df: {  	[tilespmem:v43+s5+$0x0] =	vst.idx.msk $0xffff, v3  }
0x4e0: {  	v3 =	vld.idx.msk [tilespmem:v44+s5+$0x0], $0xffff;
	_ =	sdelay $0x2  }
0x4e1: {  	v45 =	vor.u32 $0xC, v2;
	_ =	sdelay $0x1  }
0x4e2: {  	v3 =	vmul.f32 v3, v4;
	_ =	sdelay $0x1  }
0x4e3: {  	[tilespmem:v44+s5+$0x0] =	vst.idx.msk $0xffff, v3  }
0x4e4: {  	v3 =	vld.idx.msk [tilespmem:v45+s5+$0x0], $0xffff;
	_ =	sdelay $0x2  }
0x4e5: {  	v46 =	vor.u32 $0xD, v2;
	_ =	sdelay $0x1  }
0x4e6: {  	v3 =	vmul.f32 v3, v4;
	_ =	sdelay $0x1  }
0x4e7: {  	[tilespmem:v45+s5+$0x0] =	vst.idx.msk $0xffff, v3  }
0x4e8: {  	v3 =	vld.idx.msk [tilespmem:v46+s5+$0x0], $0xffff;
	_ =	sdelay $0x2  }
0x4e9: {  	v47 =	vor.u32 $0xE, v2;
	_ =	sdelay $0x1  }
0x4ea: {  	v3 =	vmul.f32 v3, v4;
	_ =	sdelay $0x1  }
0x4eb: {  	[tilespmem:v46+s5+$0x0] =	vst.idx.msk $0xffff, v3  }
0x4ec: {  	v3 =	vld.idx.msk [tilespmem:v47+s5+$0x0], $0xffff;
	_ =	sdelay $0x2  }
0x4ed: {  	v48 =	vor.u32 $0xF, v2;
	_ =	sdelay $0x1  }
0x4ee: {  	v3 =	vmul.f32 v3, v4;
	_ =	sdelay $0x1  }
0x4ef: {  	[tilespmem:v47+s5+$0x0] =	vst.idx.msk $0xffff, v3  }
0x4f0: {  	v3 =	vld.idx.msk [tilespmem:v48+s5+$0x0], $0xffff;
	_ =	sdelay $0x2  }
0x4f1: {  	v49 =	vor.u32 $0x10, v2;
	_ =	sdelay $0x1  }
0x4f2: {  	v3 =	vmul.f32 v3, v4;
	_ =	sdelay $0x1  }
0x4f3: {  	[tilespmem:v48+s5+$0x0] =	vst.idx.msk $0xffff, v3  }
0x4f4: {  	v3 =	vld.idx.msk [tilespmem:v49+s5+$0x0], $0xffff;
	_ =	sdelay $0x2  }
0x4f5: {  	v50 =	vor.u32 $0x11, v2;
	_ =	sdelay $0x1  }
0x4f6: {  	v3 =	vmul.f32 v3, v4;
	_ =	sdelay $0x1  }
0x4f7: {  	[tilespmem:v49+s5+$0x0] =	vst.idx.msk $0xffff, v3  }
0x4f8: {  	v3 =	vld.idx.msk [tilespmem:v50+s5+$0x0], $0xffff;
	_ =	sdelay $0x2  }
0x4f9: {  	v51 =	vor.u32 $0x12, v2;
	_ =	sdelay $0x1  }
0x4fa: {  	v3 =	vmul.f32 v3, v4;
	_ =	sdelay $0x1  }
0x4fb: {  	[tilespmem:v50+s5+$0x0] =	vst.idx.msk $0xffff, v3  }
0x4fc: {  	v3 =	vld.idx.msk [tilespmem:v51+s5+$0x0], $0xffff;
	_ =	sdelay $0x2  }
0x4fd: {  	v52 =	vor.u32 $0x13, v2;
	_ =	sdelay $0x1  }
0x4fe: {  	v3 =	vmul.f32 v3, v4;
	_ =	sdelay $0x1  }
0x4ff: {  	[tilespmem:v51+s5+$0x0] =	vst.idx.msk $0xffff, v3  }
0x500: {  	v3 =	vld.idx.msk [tilespmem:v52+s5+$0x0], $0xffff;
	_ =	sdelay $0x2  }
0x501: {  	v53 =	vor.u32 $0x14, v2;
	_ =	sdelay $0x1  }
0x502: {  	v3 =	vmul.f32 v3, v4;
	_ =	sdelay $0x1  }
0x503: {  	[tilespmem:v52+s5+$0x0] =	vst.idx.msk $0xffff, v3  }
0x504: {  	v3 =	vld.idx.msk [tilespmem:v53+s5+$0x0], $0xffff;
	_ =	sdelay $0x2  }
0x505: {  	v54 =	vor.u32 $0x15, v2;
	_ =	sdelay $0x1  }
0x506: {  	v3 =	vmul.f32 v3, v4;
	_ =	sdelay $0x1  }
0x507: {  	[tilespmem:v53+s5+$0x0] =	vst.idx.msk $0xffff, v3  }
0x508: {  	v3 =	vld.idx.msk [tilespmem:v54+s5+$0x0], $0xffff;
	_ =	sdelay $0x2  }
0x509: {  	v55 =	vor.u32 $0x16, v2;
	_ =	sdelay $0x1  }
0x50a: {  	v3 =	vmul.f32 v3, v4;
	_ =	sdelay $0x1  }
0x50b: {  	[tilespmem:v54+s5+$0x0] =	vst.idx.msk $0xffff, v3  }
0x50c: {  	v3 =	vld.idx.msk [tilespmem:v55+s5+$0x0], $0xffff;
	_ =	sdelay $0x2  }
0x50d: {  	v56 =	vor.u32 $0x17, v2;
	_ =	sdelay $0x1  }
0x50e: {  	v3 =	vmul.f32 v3, v4;
	_ =	sdelay $0x1  }
0x50f: {  	[tilespmem:v55+s5+$0x0] =	vst.idx.msk $0xffff, v3  }
0x510: {  	v3 =	vld.idx.msk [tilespmem:v56+s5+$0x0], $0xffff;
	_ =	sdelay $0x2  }
0x511: {  	v57 =	vor.u32 $0x18, v2;
	_ =	sdelay $0x1  }
0x512: {  	v3 =	vmul.f32 v3, v4;
	_ =	sdelay $0x1  }
0x513: {  	[tilespmem:v56+s5+$0x0] =	vst.idx.msk $0xffff, v3  }
0x514: {  	v3 =	vld.idx.msk [tilespmem:v57+s5+$0x0], $0xffff;
	_ =	sdelay $0x2  }
0x515: {  	v58 =	vor.u32 $0x19, v2;
	_ =	sdelay $0x1  }
0x516: {  	v3 =	vmul.f32 v3, v4;
	_ =	sdelay $0x1  }
0x517: {  	[tilespmem:v57+s5+$0x0] =	vst.idx.msk $0xffff, v3  }
0x518: {  	v3 =	vld.idx.msk [tilespmem:v58+s5+$0x0], $0xffff;
	_ =	sdelay $0x2  }
0x519: {  	v59 =	vor.u32 $0x1A, v2;
	_ =	sdelay $0x1  }
0x51a: {  	v3 =	vmul.f32 v3, v4;
	_ =	sdelay $0x1  }
0x51b: {  	[tilespmem:v58+s5+$0x0] =	vst.idx.msk $0xffff, v3  }
0x51c: {  	v3 =	vld.idx.msk [tilespmem:v59+s5+$0x0], $0xffff;
	_ =	sdelay $0x2  }
0x51d: {  	v60 =	vor.u32 $0x1B, v2;
	_ =	sdelay $0x1  }
0x51e: {  	v3 =	vmul.f32 v3, v4;
	_ =	sdelay $0x1  }
0x51f: {  	[tilespmem:v59+s5+$0x0] =	vst.idx.msk $0xffff, v3  }
0x520: {  	v3 =	vld.idx.msk [tilespmem:v60+s5+$0x0], $0xffff;
	_ =	sdelay $0x2  }
0x521: {  	v61 =	vor.u32 $0x1C, v2;
	_ =	sdelay $0x1  }
0x522: {  	v3 =	vmul.f32 v3, v4;
	_ =	sdelay $0x1  }
0x523: {  	[tilespmem:v60+s5+$0x0] =	vst.idx.msk $0xffff, v3  }
0x524: {  	v3 =	vld.idx.msk [tilespmem:v61+s5+$0x0], $0xffff;
	_ =	sdelay $0x2  }
0x525: {  	v62 =	vor.u32 $0x1D, v2;
	_ =	sdelay $0x1  }
0x526: {  	v3 =	vmul.f32 v3, v4;
	_ =	sdelay $0x1  }
0x527: {  	[tilespmem:v61+s5+$0x0] =	vst.idx.msk $0xffff, v3  }
0x528: {  	v3 =	vld.idx.msk [tilespmem:v62+s5+$0x0], $0xffff;
	_ =	sdelay $0x2  }
0x529: {  	v63 =	vor.u32 $0x1E, v2;
	_ =	sdelay $0x1  }
0x52a: {  	v3 =	vmul.f32 v3, v4;
	_ =	sdelay $0x1  }
0x52b: {  	[tilespmem:v62+s5+$0x0] =	vst.idx.msk $0xffff, v3  }
0x52c: {  	v3 =	vld.idx.msk [tilespmem:v63+s5+$0x0], $0xffff;
	_ =	sdelay $0x2  }
0x52d: {  	v2 =	vor.u32 $0x1F, v2;
	_ =	sdelay $0x1  }
0x52e: {  	v3 =	vmul.f32 v3, v4;
	_ =	sdelay $0x1  }
0x52f: {  	[tilespmem:v63+s5+$0x0] =	vst.idx.msk $0xffff, v3  }
0x530: {  	v3 =	vld.idx.msk [tilespmem:v2+s5+$0x0], $0xffff;
	_ =	sdelay $0x4  }
0x531: {  	v3 =	vmul.f32 v3, v4;
	_ =	sdelay $0x1  }
0x532: {  	s8 =	rddreg [dreg:$0x15];
	[tilespmem:v2+s5+$0x0] =	vst.idx.msk $0xffff, v3  }
0x533: {  	[hbm4b:s8+s5] =	stream.linear.scatter [tilespmem:s5], [sflag:$0x3], $0x3200, $0x38;
	[tilespmem:$0x1F460] =	vst v63  }
0x534: {  	_ = 	snop  }
0x535: {  	[spmem:s22] =	stream.indirect.scatter.add.f32 [tilespmem:s5], [sflag:$0xB], $0x20, s29, s31, $0xb8;
	[tilespmem:$0x1F460] =	vst v63  }
0x536: {  	_ =	swait.ge [sflag:s15], $0x3200  }
0x537: {  	[sflag:s15] =	ssyncset.done $0x0  }
0x538: {  	s24 =	simm.s32 $0x4;
	[sflag:s15] =	ssyncadd.s32 $0xFFFFCE00  }
0x539: {  	_ =	swait.ge [sflag:s24], $0x3200  }
0x53a: {  	[sflag:s24] =	ssyncset.done $0x0  }
0x53b: {  	[sflag:s24] =	ssyncadd.s32 $0xFFFFCE00  }
0x53c: {  	_ =	swait.ge [sflag:s17], $0x3200  }
0x53d: {  	[sflag:s17] =	ssyncset.done $0x0  }
0x53e: {  	s26 =	simm.s32 $0xC;
	[sflag:s17] =	ssyncadd.s32 $0xFFFFCE00  }
0x53f: {  	_ =	swait.ge [sflag:s26], $0x3200  }
0x540: {  	[sflag:s26] =	ssyncset.done $0x0  }
0x541: {  	s1 =	stileid.u32;
	[sflag:s26] =	ssyncadd.s32 $0xFFFFCE00  }
0x542: {  	s0 =	sshll.u32 s1, $0x6;
	[bflag:$0x0] =	sbarrier.arrive $0xFFFF  }
0x543: {  	s0 =	sor.u32 $0x1C0D, s0;
	s24 =	rddreg [dreg:$0x6]  }
0x544: {  	s8 =	simm.s32 $0xD;
	s2 =	rddreg [dreg:$0x11];
	s1 =	sshrl.u32 s24, $0x3  }
0x545: {  	[hbm:s2], [sflag:s0] =	dma.local [spmem:s1], $0x30E0  }
0x546: {  	_ =	swait.ge [sflag:s8], $0x30E0  }
0x547: {  	s2 =	rddreg [dreg:$0x16]  }
0x548: {  	s26 =	rddreg [dreg:$0x13];
	s1 =	sadd.s32 $0x1, s2  }
0x549: {  	p0 =	sne.s32 s1, s26  }
.Ltmp5:
0x54a: {  	_ = 	snop;
	(pc) =	sbr.rel @p0 .LBB2_1-.Ltmp5, $3  }
0x54b: {  	_ =	sdelay $0x1  }
0x54c: {  	[sflag:s8] =	ssyncset.done $0x0  }
0x54d: {  	[sflag:s8] =	ssyncadd.s32 $0xFFFFCF20  }
0x54e: {  	_ =	sfence.sel $0x180000  }
0x54f: {  	[bflag:$0x0] =	sbarrier.arrive $0xFFFF  }
0x550: {  	_ =	strace $0x9000004A  }
0x551: {  	s0 =	stileid.u32;
	[bflag:$0x2] =	sbarrier.arrive $0xFFFF  }
0x552: {  	p0 =	sne.s32 s0, $0x0;
	s0 =	rddreg [dreg:$0x5]  }
0x553: {  	s0 =	sadd.s32 @!p0 $0x100000, s0  }
0x554: {  	[sflag:s0] =	ssyncadd.tile.s32 @!p0 $0x1;
	_ =	shalt  }
.Lfunc_end2:
_tile_overlayer_lowered:
.L_overlay_start_2:
0x555: {  	(tag) =	ssettag $0x2  }
0x556: {  	s0 =	rddreg [dreg:$0x0];
	s2 =	stileid.u32  }
0x557: {  	s1 =	rddreg [dreg:$0x1];
	p0 =	sne.s32 s2, $0x0  }
0x558: {  	s3 =	rddreg [dreg:$0x2];
	[bflag:$0x3] =	sbarrier.arrive $0xFFFF;
	s2 =	simm.s32 @!p0 $0x1C0D  }
0x559: {  	[timem:s3], [sflag:s2] =	dma.local @!p0 [hbm:s0], s1  }
0x55a: {  	s0 =	simm.s32 @!p0 $0xD  }
0x55b: {  	_ =	swait.ge @!p0 [sflag:s0], s1  }
0x55c: {  	s1 =	ssub.s32 @!p0 $0x0, s1;
	[sflag:s0] =	ssyncset.done @!p0 $0x0  }
0x55d: {  	[sflag:s0] =	ssyncadd.s32 @!p0 s1  }
0x55e: {  	[bflag:$0x3] =	sbarrier.arrive $0xFFFF  }
0x55f: {  	_ =	shalt  }

// kernel: sparse-core-data-format-call.cloned.1.call-start
scs
called_computation_lowered:
.L_overlay_start_0:
0x0: {  	s1 =	sld [smem:$0x3FD9]  }
0x1: {  	s2 =	sld [smem:$0x3FFE];
	_ =	sdelay $0x1  }
0x2: {  	s3 =	srdreg.scid  }
0x3: {  	s0 =	sand.u32 $0x1, s3  }
0x4: {  	s17 =	sshll.u32 s0, $0xA;
	s1 =	sadd.s32 s2, s1  }
0x5: {  	s1 =	sadd.s32 s1, s17  }
0x6: {  	[smem:$0x3FC5] =	sst s1  }
0x7: {  	_ = 	snop  }
0x8: {  	(tm) =	ssettm $0x1  }
0x9: {  	s18 =	sld [smem:$0x3FFB];
	_ =	sdelay $0x3  }
0xa: {  	_ =	strace s18  }
0xb: {  	s1 =	sld [smem:$0x3FFC];
	_ =	sdelay $0x3  }
0xc: {  	_ =	strace s1  }
0xd: {  	s1 =	sld [smem:$0x3FFD];
	_ =	sdelay $0x3  }
0xe: {  	_ =	strace s1  }
0xf: {  	_ =	strace $0x8FFFFFFF  }
0x10: {  	s19 =	sld [smem:$0x3FDB];
	_ =	sdelay $0x1  }
0x11: {  	s20 =	simm.s32 $_scs_section_size  }
0x12: {  	s4 =	simm.s32 $_size__tile_overlayer_lowered;
	s5 =	simm.s32 $_tile_overlayer_lowered  }
0x13: {  	s23 =	simm.s32 $0x1BFF;
	s22 =	sshll.u32 s5, $0x1;
	s1 =	sadd.s32 s20, s19  }
0x14: {  	s6 =	simm.s32 $0x0;
	s21 =	sshll.u32 s4, $0x1;
	s4 =	sadd.s32 s22, s1  }
0x15: {  	[timem:s6], [sflag:s23] =	dma.local [hbm:s4], s21  }
0x16: {  	_ =	swait.ge [sflag:s23], s21  }
0x17: {  	s2 =	ssub.s32 $0x0, s21;
	[sflag:s23] =	ssyncset.done $0x0  }
0x18: {  	[sflag:s23] =	ssyncadd.s32 s2;
	_ =	sdelay $0x1  }
0x19: {  	s24 =	simm.s32 $0x1B8B  }
0x1a: {  	_ =	swait.ge [sflag:s24], $0x1  }
0x1b: {  	[sflag:s24] =	ssyncset.done $0x0  }
0x1c: {  	s26 =	simm.s32 $0x1B8E;
	s25 =	sld [smem:$0x3FFE];
	[sflag:s24] =	ssyncadd.s32 $0xFFFFFFFF  }
0x1d: {  	s27 =	simm.s32 $execute0_lowered;
	[smem:$0x3FD2] =	sst s26  }
0x1e: {  	s4 =	sshll.u32 s27, $0x1;
	_ =	strace $0x80000046;
	[dreg:$0x1] =	wrdreg $0xFFFFFFFF  }
0x1f: {  	s28 =	simm.s32 $_size_execute0_lowered;
	s1 =	sadd.s32 s1, s4;
	[dreg:$0x0] =	wrdreg $0x0  }
0x20: {  	s4 =	sshll.u32 s28, $0x1;
	[dreg:$0x2] =	wrdreg s1  }
0x21: {  	[dreg:$0x3] =	wrdreg s4  }
0x22: {  	[dreg:$0x4] =	wrdreg $0xC0  }
0x23: {  	_ =	task [dreg:s6], $0x5FFFF  }
0x24: {  	[dreg:$0x1] =	wrdreg $0xFFFFFFFF  }
0x25: {  	[dreg:$0x0] =	wrdreg $0x60  }
0x26: {  	[dreg:$0x2] =	wrdreg s25  }
0x27: {  	[dreg:$0x3] =	wrdreg $0x9  }
0x28: {  	_ =	task.clear_ibuf [dreg:s6], $0x4FFFF;
	_ =	strace $0x90000046  }
0x29: {  	s29 =	simm.s32 $0x9;
	_ =	strace $0x80000048  }
0x2a: {  	_ =	swait.ge [sflag:s29], $0x1  }
0x2b: {  	[sflag:s29] =	ssyncadd.s32 $0xFFFFFFFF  }
0x2c: {  	_ =	strace $0x90000048  }
0x2d: {  	_ =	sfence  }
0x2e: {  	s30 =	sld [smem:$0x0];
	_ =	sdelay $0x2  }
0x2f: {  	s31 =	sshll.u32 s3, $0xD;
	s3 =	sshrl.u32 s3, $0x2  }
0x30: {  	s2 =	sand.u32 $0x4000, s31;
	s1 =	sadd.s32 s3, s30  }
0x31: {  	s0 =	sor.u32 s2, s0;
	s1 =	sshll.u32 s1, $0x11  }
0x32: {  	s0 =	sor.u32 s1, s0  }
0x33: {  	s0 =	sadd.s32 $0x8F2B, s0  }
0x34: {  	[sflag:s0] =	ssyncadd.remote.s32 $0x1  }
0x35: {  	_ =	sfence.sel $0xFFFF  }
0x36: {  	[dreg:$0x0] =	wrdreg $0xFFFFFFFF;
	(pc) =	sbr.abs _section_cstart, $3  }
0x37: {  	[dreg:$0x1] =	wrdreg $0xFFFFFFFF  }
0x38: {  	_ =	task.clear_ibuf [dreg:s6], $0x2FFFF;
	_ =	strace $0x9FFFFFFF  }
0x39: {  	(tm) =	ssettm $0x7FFFFFFF  }
tec
execute0_lowered:
.L_overlay_start_1:
0x0: {  	(tag) =	ssettag $0x1  }
0x1: {  	s0 =	srdreg.scid;
	s7 =	rddreg [dreg:$0x0];
	s4 =	simm.s32 $0x1  }
0x2: {  	s8 =	simm.s32 $0x2;
	s16 =	simm.s32 $0x0;
	s1 =	sshll.u32 s0, $0x4  }
0x3: {  	s15 =	simm.s32 $0x0;
	s0 =	stileid.u32;
	s1 =	sand.u32 $0x10, s1  }
0x4: {  	s14 =	simm.s32 $0x0;
	s11 =	simm.s32 $0x0;
	s2 =	sor.u32 s0, s1  }
0x5: {  	s12 =	simm.s32 $0x0;
	s13 =	simm.s32 $0x0;
	s2 =	sshll.u32 s2, $0x8  }
0x6: {  	s3 =	sadd.s32 $0x400, s7;
	s1 =	rddreg [dreg:$0x1];
	s5 =	ssub.s32 $0xC3500, s2  }
.Ltmp0:
0x7: {  	_ =	strace $0x80000047;
	s6 =	sand.u32 $0x1F00, s5;
	(pc) =	sbr.rel .LBB1_1-.Ltmp0, $4  }
0x8: {  	[sflag:s4] =	ssyncpa.u1 $0x0;
	p0 =	sne.s32 s6, $0x0;
	s6 =	simm.s32 $0x1  }
0x9: {  	[sflag:s8] =	ssyncpa.u1 $0x0;
	s9 =	sshrl.u32 s5, $0xD;
	s6 =	simm.s32 @!p0 $0x0  }
0xa: {  	s10 =	smov.u32 s2;
	s5 =	sadd.s32 $0x61AC00, s7;
	s6 =	sadd.s32 s6, s9  }
0xb: {  	s7 =	sadd.s32 $0x124FC00, s7;
	s9 =	simm.s32 $0x80;
	s8 =	sadd.s32 $0x1, s6  }
.LBB1_7:
0xc: {  	s17 =	sadd.s32 $0x2000, s10  }
0xd: {  	s14 =	sadd.s32 $0x2, s11;
	s18 =	smov.u32 s11;
	p1 =	sgt.s32 s17, $0xC34FF  }
0xe: {  	s18 =	smov.u32 @p1 s14  }
0xf: {  	s20 =	smov.u32 s12;
	s14 =	sadd.s32 $0x20, s12;
	p2 =	sgt.s32 s18, $0x1  }
0x10: {  	s20 =	smov.u32 @p2 s14  }
0x11: {  	s17 =	smov.u32 @p1 s2;
	p1 =	sgt.s32 s20, $0x1F  }
0x12: {  	p0 =	slt.u32 s13, $0x2;
	s20 =	simm.s32 @p1 $0x0;
	p1 =	sne.s32 s13, s8  }
.Ltmp1:
0x13: {  	s19 =	simm.s32 @!p0 $0x2;
	(pc) =	sbr.rel @!p1 .LBB1_8-.Ltmp1, $4  }
0x14: {  	s16 =	smov.u32 s10;
	_ =	swait.ge @!p0 [sflag:s19], $0x4000  }
0x15: {  	s15 =	smov.u32 s11;
	[sflag:s19] =	ssyncset.done @!p0 $0x0;
	s10 =	smov.u32 s17  }
0x16: {  	s18 =	simm.s32 @p2 $0x0;
	s14 =	smov.u32 s12;
	[sflag:s19] =	ssyncadd.s32 @!p0 $0xFFFFC000  }
0x17: {  	s11 =	smov.u32 s18;
	s13 =	sadd.s32 $0x1, s13;
	s12 =	smov.u32 s20  }
.LBB1_1:
0x18: {  	p0 =	sge.u32 s13, s6  }
0x19: {  	s17 =	sshrl.u32 @!p0 s11, $0x1  }
0x1a: {  	s18 =	sshll.u32 @!p0 s10, $0x1;
	s17 =	smul.u32 @!p0 $0x186A00, s17  }
0x1b: {  	s18 =	sand.u32 @!p0 $0xFFFFFF00, s18  }
0x1c: {  	s17 =	sadd.s32 @!p0 s17, s18  }
0x1d: {  	s19 =	sshrl.u32 @!p0 s17, $0x8  }
0x1e: {  	s31 =	sadd.s32 $0xFFFFFFFF, s13;
	s20 =	sshll.u32 @!p0 s11, $0x7;
	s19 =	smulhi.u32 @!p0 $0x14F8B59, s19  }
0x1f: {  	s21 =	sand.u32 @!p0 $0x7F, s10;
	s20 =	sand.u32 @!p0 $0x80, s20;
	s18 =	sxor.u32 @!p0 $0xFFFFFFFF, s13  }
0x20: {  	s20 =	sor.u32 @!p0 s21, s20;
	s18 =	sshll.u32 @!p0 s18, $0xE;
	s19 =	sshrl.u32 @!p0 s19, $0x4  }
0x21: {  	s17 =	sor.u32 @!p0 s17, s20;
	s21 =	smul.u32 @!p0 $0xC3500, s19;
	s19 =	sand.u32 @!p0 $0x1, s19  }
0x22: {  	s20 =	smul.u32 @!p0 $0x30D40, s12;
	s18 =	sand.u32 @!p0 $0x4000, s18;
	p1 =	seq.s32 @!p0 s19, $0x1  }
0x23: {  	s19 =	simm.s32 @!p0 $0x186A0;
	s17 =	ssub.s32 @!p0 s17, s21;
	p1 =	por !p1, p0  }
0x24: {  	s20 =	sadd.s32 @!p0 s3, s20;
	s19 =	simm.s32 @p1 $0x0;
	s21 =	sand.u32 @!p0 $0x7, s17  }
0x25: {  	s17 =	sshrl.u32 @!p0 s17, $0x3;
	s19 =	sadd.s32 @!p0 s19, s20;
	s20 =	sshll.u32 @!p0 s21, $0x12  }
0x26: {  	s17 =	sadd.s32 @!p0 s17, s19;
	s19 =	sor.u32 @!p0 $0x200, s20;
	s20 =	simm.s32 @!p0 $0x186A00  }
0x27: {  	[tilespmem:s18], [sflag:$0x1] =	stream.strided.gather @!p0 [hbm4b:s17+s19], $0x4000, s20, s19, $0x38;
	[tilespmem:$0x10400] =	vst v63  }
0x28: {  	p0 =	sge.u32 s31, s6  }
.Ltmp2:
0x29: {  	_ = 	snop;
	(pc) =	sbr.rel @p0 .LBB1_7-.Ltmp2, $1  }
0x2a: {  	_ =	sdelay $0x3  }
0x2b: {  	s18 =	sand.u32 $0x1, s13  }
0x2c: {  	s17 =	smul.u32 $0x10800, s18  }
0x2d: {  	_ =	swait.ge [sflag:s4], $0x4000  }
0x2e: {  	s20 =	simm.s32 $0x0;
	[sflag:s4] =	ssyncset.done $0x0;
	s17 =	sshrl.u32 s17, $0x2  }
0x2f: {  	s19 =	sshll.u32 s18, $0xE;
	[sflag:s4] =	ssyncadd.s32 $0xFFFFC000;
	s18 =	sor.u32 $0x8000, s17  }
.LBB1_3:
0x30: {  	s21 =	sshll.u32 s20, $0x9  }
0x31: {  	s21 =	sand.u32 $0x3FFFFE00, s21  }
0x32: {  	s21 =	sadd.s32 s21, s19  }
0x33: {  	v0 =	vmov s21;
	_ =	sdelay $0x1  }
0x34: {  	p0 =	por $0x1, $0x1;
	s21 =	simm.s32 $0x0  }
.LBB1_4:
0x35: {  	s22 =	sshll.u32 s21, $0x7  }
0x36: {  	s22 =	sand.u32 $0x3FFFFF80, s22  }
0x37: {  	s31 =	smul.u32 $0x8400, s21;
	v1 =	vld.idx.msk [tilespmem:v0+s22+$0x0 ss:$0x1], $0xffff  }
0x38: {  	v2 =	vld.idx.msk [tilespmem:v0+s22+$0x10 ss:$0x1], $0xffff  }
0x39: {  	s21 =	sshra.s32 s31, $0x2;
	v3 =	vld.idx.msk [tilespmem:v0+s22+$0x20 ss:$0x1], $0xffff  }
0x3a: {  	v4 =	vld.idx.msk [tilespmem:v0+s22+$0x30 ss:$0x1], $0xffff;
	s21 =	sadd.s32 s21, s18  }
0x3b: {  	v5 =	vld.idx.msk [tilespmem:v0+s22+$0x40 ss:$0x1], $0xffff;
	s21 =	sadd.s32 s20, s21  }
0x3c: {  	[tilespmem:s21+$0x0 ss:$0x21] =	vst.msk $0xffff, v1;
	v1 =	vld.idx.msk [tilespmem:v0+s22+$0x50 ss:$0x1], $0xffff  }
0x3d: {  	v60 =	vld.idx.msk [tilespmem:v0+s22+$0x100 ss:$0x1], $0xffff;
	[tilespmem:s21+$0x210 ss:$0x21] =	vst.msk $0xffff, v2  }
0x3e: {  	v61 =	vld.idx.msk [tilespmem:v0+s22+$0x110 ss:$0x1], $0xffff;
	[tilespmem:s21+$0x420 ss:$0x21] =	vst.msk $0xffff, v3  }
0x3f: {  	v2 =	vld.idx.msk [tilespmem:v0+s22+$0x60 ss:$0x1], $0xffff;
	[tilespmem:s21+$0x630 ss:$0x21] =	vst.msk $0xffff, v4  }
0x40: {  	v3 =	vld.idx.msk [tilespmem:v0+s22+$0x70 ss:$0x1], $0xffff;
	[tilespmem:s21+$0x840 ss:$0x21] =	vst.msk $0xffff, v5  }
0x41: {  	[tilespmem:s21+$0xA50 ss:$0x21] =	vst.msk $0xffff, v1;
	v1 =	vld.idx.msk [tilespmem:v0+s22+$0x120 ss:$0x1], $0xffff  }
0x42: {  	v62 =	vld.idx.msk [tilespmem:v0+s22+$0x150 ss:$0x1], $0xffff;
	[tilespmem:s21+$0x1080 ss:$0x21] =	vst.msk $0xffff, v60  }
0x43: {  	v63 =	vld.idx.msk [tilespmem:v0+s22+$0x160 ss:$0x1], $0xffff;
	[tilespmem:s21+$0x1290 ss:$0x21] =	vst.msk $0xffff, v61  }
0x44: {  	[tilespmem:s21+$0xC60 ss:$0x21] =	vst.msk $0xffff, v2;
	v2 =	vld.idx.msk [tilespmem:v0+s22+$0x130 ss:$0x1], $0xffff  }
0x45: {  	[tilespmem:s21+$0xE70 ss:$0x21] =	vst.msk $0xffff, v3;
	v3 =	vld.idx.msk [tilespmem:v0+s22+$0x140 ss:$0x1], $0xffff  }
0x46: {  	p1 =	por p0, p0;
	[tilespmem:s21+$0x14A0 ss:$0x21] =	vst.msk $0xffff, v1;
	v1 =	vld.idx.msk [tilespmem:v0+s22+$0x170 ss:$0x1], $0xffff  }
.Ltmp3:
0x47: {  	[tilespmem:s21+$0x1AD0 ss:$0x21] =	vst.msk $0xffff, v62;
	(pc) =	sbr.rel @p1 .LBB1_4-.Ltmp3, $4  }
0x48: {  	[tilespmem:s21+$0x1CE0 ss:$0x21] =	vst.msk $0xffff, v63  }
0x49: {  	[tilespmem:s21+$0x16B0 ss:$0x21] =	vst.msk $0xffff, v2  }
0x4a: {  	[tilespmem:s21+$0x18C0 ss:$0x21] =	vst.msk $0xffff, v3  }
0x4b: {  	p0 =	por $0x0, $0x0;
	[tilespmem:s21+$0x1EF0 ss:$0x21] =	vst.msk $0xffff, v1;
	s21 =	simm.s32 $0x1  }
0x4c: {  	s20 =	sadd.s32 $0x1, s20  }
0x4d: {  	p0 =	sne.s32 s20, $0x20  }
.Ltmp4:
0x4e: {  	_ = 	snop;
	(pc) =	sbr.rel @p0 .LBB1_3-.Ltmp4, $1  }
0x4f: {  	_ =	sdelay $0x3  }
0x50: {  	s16 =	sshll.u32 s16, $0x7;
	s19 =	sshll.u32 s14, $0x3  }
0x51: {  	s20 =	sand.u32 $0xFFFFFC00, s16;
	s19 =	sand.u32 $0xFFFFFC00, s19  }
0x52: {  	s16 =	sand.u32 $0x380, s16;
	s19 =	sadd.s32 s19, s20  }
0x53: {  	s16 =	sor.u32 s16, s19  }
0x54: {  	s16 =	sshrl.u32 s16, $0x7  }
0x55: {  	s28 =	smulhi.u32 $0x14F8B59, s16;
	_ =	sdelay $0x1  }
0x56: {  	s19 =	sshrl.u32 s28, $0xC  }
0x57: {  	s19 =	smul.u32 $0xC3500, s19;
	_ =	sdelay $0x1  }
0x58: {  	s15 =	smul.u32 $0xC35000, s15;
	s16 =	ssub.s32 s16, s19  }
0x59: {  	s29 =	sshrl.u32 s14, $0x3;
	s31 =	sand.u32 $0x7, s14;
	s16 =	sshll.u32 s16, $0x4  }
0x5a: {  	s14 =	sshll.u32 s31, $0x12;
	s19 =	sand.u32 $0xF, s29;
	s30 =	sadd.s32 s15, s16  }
.Ltmp5:
0x5b: {  	s15 =	sadd.s32 s15, s7;
	s20 =	sadd.s32 s5, s30;
	(pc) =	sbr.rel .LBB1_7-.Ltmp5, $4  }
0x5c: {  	s14 =	sor.u32 $0x20, s14;
	s15 =	sadd.s32 s19, s15;
	s20 =	sadd.s32 s19, s20  }
0x5d: {  	[hbm4b:s20+s14] =	stream.strided.scatter [tilespmem:s18], [sflag:$0x2], $0x2000, s9, s14, $0x10;
	[tilespmem:$0x10400] =	vst v63  }
0x5e: {  	s17 =	sadd.s32 $0xA100, s17;
	s15 =	sadd.s32 s16, s15  }
0x5f: {  	[hbm4b:s15+s14] =	stream.strided.scatter [tilespmem:s17], [sflag:$0x2], $0x2000, s9, s14, $0x10;
	[tilespmem:$0x10400] =	vst v63  }
.LBB1_8:
0x60: {  	_ =	sfence.sel $0x180000  }
0x61: {  	s2 =	simm.s32 $0x1;
	[bflag:$0x0] =	sbarrier.arrive $0xFFFF  }
0x62: {  	s31 =	simm.s32 $0x2;
	[sflag:s2] =	ssyncpa.u1 $0x1  }
0x63: {  	[sflag:s31] =	ssyncpa.u1 $0x1  }
0x64: {  	p0 =	sne.s32 s0, $0x0;
	_ =	strace $0x90000047  }
0x65: {  	s0 =	sadd.s32 @!p0 $0x100000, s1;
	[bflag:$0x2] =	sbarrier.arrive $0xFFFF  }
0x66: {  	[sflag:s0] =	ssyncadd.tile.s32 @!p0 $0x1;
	_ =	shalt  }
.Lfunc_end1:
_tile_overlayer_lowered:
.L_overlay_start_2:
0x67: {  	(tag) =	ssettag $0x2  }
0x68: {  	s0 =	rddreg [dreg:$0x0];
	s2 =	stileid.u32  }
0x69: {  	s1 =	rddreg [dreg:$0x1];
	p0 =	sne.s32 s2, $0x0  }
0x6a: {  	s3 =	rddreg [dreg:$0x2];
	[bflag:$0x3] =	sbarrier.arrive $0xFFFF;
	s2 =	simm.s32 @!p0 $0x1C01  }
0x6b: {  	[timem:s3], [sflag:s2] =	dma.local @!p0 [hbm:s0], s1  }
0x6c: {  	s0 =	simm.s32 @!p0 $0x1  }
0x6d: {  	_ =	swait.ge @!p0 [sflag:s0], s1  }
0x6e: {  	s1 =	ssub.s32 @!p0 $0x0, s1;
	[sflag:s0] =	ssyncset.done @!p0 $0x0  }
0x6f: {  	[sflag:s0] =	ssyncadd.s32 @!p0 s1  }
0x70: {  	[bflag:$0x3] =	sbarrier.arrive $0xFFFF  }
0x71: {  	_ =	shalt  }

</sc_bundles>
